<compile_context>
chip_gen: v7x
topology: tpu7x:2x2x1
jax: 0.10.2.dev20260603
libtpu: 0.0.44.dev20260713+nightly
codegen_flags: <defaults>
</compile_context>

<pallas_src>
import functools

import jax
import jax.numpy as jnp
from jax import lax
from jax.experimental import pallas as pl
from jax.experimental.pallas import tpu as pltpu
from jax.experimental.pallas import tpu_sc as plsc

N = 10000
E = 320000
D = 128

NC, NS = 2, 16
NW = NC * NS
K = 128
C = 80
EPT = C * K
E_PAD = NW * EPT
N_PAD = 10112
SLAB = N_PAD // NS
BLK = 1264
RING = 16
N_DEG = 10240
SLAB_DEG = N_DEG // NS
MROWS = (C + 1) * K

_mesh = plsc.VectorSubcoreMesh(core_axis_name="c", subcore_axis_name="s")



@functools.partial(
    pl.kernel,
    out_type=jax.ShapeDtypeStruct((NC, 2, N_DEG), jnp.float32),
    mesh=_mesh,
    scratch_types=[
        pltpu.VMEM((C, K), jnp.int32),
        pltpu.VMEM((C, K), jnp.int32),
        pltpu.VMEM((K,), jnp.float32),
        pltpu.VMEM_SHARED((N_DEG,), jnp.float32),
        pltpu.VMEM_SHARED((N_DEG,), jnp.float32),
        pltpu.SemaphoreType.DMA,
        pltpu.SemaphoreType.DMA,
    ],
)
def _deg_kernel(src_hbm, dst_hbm, zeros1_hbm, out_hbm, src_v, dst_v, ones_v,
                do_sh, di_sh, sem_a, sem_b):
    cid = lax.axis_index("c")
    sid = lax.axis_index("s")
    w = cid * NS + sid
    sl = pl.ds(sid * SLAB_DEG, SLAB_DEG)
    pltpu.sync_copy(zeros1_hbm.at[pl.ds(0, SLAB_DEG)], do_sh.at[sl])
    pltpu.sync_copy(zeros1_hbm.at[pl.ds(0, SLAB_DEG)], di_sh.at[sl])
    for i in range(K // 16):
        ones_v[pl.ds(i * 16, 16)] = jnp.ones((16,), jnp.float32)
    pltpu.sync_copy(src_hbm.at[w], src_v)
    pltpu.sync_copy(dst_hbm.at[w], dst_v)
    plsc.subcore_barrier()

    pltpu.async_copy(ones_v, do_sh.at[src_v.at[0]], sem_a, add=True)
    pltpu.async_copy(ones_v, di_sh.at[dst_v.at[0]], sem_b, add=True)

    @pl.loop(1, C)
    def _(c):
        pltpu.async_copy(ones_v, do_sh.at[src_v.at[c]], sem_a, add=True)
        pltpu.async_copy(ones_v, di_sh.at[dst_v.at[c]], sem_b, add=True)
        pltpu.make_async_copy(zeros1_hbm.at[pl.ds(0, K)], ones_v, sem_a).wait()
        pltpu.make_async_copy(zeros1_hbm.at[pl.ds(0, K)], ones_v, sem_b).wait()

    pltpu.make_async_copy(zeros1_hbm.at[pl.ds(0, K)], ones_v, sem_a).wait()
    pltpu.make_async_copy(zeros1_hbm.at[pl.ds(0, K)], ones_v, sem_b).wait()

    plsc.subcore_barrier()
    pltpu.sync_copy(do_sh.at[sl], out_hbm.at[cid, 0, sl])
    pltpu.sync_copy(di_sh.at[sl], out_hbm.at[cid, 1, sl])


@functools.partial(
    pl.kernel,
    out_type=[
        jax.ShapeDtypeStruct((NC, N_PAD, D), jnp.float32),
        jax.ShapeDtypeStruct((NC, NS, MROWS, D), jnp.float32),
    ],
    mesh=_mesh,
    scratch_types=[
        pltpu.VMEM((C + 8, K), jnp.int32),
        pltpu.VMEM((2 * RING, K), jnp.int32),
        pltpu.VMEM((2, K, D), jnp.float32),
        pltpu.VMEM_SHARED((N_PAD, D), jnp.float32),
        pltpu.SemaphoreType.DMA,
        pltpu.SemaphoreType.DMA,
        pltpu.SemaphoreType.DMA,
    ],
)
def _gs_kernel(h_hbm, src_hbm, dst_hbm, z2_hbm, out_hbm, msg_hbm,
               src_v, dst_rr, rows_v, tab_sh, sem0, sem1, sem2):
    cid = lax.axis_index("c")
    sid = lax.axis_index("s")
    sl = pl.ds(sid * SLAB, SLAB)
    pltpu.sync_copy(src_hbm.at[cid, sid], src_v)
    pltpu.sync_copy(h_hbm.at[sl], tab_sh.at[sl])
    plsc.subcore_barrier()

    pltpu.async_copy(tab_sh.at[src_v.at[0]], rows_v.at[0], sem0)

    @pl.loop(0, C, step=2)
    def _(c):
        for b in range(2):
            ch = c + b
            sem_cur, sem_nxt = (sem0, sem1) if b == 0 else (sem1, sem0)
            pltpu.async_copy(tab_sh.at[src_v.at[ch + 1]], rows_v.at[1 - b], sem_nxt)
            pltpu.make_async_copy(h_hbm.at[pl.ds(0, K)], rows_v.at[b], sem_cur).wait()
            pltpu.sync_copy(rows_v.at[b], msg_hbm.at[cid, sid, pl.ds(ch * K, K)])

    pltpu.make_async_copy(h_hbm.at[pl.ds(0, K)], rows_v.at[0], sem0).wait()

    plsc.subcore_barrier()
    pltpu.sync_copy(z2_hbm, tab_sh.at[sl])
    pltpu.sync_copy(dst_hbm.at[cid, sid, pl.ds(0, 2 * RING)], dst_rr)
    plsc.subcore_barrier()

    pltpu.async_copy(msg_hbm.at[cid, sid, pl.ds(0, K)], rows_v.at[0], sem0)

    @pl.loop(0, C, step=RING)
    def _(g0):
        @pl.when(g0 > 0)
        def _():
            half = pl.ds(lax.rem(g0, 2 * RING), RING)
            pltpu.make_async_copy(dst_hbm.at[cid, sid, half], dst_rr.at[half],
                                  sem2).wait()

        @pl.when(g0 < C - RING)
        def _():
            nxt = pl.ds(g0 + RING, RING)
            half = pl.ds(lax.rem(g0 + RING, 2 * RING), RING)
            pltpu.async_copy(dst_hbm.at[cid, sid, nxt], dst_rr.at[half], sem2)

        @pl.loop(0, RING, step=2)
        def _(c):
            for b in range(2):
                ch = g0 + c + b
                sem_cur, sem_nxt = (sem0, sem1) if b == 0 else (sem1, sem0)
                slot_c = lax.rem(ch, 2 * RING)
                pltpu.async_copy(msg_hbm.at[cid, sid, pl.ds((ch + 1) * K, K)],
                                 rows_v.at[1 - b], sem_nxt)
                pltpu.make_async_copy(h_hbm.at[pl.ds(0, K)], rows_v.at[b],
                                      sem_cur).wait()
                pltpu.sync_copy(rows_v.at[b], tab_sh.at[dst_rr.at[slot_c]], add=True)

    pltpu.make_async_copy(h_hbm.at[pl.ds(0, K)], rows_v.at[0], sem0).wait()

    plsc.subcore_barrier()
    pltpu.sync_copy(tab_sh.at[sl], out_hbm.at[cid, sl])



def _mmraw_body(x_ref, w_ref, o_ref):
    o_ref[...] = jnp.dot(x_ref[...], w_ref[...], preferred_element_type=jnp.float32)


def _scale_body(h_ref, degp_ref, o_ref):
    dout = degp_ref[0, 0] + degp_ref[1, 0]
    nout = jnp.where(dout > 0, lax.rsqrt(dout), 0.0)
    o_ref[...] = h_ref[...] * nout


def _mid_body(aggp_ref, degp_ref, b1_ref, w2_ref, o_ref):
    agg = aggp_ref[0] + aggp_ref[1]
    din = degp_ref[0, 1] + degp_ref[1, 1]
    dout = degp_ref[0, 0] + degp_ref[1, 0]
    nin = jnp.where(din > 0, lax.rsqrt(din), 0.0)
    nout = jnp.where(dout > 0, lax.rsqrt(dout), 0.0)
    z = jnp.maximum(agg * nin + b1_ref[...], 0.0)
    o_ref[...] = jnp.dot(z, w2_ref[...], preferred_element_type=jnp.float32) * nout


def _final_body(aggp_ref, degp_ref, b2_ref, o_ref):
    agg = aggp_ref[0] + aggp_ref[1]
    din = degp_ref[0, 1] + degp_ref[1, 1]
    nin = jnp.where(din > 0, lax.rsqrt(din), 0.0)
    o_ref[...] = agg * nin + b2_ref[...]


def _mmraw(x_pad, W1):
    grid = (N_PAD // BLK,)
    return pl.pallas_call(
        _mmraw_body,
        grid=grid,
        in_specs=[
            pl.BlockSpec((BLK, D), lambda i: (i, 0)),
            pl.BlockSpec((D, D), lambda i: (0, 0)),
        ],
        out_specs=pl.BlockSpec((BLK, D), lambda i: (i, 0)),
        out_shape=jax.ShapeDtypeStruct((N_PAD, D), jnp.float32),
    )(x_pad, W1)


def _scale(h_raw, degp_r):
    grid = (N_PAD // BLK,)
    return pl.pallas_call(
        _scale_body,
        grid=grid,
        in_specs=[
            pl.BlockSpec((BLK, D), lambda i: (i, 0)),
            pl.BlockSpec((NC, 2, BLK, 1), lambda i: (0, 0, i, 0)),
        ],
        out_specs=pl.BlockSpec((BLK, D), lambda i: (i, 0)),
        out_shape=jax.ShapeDtypeStruct((N_PAD, D), jnp.float32),
    )(h_raw, degp_r)


def _mid(aggp, degp_r, b1r, W2):
    grid = (N_PAD // BLK,)
    return pl.pallas_call(
        _mid_body,
        grid=grid,
        in_specs=[
            pl.BlockSpec((NC, BLK, D), lambda i: (0, i, 0)),
            pl.BlockSpec((NC, 2, BLK, 1), lambda i: (0, 0, i, 0)),
            pl.BlockSpec((1, D), lambda i: (0, 0)),
            pl.BlockSpec((D, D), lambda i: (0, 0)),
        ],
        out_specs=pl.BlockSpec((BLK, D), lambda i: (i, 0)),
        out_shape=jax.ShapeDtypeStruct((N_PAD, D), jnp.float32),
    )(aggp, degp_r, b1r, W2)


def _final(aggp, degp_r, b2r):
    B2 = 2000
    grid = (N // B2,)
    return pl.pallas_call(
        _final_body,
        grid=grid,
        in_specs=[
            pl.BlockSpec((NC, B2, D), lambda i: (0, i, 0)),
            pl.BlockSpec((NC, 2, B2, 1), lambda i: (0, 0, i, 0)),
            pl.BlockSpec((1, D), lambda i: (0, 0)),
        ],
        out_specs=pl.BlockSpec((B2, D), lambda i: (i, 0)),
        out_shape=jax.ShapeDtypeStruct((N, D), jnp.float32),
    )(aggp, degp_r, b2r)



def kernel(features, edge_index, W1, b1, W2, b2):
    src = edge_index[0].astype(jnp.int32)
    dst = edge_index[1].astype(jnp.int32)
    padw = EPT - E // NW
    junk = N + (jnp.arange(padw, dtype=jnp.int32) % (N_PAD - N))
    junk2 = jnp.tile(junk, (NW, 1))
    src3 = jnp.concatenate([src.reshape(NW, E // NW), junk2], axis=1).reshape(NW, C, K)
    dst3 = jnp.concatenate([dst.reshape(NW, E // NW), junk2], axis=1).reshape(NW, C, K)
    src4 = src3.reshape(NC, NS, C, K)
    dst4 = dst3.reshape(NC, NS, C, K)
    src4p = jnp.concatenate([src4, jnp.zeros((NC, NS, 8, K), jnp.int32)], axis=2)
    zeros1 = jnp.zeros((N_DEG,), jnp.float32)
    zeros2 = jnp.zeros((SLAB, D), jnp.float32)
    x_pad = jnp.pad(features, ((0, N_PAD - N), (0, 0)))

    h_raw = _mmraw(x_pad, W1)
    degp = _deg_kernel(src3, dst3, zeros1)
    degp_r = degp.reshape(NC, 2, N_DEG, 1)

    h1 = _scale(h_raw, degp_r)
    agg1, _ = _gs_kernel(h1, src4p, dst4, zeros2)
    h2 = _mid(agg1, degp_r, b1.reshape(1, D), W2)
    agg2, _ = _gs_kernel(h2, src4p, dst4, zeros2)
    return _final(agg2, degp_r, b2.reshape(1, D))

# --- scband reference (transcript-rebuilt; emitter-appended) ---
"""Pipeline reference for scband-gnnmlp-83219286327804 (READ-ONLY COPY).

The authoritative reference and input builder live on the scoring server;
editing this copy changes nothing except your own understanding.
"""

import jax, jax.numpy as jnp
import numpy as np

N_NODES = 10000
N_EDGES = 320000
D_FEAT = 128


def setup_inputs(seed: int = 0) -> dict:
    key = jax.random.key(seed)
    k1, k2, k3, k4 = jax.random.split(key, 4)
    features = jax.random.normal(k1, (N_NODES, D_FEAT), dtype=jnp.float32)
    edge_index = jax.random.randint(k2, (2, N_EDGES), 0, N_NODES, dtype=jnp.int64)
    # Learned parameters: two DGL-style GraphConv layers (xavier-like init)
    scale = (6.0 / (D_FEAT + D_FEAT)) ** 0.5
    W1 = jax.random.uniform(k3, (D_FEAT, D_FEAT), dtype=jnp.float32, minval=-scale, maxval=scale)
    W2 = jax.random.uniform(k4, (D_FEAT, D_FEAT), dtype=jnp.float32, minval=-scale, maxval=scale)
    b1 = jnp.zeros((D_FEAT,), dtype=jnp.float32)
    b2 = jnp.zeros((D_FEAT,), dtype=jnp.float32)
    return {"features": features, "edge_index": edge_index, "W1": W1, "b1": b1, "W2": W2, "b2": b2}


def _gcn_layer(x, src, dst, W, b, n_nodes):
    # DGL GraphConv with norm='both':
    #   out = D_in^{-1/2} A D_out^{-1/2} (X W) + b
    deg_out = jnp.bincount(src, length=n_nodes).astype(x.dtype)
    deg_in = jnp.bincount(dst, length=n_nodes).astype(x.dtype)
    norm_out = jnp.where(deg_out > 0, deg_out ** -0.5, 0.0)
    norm_in = jnp.where(deg_in > 0, deg_in ** -0.5, 0.0)
    h = x @ W
    h = h * norm_out[:, None]
    msg = jnp.take(h, src, axis=0)
    agg = jax.ops.segment_sum(msg, dst, num_segments=n_nodes)
    return agg * norm_in[:, None] + b


def reference(features, edge_index, W1, b1, W2, b2):
    # GNNMLP with enable_gcn=True, enable_mlp=False, top_is_proj=False,
    # opt['function']='gcn_dgl', gcn_non_lin=True, dropout=0 (identity):
    # stack = [Dropout, GraphConv(128,128), ReLU, Dropout, GraphConv(128,128)]
    src = edge_index[0]
    dst = edge_index[1]
    n_nodes = features.shape[0]
    h = _gcn_layer(features, src, dst, W1, b1, n_nodes)
    h = jax.nn.relu(h)
    out = _gcn_layer(h, src, dst, W2, b2, n_nodes)
    return out

if __name__ == "__main__":
    import jax
    _d = setup_inputs()
    print(jax.jit(kernel)(*tuple(_d.values())))

</pallas_src>

<mosaic_0001>
#map = affine_map<(d0, d1) -> (0, 0, 0)>
#map1 = affine_map<(d0, d1) -> (0)>
module attributes {stable_mosaic.version = 14 : i64} {
  func.func @_deg_kernel(%arg0: i32, %arg1: i32, %arg2: memref<32x80x128xi32, #tpu.memory_space<hbm>>, %arg3: memref<32x80x128xi32, #tpu.memory_space<hbm>>, %arg4: memref<10240xf32, #tpu.memory_space<hbm>>, %arg5: memref<2x2x10240xf32, #tpu.memory_space<hbm>>, %arg6: memref<80x128xi32, #tpu.memory_space<vmem>>, %arg7: memref<80x128xi32, #tpu.memory_space<vmem>>, %arg8: memref<128xf32, #tpu.memory_space<vmem>>, %arg9: memref<10240xf32, #tpu.memory_space<vmem_shared>>, %arg10: memref<10240xf32, #tpu.memory_space<vmem_shared>>, %arg11: memref<!tpu.dma_semaphore, #tpu.memory_space<semaphore_mem>>, %arg12: memref<!tpu.dma_semaphore, #tpu.memory_space<semaphore_mem>>) attributes {dimension_semantics = [#tpu.dimension_semantics<core_parallel>, #tpu.dimension_semantics<subcore_parallel>], iteration_bounds = array<i64: 2, 16>, scalar_prefetch = 0 : i64, scratch_operands = 7 : i64, tpu.core_type = #tpu.core_type<sc_vector_subcore>, window_params = [{transform_indices = #map}, {transform_indices = #map}, {transform_indices = #map1}, {transform_indices = #map}]} {
    %mul3A = arith.constant 16 : i32
    %mul3A_0 = arith.muli %arg0, %mul3A : i32
    %add3A = arith.addi %mul3A_0, %arg1 : i32
    %mul3A_1 = arith.constant 640 : i32
    %mul3A_2 = arith.muli %arg1, %mul3A_1 : i32
    "tpu.region"() ({
      %run_scoped3A_73 = tpu.sem_alloc : memref<!tpu.dma_semaphore, #tpu.memory_space<semaphore_mem>>
      %dma_start3A_74 = tpu.memref_slice %arg9[%mul3A_2] : memref<10240xf32, #tpu.memory_space<vmem_shared>> -> memref<640xf32, #tpu.memory_space<vmem_shared>>
      %dma_start3A_75 = arith.constant 0 : i32
      %dma_start3A_76 = tpu.memref_slice %arg4[%dma_start3A_75] : memref<10240xf32, #tpu.memory_space<hbm>> -> memref<640xf32, #tpu.memory_space<hbm>>
      tpu.enqueue_dma source(%dma_start3A_76 : memref<640xf32, #tpu.memory_space<hbm>>) target(%dma_start3A_74 : memref<640xf32, #tpu.memory_space<vmem_shared>>) target_semaphore(%run_scoped3A_73 : memref<!tpu.dma_semaphore, #tpu.memory_space<semaphore_mem>>)
      %dma_wait3A_77 = tpu.memref_slice %arg9[%mul3A_2] : memref<10240xf32, #tpu.memory_space<vmem_shared>> -> memref<640xf32, #tpu.memory_space<vmem_shared>>
      %dma_wait3A_78 = arith.constant 0 : i32
      %dma_wait3A_79 = tpu.memref_slice %arg4[%dma_wait3A_78] : memref<10240xf32, #tpu.memory_space<hbm>> -> memref<640xf32, #tpu.memory_space<hbm>>
      tpu.wait_dma2 semaphore(%run_scoped3A_73 : memref<!tpu.dma_semaphore, #tpu.memory_space<semaphore_mem>>) src(%dma_wait3A_79 : memref<640xf32, #tpu.memory_space<hbm>>) dst(%dma_wait3A_77 : memref<640xf32, #tpu.memory_space<vmem_shared>>)
      tpu.yield
    }) : () -> ()
    "tpu.region"() ({
      %run_scoped3A_73 = tpu.sem_alloc : memref<!tpu.dma_semaphore, #tpu.memory_space<semaphore_mem>>
      %dma_start3A_74 = tpu.memref_slice %arg10[%mul3A_2] : memref<10240xf32, #tpu.memory_space<vmem_shared>> -> memref<640xf32, #tpu.memory_space<vmem_shared>>
      %dma_start3A_75 = arith.constant 0 : i32
      %dma_start3A_76 = tpu.memref_slice %arg4[%dma_start3A_75] : memref<10240xf32, #tpu.memory_space<hbm>> -> memref<640xf32, #tpu.memory_space<hbm>>
      tpu.enqueue_dma source(%dma_start3A_76 : memref<640xf32, #tpu.memory_space<hbm>>) target(%dma_start3A_74 : memref<640xf32, #tpu.memory_space<vmem_shared>>) target_semaphore(%run_scoped3A_73 : memref<!tpu.dma_semaphore, #tpu.memory_space<semaphore_mem>>)
      %dma_wait3A_77 = tpu.memref_slice %arg10[%mul3A_2] : memref<10240xf32, #tpu.memory_space<vmem_shared>> -> memref<640xf32, #tpu.memory_space<vmem_shared>>
      %dma_wait3A_78 = arith.constant 0 : i32
      %dma_wait3A_79 = tpu.memref_slice %arg4[%dma_wait3A_78] : memref<10240xf32, #tpu.memory_space<hbm>> -> memref<640xf32, #tpu.memory_space<hbm>>
      tpu.wait_dma2 semaphore(%run_scoped3A_73 : memref<!tpu.dma_semaphore, #tpu.memory_space<semaphore_mem>>) src(%dma_wait3A_79 : memref<640xf32, #tpu.memory_space<hbm>>) dst(%dma_wait3A_77 : memref<640xf32, #tpu.memory_space<vmem_shared>>)
      tpu.yield
    }) : () -> ()
    %broadcast_in_dim3A = arith.constant 1.000000e+00 : f32
    %broadcast_in_dim3A_3 = vector.broadcast %broadcast_in_dim3A : f32 to vector<16xf32>
    %swap3A = arith.constant 0 : index
    %swap3A_4 = tpu.vector_load %arg8[%swap3A] {strides = array<i32>} : memref<128xf32, #tpu.memory_space<vmem>>, vector<16xf32>,
    %swap3A_5 = vector.shape_cast %swap3A_4 : vector<16xf32> to vector<16xf32>
    %swap3A_6 = vector.shape_cast %broadcast_in_dim3A_3 : vector<16xf32> to vector<16xf32>
    tpu.vector_store %arg8[%swap3A], %swap3A_6 {strides = array<i32>} : memref<128xf32, #tpu.memory_space<vmem>>, vector<16xf32>,
    %broadcast_in_dim3A_7 = arith.constant 1.000000e+00 : f32
    %broadcast_in_dim3A_8 = vector.broadcast %broadcast_in_dim3A_7 : f32 to vector<16xf32>
    %swap3A_9 = arith.constant 16 : index
    %swap3A_10 = tpu.vector_load %arg8[%swap3A_9] {strides = array<i32>} : memref<128xf32, #tpu.memory_space<vmem>>, vector<16xf32>,
    %swap3A_11 = vector.shape_cast %swap3A_10 : vector<16xf32> to vector<16xf32>
    %swap3A_12 = vector.shape_cast %broadcast_in_dim3A_8 : vector<16xf32> to vector<16xf32>
    tpu.vector_store %arg8[%swap3A_9], %swap3A_12 {strides = array<i32>} : memref<128xf32, #tpu.memory_space<vmem>>, vector<16xf32>,
    %broadcast_in_dim3A_13 = arith.constant 1.000000e+00 : f32
    %broadcast_in_dim3A_14 = vector.broadcast %broadcast_in_dim3A_13 : f32 to vector<16xf32>
    %swap3A_15 = arith.constant 32 : index
    %swap3A_16 = tpu.vector_load %arg8[%swap3A_15] {strides = array<i32>} : memref<128xf32, #tpu.memory_space<vmem>>, vector<16xf32>,
    %swap3A_17 = vector.shape_cast %swap3A_16 : vector<16xf32> to vector<16xf32>
    %swap3A_18 = vector.shape_cast %broadcast_in_dim3A_14 : vector<16xf32> to vector<16xf32>
    tpu.vector_store %arg8[%swap3A_15], %swap3A_18 {strides = array<i32>} : memref<128xf32, #tpu.memory_space<vmem>>, vector<16xf32>,
    %broadcast_in_dim3A_19 = arith.constant 1.000000e+00 : f32
    %broadcast_in_dim3A_20 = vector.broadcast %broadcast_in_dim3A_19 : f32 to vector<16xf32>
    %swap3A_21 = arith.constant 48 : index
    %swap3A_22 = tpu.vector_load %arg8[%swap3A_21] {strides = array<i32>} : memref<128xf32, #tpu.memory_space<vmem>>, vector<16xf32>,
    %swap3A_23 = vector.shape_cast %swap3A_22 : vector<16xf32> to vector<16xf32>
    %swap3A_24 = vector.shape_cast %broadcast_in_dim3A_20 : vector<16xf32> to vector<16xf32>
    tpu.vector_store %arg8[%swap3A_21], %swap3A_24 {strides = array<i32>} : memref<128xf32, #tpu.memory_space<vmem>>, vector<16xf32>,
    %broadcast_in_dim3A_25 = arith.constant 1.000000e+00 : f32
    %broadcast_in_dim3A_26 = vector.broadcast %broadcast_in_dim3A_25 : f32 to vector<16xf32>
    %swap3A_27 = arith.constant 64 : index
    %swap3A_28 = tpu.vector_load %arg8[%swap3A_27] {strides = array<i32>} : memref<128xf32, #tpu.memory_space<vmem>>, vector<16xf32>,
    %swap3A_29 = vector.shape_cast %swap3A_28 : vector<16xf32> to vector<16xf32>
    %swap3A_30 = vector.shape_cast %broadcast_in_dim3A_26 : vector<16xf32> to vector<16xf32>
    tpu.vector_store %arg8[%swap3A_27], %swap3A_30 {strides = array<i32>} : memref<128xf32, #tpu.memory_space<vmem>>, vector<16xf32>,
    %broadcast_in_dim3A_31 = arith.constant 1.000000e+00 : f32
    %broadcast_in_dim3A_32 = vector.broadcast %broadcast_in_dim3A_31 : f32 to vector<16xf32>
    %swap3A_33 = arith.constant 80 : index
    %swap3A_34 = tpu.vector_load %arg8[%swap3A_33] {strides = array<i32>} : memref<128xf32, #tpu.memory_space<vmem>>, vector<16xf32>,
    %swap3A_35 = vector.shape_cast %swap3A_34 : vector<16xf32> to vector<16xf32>
    %swap3A_36 = vector.shape_cast %broadcast_in_dim3A_32 : vector<16xf32> to vector<16xf32>
    tpu.vector_store %arg8[%swap3A_33], %swap3A_36 {strides = array<i32>} : memref<128xf32, #tpu.memory_space<vmem>>, vector<16xf32>,
    %broadcast_in_dim3A_37 = arith.constant 1.000000e+00 : f32
    %broadcast_in_dim3A_38 = vector.broadcast %broadcast_in_dim3A_37 : f32 to vector<16xf32>
    %swap3A_39 = arith.constant 96 : index
    %swap3A_40 = tpu.vector_load %arg8[%swap3A_39] {strides = array<i32>} : memref<128xf32, #tpu.memory_space<vmem>>, vector<16xf32>,
    %swap3A_41 = vector.shape_cast %swap3A_40 : vector<16xf32> to vector<16xf32>
    %swap3A_42 = vector.shape_cast %broadcast_in_dim3A_38 : vector<16xf32> to vector<16xf32>
    tpu.vector_store %arg8[%swap3A_39], %swap3A_42 {strides = array<i32>} : memref<128xf32, #tpu.memory_space<vmem>>, vector<16xf32>,
    %broadcast_in_dim3A_43 = arith.constant 1.000000e+00 : f32
    %broadcast_in_dim3A_44 = vector.broadcast %broadcast_in_dim3A_43 : f32 to vector<16xf32>
    %swap3A_45 = arith.constant 112 : index
    %swap3A_46 = tpu.vector_load %arg8[%swap3A_45] {strides = array<i32>} : memref<128xf32, #tpu.memory_space<vmem>>, vector<16xf32>,
    %swap3A_47 = vector.shape_cast %swap3A_46 : vector<16xf32> to vector<16xf32>
    %swap3A_48 = vector.shape_cast %broadcast_in_dim3A_44 : vector<16xf32> to vector<16xf32>
    tpu.vector_store %arg8[%swap3A_45], %swap3A_48 {strides = array<i32>} : memref<128xf32, #tpu.memory_space<vmem>>, vector<16xf32>,
    "tpu.region"() ({
      %run_scoped3A_73 = tpu.sem_alloc : memref<!tpu.dma_semaphore, #tpu.memory_space<semaphore_mem>>
      %dma_start3A_74 = arith.constant 0 : i32
      %dma_start3A_75 = arith.constant 0 : i32
      %dma_start3A_76 = tpu.memref_slice %arg2[%add3A, %dma_start3A_74, %dma_start3A_75] : memref<32x80x128xi32, #tpu.memory_space<hbm>> -> memref<1x80x128xi32, #tpu.memory_space<hbm>>
      %dma_start3A_77 = tpu.memref_squeeze %dma_start3A_76 : memref<1x80x128xi32, #tpu.memory_space<hbm>> -> memref<80x128xi32, #tpu.memory_space<hbm>>
      %dma_start3A_78 = arith.constant 0 : i32
      %dma_start3A_79 = arith.constant 0 : i32
      %dma_start3A_80 = tpu.memref_slice %arg2[%add3A, %dma_start3A_78, %dma_start3A_79] : memref<32x80x128xi32, #tpu.memory_space<hbm>> -> memref<1x80x128xi32, #tpu.memory_space<hbm>>
      %dma_start3A_81 = tpu.memref_squeeze %dma_start3A_80 : memref<1x80x128xi32, #tpu.memory_space<hbm>> -> memref<80x128xi32, #tpu.memory_space<hbm>>
      tpu.enqueue_dma source(%dma_start3A_81 : memref<80x128xi32, #tpu.memory_space<hbm>>) target(%arg6 : memref<80x128xi32, #tpu.memory_space<vmem>>) target_semaphore(%run_scoped3A_73 : memref<!tpu.dma_semaphore, #tpu.memory_space<semaphore_mem>>)
      %dma_wait3A_82 = arith.constant 0 : i32
      %dma_wait3A_83 = arith.constant 0 : i32
      %dma_wait3A_84 = tpu.memref_slice %arg2[%add3A, %dma_wait3A_82, %dma_wait3A_83] : memref<32x80x128xi32, #tpu.memory_space<hbm>> -> memref<1x80x128xi32, #tpu.memory_space<hbm>>
      %dma_wait3A_85 = tpu.memref_squeeze %dma_wait3A_84 : memref<1x80x128xi32, #tpu.memory_space<hbm>> -> memref<80x128xi32, #tpu.memory_space<hbm>>
      %dma_wait3A_86 = arith.constant 0 : i32
      %dma_wait3A_87 = arith.constant 0 : i32
      %dma_wait3A_88 = tpu.memref_slice %arg2[%add3A, %dma_wait3A_86, %dma_wait3A_87] : memref<32x80x128xi32, #tpu.memory_space<hbm>> -> memref<1x80x128xi32, #tpu.memory_space<hbm>>
      %dma_wait3A_89 = tpu.memref_squeeze %dma_wait3A_88 : memref<1x80x128xi32, #tpu.memory_space<hbm>> -> memref<80x128xi32, #tpu.memory_space<hbm>>
      tpu.wait_dma2 semaphore(%run_scoped3A_73 : memref<!tpu.dma_semaphore, #tpu.memory_space<semaphore_mem>>) src(%dma_wait3A_89 : memref<80x128xi32, #tpu.memory_space<hbm>>) dst(%arg6 : memref<80x128xi32, #tpu.memory_space<vmem>>)
      tpu.yield
    }) : () -> ()
    "tpu.region"() ({
      %run_scoped3A_73 = tpu.sem_alloc : memref<!tpu.dma_semaphore, #tpu.memory_space<semaphore_mem>>
      %dma_start3A_74 = arith.constant 0 : i32
      %dma_start3A_75 = arith.constant 0 : i32
      %dma_start3A_76 = tpu.memref_slice %arg3[%add3A, %dma_start3A_74, %dma_start3A_75] : memref<32x80x128xi32, #tpu.memory_space<hbm>> -> memref<1x80x128xi32, #tpu.memory_space<hbm>>
      %dma_start3A_77 = tpu.memref_squeeze %dma_start3A_76 : memref<1x80x128xi32, #tpu.memory_space<hbm>> -> memref<80x128xi32, #tpu.memory_space<hbm>>
      %dma_start3A_78 = arith.constant 0 : i32
      %dma_start3A_79 = arith.constant 0 : i32
      %dma_start3A_80 = tpu.memref_slice %arg3[%add3A, %dma_start3A_78, %dma_start3A_79] : memref<32x80x128xi32, #tpu.memory_space<hbm>> -> memref<1x80x128xi32, #tpu.memory_space<hbm>>
      %dma_start3A_81 = tpu.memref_squeeze %dma_start3A_80 : memref<1x80x128xi32, #tpu.memory_space<hbm>> -> memref<80x128xi32, #tpu.memory_space<hbm>>
      tpu.enqueue_dma source(%dma_start3A_81 : memref<80x128xi32, #tpu.memory_space<hbm>>) target(%arg7 : memref<80x128xi32, #tpu.memory_space<vmem>>) target_semaphore(%run_scoped3A_73 : memref<!tpu.dma_semaphore, #tpu.memory_space<semaphore_mem>>)
      %dma_wait3A_82 = arith.constant 0 : i32
      %dma_wait3A_83 = arith.constant 0 : i32
      %dma_wait3A_84 = tpu.memref_slice %arg3[%add3A, %dma_wait3A_82, %dma_wait3A_83] : memref<32x80x128xi32, #tpu.memory_space<hbm>> -> memref<1x80x128xi32, #tpu.memory_space<hbm>>
      %dma_wait3A_85 = tpu.memref_squeeze %dma_wait3A_84 : memref<1x80x128xi32, #tpu.memory_space<hbm>> -> memref<80x128xi32, #tpu.memory_space<hbm>>
      %dma_wait3A_86 = arith.constant 0 : i32
      %dma_wait3A_87 = arith.constant 0 : i32
      %dma_wait3A_88 = tpu.memref_slice %arg3[%add3A, %dma_wait3A_86, %dma_wait3A_87] : memref<32x80x128xi32, #tpu.memory_space<hbm>> -> memref<1x80x128xi32, #tpu.memory_space<hbm>>
      %dma_wait3A_89 = tpu.memref_squeeze %dma_wait3A_88 : memref<1x80x128xi32, #tpu.memory_space<hbm>> -> memref<80x128xi32, #tpu.memory_space<hbm>>
      tpu.wait_dma2 semaphore(%run_scoped3A_73 : memref<!tpu.dma_semaphore, #tpu.memory_space<semaphore_mem>>) src(%dma_wait3A_89 : memref<80x128xi32, #tpu.memory_space<hbm>>) dst(%arg7 : memref<80x128xi32, #tpu.memory_space<vmem>>)
      tpu.yield
    }) : () -> ()
    %barrier3A = arith.constant 0 : index
    tpu.barrier barrier_id(%barrier3A)
    %dma_start3A = arith.constant 0 : i32
    %dma_start3A_49 = arith.constant 0 : i32
    %dma_start3A_50 = tpu.memref_slice %arg6[%dma_start3A, %dma_start3A_49] : memref<80x128xi32, #tpu.memory_space<vmem>> -> memref<1x128xi32, #tpu.memory_space<vmem>>
    %dma_start3A_51 = tpu.memref_squeeze %dma_start3A_50 : memref<1x128xi32, #tpu.memory_space<vmem>> -> memref<128xi32, #tpu.memory_space<vmem>>
    %dma_start3A_52 = arith.constant 0 : i32
    %dma_start3A_53 = tpu.memref_slice %arg9[%dma_start3A_52] : memref<10240xf32, #tpu.memory_space<vmem_shared>> -> memref<10240xf32, #tpu.memory_space<vmem_shared>>
    tpu.enqueue_indirect_dma source(%arg8 : memref<128xf32, #tpu.memory_space<vmem>>) target(%dma_start3A_53 : memref<10240xf32, #tpu.memory_space<vmem_shared>>) offsets(%dma_start3A_51 : memref<128xi32, #tpu.memory_space<vmem>>) semaphore(%arg11 : memref<!tpu.dma_semaphore, #tpu.memory_space<semaphore_mem>>) {add = true}
    %dma_start3A_54 = arith.constant 0 : i32
    %dma_start3A_55 = arith.constant 0 : i32
    %dma_start3A_56 = tpu.memref_slice %arg7[%dma_start3A_54, %dma_start3A_55] : memref<80x128xi32, #tpu.memory_space<vmem>> -> memref<1x128xi32, #tpu.memory_space<vmem>>
    %dma_start3A_57 = tpu.memref_squeeze %dma_start3A_56 : memref<1x128xi32, #tpu.memory_space<vmem>> -> memref<128xi32, #tpu.memory_space<vmem>>
    %dma_start3A_58 = arith.constant 0 : i32
    %dma_start3A_59 = tpu.memref_slice %arg10[%dma_start3A_58] : memref<10240xf32, #tpu.memory_space<vmem_shared>> -> memref<10240xf32, #tpu.memory_space<vmem_shared>>
    tpu.enqueue_indirect_dma source(%arg8 : memref<128xf32, #tpu.memory_space<vmem>>) target(%dma_start3A_59 : memref<10240xf32, #tpu.memory_space<vmem_shared>>) offsets(%dma_start3A_57 : memref<128xi32, #tpu.memory_space<vmem>>) semaphore(%arg12 : memref<!tpu.dma_semaphore, #tpu.memory_space<semaphore_mem>>) {add = true}
    %scan3A = arith.constant 0 : i32
    %scan3A_60 = arith.constant 79 : i32
    %scan3A_61 = arith.addi %scan3A, %scan3A_60 : i32
    %scan3A_62 = arith.constant 1 : i32
    scf.for %scan3A_73 = %scan3A to %scan3A_61 step %scan3A_62  : i32 {
      %mul3A_74 = arith.constant 1 : i32
      %mul3A_75 = arith.muli %scan3A_73, %mul3A_74 : i32
      %add3A_76 = arith.constant 1 : i32
      %add3A_77 = arith.addi %add3A_76, %mul3A_75 : i32
      %dma_start3A_78 = arith.constant 0 : i32
      %dma_start3A_79 = tpu.memref_slice %arg6[%add3A_77, %dma_start3A_78] : memref<80x128xi32, #tpu.memory_space<vmem>> -> memref<1x128xi32, #tpu.memory_space<vmem>>
      %dma_start3A_80 = tpu.memref_squeeze %dma_start3A_79 : memref<1x128xi32, #tpu.memory_space<vmem>> -> memref<128xi32, #tpu.memory_space<vmem>>
      %dma_start3A_81 = arith.constant 0 : i32
      %dma_start3A_82 = tpu.memref_slice %arg9[%dma_start3A_81] : memref<10240xf32, #tpu.memory_space<vmem_shared>> -> memref<10240xf32, #tpu.memory_space<vmem_shared>>
      tpu.enqueue_indirect_dma source(%arg8 : memref<128xf32, #tpu.memory_space<vmem>>) target(%dma_start3A_82 : memref<10240xf32, #tpu.memory_space<vmem_shared>>) offsets(%dma_start3A_80 : memref<128xi32, #tpu.memory_space<vmem>>) semaphore(%arg11 : memref<!tpu.dma_semaphore, #tpu.memory_space<semaphore_mem>>) {add = true}
      %dma_start3A_83 = arith.constant 0 : i32
      %dma_start3A_84 = tpu.memref_slice %arg7[%add3A_77, %dma_start3A_83] : memref<80x128xi32, #tpu.memory_space<vmem>> -> memref<1x128xi32, #tpu.memory_space<vmem>>
      %dma_start3A_85 = tpu.memref_squeeze %dma_start3A_84 : memref<1x128xi32, #tpu.memory_space<vmem>> -> memref<128xi32, #tpu.memory_space<vmem>>
      %dma_start3A_86 = arith.constant 0 : i32
      %dma_start3A_87 = tpu.memref_slice %arg10[%dma_start3A_86] : memref<10240xf32, #tpu.memory_space<vmem_shared>> -> memref<10240xf32, #tpu.memory_space<vmem_shared>>
      tpu.enqueue_indirect_dma source(%arg8 : memref<128xf32, #tpu.memory_space<vmem>>) target(%dma_start3A_87 : memref<10240xf32, #tpu.memory_space<vmem_shared>>) offsets(%dma_start3A_85 : memref<128xi32, #tpu.memory_space<vmem>>) semaphore(%arg12 : memref<!tpu.dma_semaphore, #tpu.memory_space<semaphore_mem>>) {add = true}
      %dma_wait3A_88 = arith.constant 0 : i32
      %dma_wait3A_89 = tpu.memref_slice %arg4[%dma_wait3A_88] : memref<10240xf32, #tpu.memory_space<hbm>> -> memref<128xf32, #tpu.memory_space<hbm>>
      %dma_wait3A_90 = arith.constant 0 : i32
      %dma_wait3A_91 = tpu.memref_slice %arg4[%dma_wait3A_90] : memref<10240xf32, #tpu.memory_space<hbm>> -> memref<128xf32, #tpu.memory_space<hbm>>
      tpu.wait_dma2 semaphore(%arg11 : memref<!tpu.dma_semaphore, #tpu.memory_space<semaphore_mem>>) src(%dma_wait3A_91 : memref<128xf32, #tpu.memory_space<hbm>>) dst(%arg8 : memref<128xf32, #tpu.memory_space<vmem>>)
      %dma_wait3A_92 = arith.constant 0 : i32
      %dma_wait3A_93 = tpu.memref_slice %arg4[%dma_wait3A_92] : memref<10240xf32, #tpu.memory_space<hbm>> -> memref<128xf32, #tpu.memory_space<hbm>>
      %dma_wait3A_94 = arith.constant 0 : i32
      %dma_wait3A_95 = tpu.memref_slice %arg4[%dma_wait3A_94] : memref<10240xf32, #tpu.memory_space<hbm>> -> memref<128xf32, #tpu.memory_space<hbm>>
      tpu.wait_dma2 semaphore(%arg12 : memref<!tpu.dma_semaphore, #tpu.memory_space<semaphore_mem>>) src(%dma_wait3A_95 : memref<128xf32, #tpu.memory_space<hbm>>) dst(%arg8 : memref<128xf32, #tpu.memory_space<vmem>>)
    }
    %scan3A_63 = arith.constant 79 : i32
    %dma_wait3A = arith.constant 0 : i32
    %dma_wait3A_64 = tpu.memref_slice %arg4[%dma_wait3A] : memref<10240xf32, #tpu.memory_space<hbm>> -> memref<128xf32, #tpu.memory_space<hbm>>
    %dma_wait3A_65 = arith.constant 0 : i32
    %dma_wait3A_66 = tpu.memref_slice %arg4[%dma_wait3A_65] : memref<10240xf32, #tpu.memory_space<hbm>> -> memref<128xf32, #tpu.memory_space<hbm>>
    tpu.wait_dma2 semaphore(%arg11 : memref<!tpu.dma_semaphore, #tpu.memory_space<semaphore_mem>>) src(%dma_wait3A_66 : memref<128xf32, #tpu.memory_space<hbm>>) dst(%arg8 : memref<128xf32, #tpu.memory_space<vmem>>)
    %dma_wait3A_67 = arith.constant 0 : i32
    %dma_wait3A_68 = tpu.memref_slice %arg4[%dma_wait3A_67] : memref<10240xf32, #tpu.memory_space<hbm>> -> memref<128xf32, #tpu.memory_space<hbm>>
    %dma_wait3A_69 = arith.constant 0 : i32
    %dma_wait3A_70 = tpu.memref_slice %arg4[%dma_wait3A_69] : memref<10240xf32, #tpu.memory_space<hbm>> -> memref<128xf32, #tpu.memory_space<hbm>>
    tpu.wait_dma2 semaphore(%arg12 : memref<!tpu.dma_semaphore, #tpu.memory_space<semaphore_mem>>) src(%dma_wait3A_70 : memref<128xf32, #tpu.memory_space<hbm>>) dst(%arg8 : memref<128xf32, #tpu.memory_space<vmem>>)
    %barrier3A_71 = arith.constant 0 : index
    tpu.barrier barrier_id(%barrier3A_71)
    %run_scoped3A = arith.constant 0 : i32
    "tpu.region"() ({
      %run_scoped3A_73 = tpu.sem_alloc : memref<!tpu.dma_semaphore, #tpu.memory_space<semaphore_mem>>
      %dma_start3A_74 = tpu.memref_slice %arg5[%arg0, %run_scoped3A, %mul3A_2] : memref<2x2x10240xf32, #tpu.memory_space<hbm>> -> memref<1x1x640xf32, #tpu.memory_space<hbm>>
      %dma_start3A_75 = tpu.memref_squeeze %dma_start3A_74 : memref<1x1x640xf32, #tpu.memory_space<hbm>> -> memref<640xf32, #tpu.memory_space<hbm>>
      %dma_start3A_76 = tpu.memref_slice %arg9[%mul3A_2] : memref<10240xf32, #tpu.memory_space<vmem_shared>> -> memref<640xf32, #tpu.memory_space<vmem_shared>>
      tpu.enqueue_dma source(%dma_start3A_76 : memref<640xf32, #tpu.memory_space<vmem_shared>>) target(%dma_start3A_75 : memref<640xf32, #tpu.memory_space<hbm>>) target_semaphore(%run_scoped3A_73 : memref<!tpu.dma_semaphore, #tpu.memory_space<semaphore_mem>>)
      %dma_wait3A_77 = tpu.memref_slice %arg5[%arg0, %run_scoped3A, %mul3A_2] : memref<2x2x10240xf32, #tpu.memory_space<hbm>> -> memref<1x1x640xf32, #tpu.memory_space<hbm>>
      %dma_wait3A_78 = tpu.memref_squeeze %dma_wait3A_77 : memref<1x1x640xf32, #tpu.memory_space<hbm>> -> memref<640xf32, #tpu.memory_space<hbm>>
      %dma_wait3A_79 = tpu.memref_slice %arg9[%mul3A_2] : memref<10240xf32, #tpu.memory_space<vmem_shared>> -> memref<640xf32, #tpu.memory_space<vmem_shared>>
      tpu.wait_dma2 semaphore(%run_scoped3A_73 : memref<!tpu.dma_semaphore, #tpu.memory_space<semaphore_mem>>) src(%dma_wait3A_79 : memref<640xf32, #tpu.memory_space<vmem_shared>>) dst(%dma_wait3A_78 : memref<640xf32, #tpu.memory_space<hbm>>)
      tpu.yield
    }) : () -> ()
    %run_scoped3A_72 = arith.constant 1 : i32
    "tpu.region"() ({
      %run_scoped3A_73 = tpu.sem_alloc : memref<!tpu.dma_semaphore, #tpu.memory_space<semaphore_mem>>
      %dma_start3A_74 = tpu.memref_slice %arg5[%arg0, %run_scoped3A_72, %mul3A_2] : memref<2x2x10240xf32, #tpu.memory_space<hbm>> -> memref<1x1x640xf32, #tpu.memory_space<hbm>>
      %dma_start3A_75 = tpu.memref_squeeze %dma_start3A_74 : memref<1x1x640xf32, #tpu.memory_space<hbm>> -> memref<640xf32, #tpu.memory_space<hbm>>
      %dma_start3A_76 = tpu.memref_slice %arg10[%mul3A_2] : memref<10240xf32, #tpu.memory_space<vmem_shared>> -> memref<640xf32, #tpu.memory_space<vmem_shared>>
      tpu.enqueue_dma source(%dma_start3A_76 : memref<640xf32, #tpu.memory_space<vmem_shared>>) target(%dma_start3A_75 : memref<640xf32, #tpu.memory_space<hbm>>) target_semaphore(%run_scoped3A_73 : memref<!tpu.dma_semaphore, #tpu.memory_space<semaphore_mem>>)
      %dma_wait3A_77 = tpu.memref_slice %arg5[%arg0, %run_scoped3A_72, %mul3A_2] : memref<2x2x10240xf32, #tpu.memory_space<hbm>> -> memref<1x1x640xf32, #tpu.memory_space<hbm>>
      %dma_wait3A_78 = tpu.memref_squeeze %dma_wait3A_77 : memref<1x1x640xf32, #tpu.memory_space<hbm>> -> memref<640xf32, #tpu.memory_space<hbm>>
      %dma_wait3A_79 = tpu.memref_slice %arg10[%mul3A_2] : memref<10240xf32, #tpu.memory_space<vmem_shared>> -> memref<640xf32, #tpu.memory_space<vmem_shared>>
      tpu.wait_dma2 semaphore(%run_scoped3A_73 : memref<!tpu.dma_semaphore, #tpu.memory_space<semaphore_mem>>) src(%dma_wait3A_79 : memref<640xf32, #tpu.memory_space<vmem_shared>>) dst(%dma_wait3A_78 : memref<640xf32, #tpu.memory_space<hbm>>)
      tpu.yield
    }) : () -> ()
    return
  }
}

#map = affine_map<(d0, d1) -> (0, 0)>
#map1 = affine_map<(d0, d1) -> (0, 0, 0, 0)>
#map2 = affine_map<(d0, d1) -> (0, 0, 0)>
module attributes {stable_mosaic.version = 14 : i64} {
  func.func @_gs_kernel(%arg0: i32, %arg1: i32, %arg2: memref<10112x128xf32, #tpu.memory_space<hbm>>, %arg3: memref<2x16x88x128xi32, #tpu.memory_space<hbm>>, %arg4: memref<2x16x80x128xi32, #tpu.memory_space<hbm>>, %arg5: memref<632x128xf32, #tpu.memory_space<hbm>>, %arg6: memref<2x10112x128xf32, #tpu.memory_space<hbm>>, %arg7: memref<2x16x10368x128xf32, #tpu.memory_space<hbm>>, %arg8: memref<88x128xi32, #tpu.memory_space<vmem>>, %arg9: memref<32x128xi32, #tpu.memory_space<vmem>>, %arg10: memref<2x128x128xf32, #tpu.memory_space<vmem>>, %arg11: memref<10112x128xf32, #tpu.memory_space<vmem_shared>>, %arg12: memref<!tpu.dma_semaphore, #tpu.memory_space<semaphore_mem>>, %arg13: memref<!tpu.dma_semaphore, #tpu.memory_space<semaphore_mem>>, %arg14: memref<!tpu.dma_semaphore, #tpu.memory_space<semaphore_mem>>) attributes {dimension_semantics = [#tpu.dimension_semantics<core_parallel>, #tpu.dimension_semantics<subcore_parallel>], iteration_bounds = array<i64: 2, 16>, scalar_prefetch = 0 : i64, scratch_operands = 7 : i64, tpu.core_type = #tpu.core_type<sc_vector_subcore>, window_params = [{transform_indices = #map}, {transform_indices = #map1}, {transform_indices = #map1}, {transform_indices = #map}, {transform_indices = #map2}, {transform_indices = #map1}]} {
    %mul3A = arith.constant 632 : i32
    %mul3A_0 = arith.muli %arg1, %mul3A : i32
    "tpu.region"() ({
      %run_scoped3A = tpu.sem_alloc : memref<!tpu.dma_semaphore, #tpu.memory_space<semaphore_mem>>
      %dma_start3A_70 = arith.constant 0 : i32
      %dma_start3A_71 = arith.constant 0 : i32
      %dma_start3A_72 = tpu.memref_slice %arg3[%arg0, %arg1, %dma_start3A_70, %dma_start3A_71] : memref<2x16x88x128xi32, #tpu.memory_space<hbm>> -> memref<1x1x88x128xi32, #tpu.memory_space<hbm>>
      %dma_start3A_73 = tpu.memref_squeeze %dma_start3A_72 : memref<1x1x88x128xi32, #tpu.memory_space<hbm>> -> memref<88x128xi32, #tpu.memory_space<hbm>>
      %dma_start3A_74 = arith.constant 0 : i32
      %dma_start3A_75 = arith.constant 0 : i32
      %dma_start3A_76 = tpu.memref_slice %arg3[%arg0, %arg1, %dma_start3A_74, %dma_start3A_75] : memref<2x16x88x128xi32, #tpu.memory_space<hbm>> -> memref<1x1x88x128xi32, #tpu.memory_space<hbm>>
      %dma_start3A_77 = tpu.memref_squeeze %dma_start3A_76 : memref<1x1x88x128xi32, #tpu.memory_space<hbm>> -> memref<88x128xi32, #tpu.memory_space<hbm>>
      tpu.enqueue_dma source(%dma_start3A_77 : memref<88x128xi32, #tpu.memory_space<hbm>>) target(%arg8 : memref<88x128xi32, #tpu.memory_space<vmem>>) target_semaphore(%run_scoped3A : memref<!tpu.dma_semaphore, #tpu.memory_space<semaphore_mem>>)
      %dma_wait3A_78 = arith.constant 0 : i32
      %dma_wait3A_79 = arith.constant 0 : i32
      %dma_wait3A_80 = tpu.memref_slice %arg3[%arg0, %arg1, %dma_wait3A_78, %dma_wait3A_79] : memref<2x16x88x128xi32, #tpu.memory_space<hbm>> -> memref<1x1x88x128xi32, #tpu.memory_space<hbm>>
      %dma_wait3A_81 = tpu.memref_squeeze %dma_wait3A_80 : memref<1x1x88x128xi32, #tpu.memory_space<hbm>> -> memref<88x128xi32, #tpu.memory_space<hbm>>
      %dma_wait3A_82 = arith.constant 0 : i32
      %dma_wait3A_83 = arith.constant 0 : i32
      %dma_wait3A_84 = tpu.memref_slice %arg3[%arg0, %arg1, %dma_wait3A_82, %dma_wait3A_83] : memref<2x16x88x128xi32, #tpu.memory_space<hbm>> -> memref<1x1x88x128xi32, #tpu.memory_space<hbm>>
      %dma_wait3A_85 = tpu.memref_squeeze %dma_wait3A_84 : memref<1x1x88x128xi32, #tpu.memory_space<hbm>> -> memref<88x128xi32, #tpu.memory_space<hbm>>
      tpu.wait_dma2 semaphore(%run_scoped3A : memref<!tpu.dma_semaphore, #tpu.memory_space<semaphore_mem>>) src(%dma_wait3A_85 : memref<88x128xi32, #tpu.memory_space<hbm>>) dst(%arg8 : memref<88x128xi32, #tpu.memory_space<vmem>>)
      tpu.yield
    }) : () -> ()
    "tpu.region"() ({
      %run_scoped3A = tpu.sem_alloc : memref<!tpu.dma_semaphore, #tpu.memory_space<semaphore_mem>>
      %dma_start3A_70 = arith.constant 0 : i32
      %dma_start3A_71 = tpu.memref_slice %arg11[%mul3A_0, %dma_start3A_70] : memref<10112x128xf32, #tpu.memory_space<vmem_shared>> -> memref<632x128xf32, #tpu.memory_space<vmem_shared>>
      %dma_start3A_72 = arith.constant 0 : i32
      %dma_start3A_73 = tpu.memref_slice %arg2[%mul3A_0, %dma_start3A_72] : memref<10112x128xf32, #tpu.memory_space<hbm>> -> memref<632x128xf32, #tpu.memory_space<hbm>>
      tpu.enqueue_dma source(%dma_start3A_73 : memref<632x128xf32, #tpu.memory_space<hbm>>) target(%dma_start3A_71 : memref<632x128xf32, #tpu.memory_space<vmem_shared>>) target_semaphore(%run_scoped3A : memref<!tpu.dma_semaphore, #tpu.memory_space<semaphore_mem>>)
      %dma_wait3A_74 = arith.constant 0 : i32
      %dma_wait3A_75 = tpu.memref_slice %arg11[%mul3A_0, %dma_wait3A_74] : memref<10112x128xf32, #tpu.memory_space<vmem_shared>> -> memref<632x128xf32, #tpu.memory_space<vmem_shared>>
      %dma_wait3A_76 = arith.constant 0 : i32
      %dma_wait3A_77 = tpu.memref_slice %arg2[%mul3A_0, %dma_wait3A_76] : memref<10112x128xf32, #tpu.memory_space<hbm>> -> memref<632x128xf32, #tpu.memory_space<hbm>>
      tpu.wait_dma2 semaphore(%run_scoped3A : memref<!tpu.dma_semaphore, #tpu.memory_space<semaphore_mem>>) src(%dma_wait3A_77 : memref<632x128xf32, #tpu.memory_space<hbm>>) dst(%dma_wait3A_75 : memref<632x128xf32, #tpu.memory_space<vmem_shared>>)
      tpu.yield
    }) : () -> ()
    %barrier3A = arith.constant 0 : index
    tpu.barrier barrier_id(%barrier3A)
    %dma_start3A = arith.constant 0 : i32
    %dma_start3A_1 = arith.constant 0 : i32
    %dma_start3A_2 = arith.constant 0 : i32
    %dma_start3A_3 = arith.constant 0 : i32
    %dma_start3A_4 = tpu.memref_slice %arg10[%dma_start3A_1, %dma_start3A_2, %dma_start3A_3] : memref<2x128x128xf32, #tpu.memory_space<vmem>> -> memref<1x128x128xf32, #tpu.memory_space<vmem>>
    %dma_start3A_5 = tpu.memref_squeeze %dma_start3A_4 : memref<1x128x128xf32, #tpu.memory_space<vmem>> -> memref<128x128xf32, #tpu.memory_space<vmem>>
    %dma_start3A_6 = arith.constant 0 : i32
    %dma_start3A_7 = tpu.memref_slice %arg8[%dma_start3A, %dma_start3A_6] : memref<88x128xi32, #tpu.memory_space<vmem>> -> memref<1x128xi32, #tpu.memory_space<vmem>>
    %dma_start3A_8 = tpu.memref_squeeze %dma_start3A_7 : memref<1x128xi32, #tpu.memory_space<vmem>> -> memref<128xi32, #tpu.memory_space<vmem>>
    %dma_start3A_9 = arith.constant 0 : i32
    %dma_start3A_10 = arith.constant 0 : i32
    %dma_start3A_11 = tpu.memref_slice %arg11[%dma_start3A_9, %dma_start3A_10] : memref<10112x128xf32, #tpu.memory_space<vmem_shared>> -> memref<10112x128xf32, #tpu.memory_space<vmem_shared>>
    tpu.enqueue_indirect_dma source(%dma_start3A_11 : memref<10112x128xf32, #tpu.memory_space<vmem_shared>>) target(%dma_start3A_5 : memref<128x128xf32, #tpu.memory_space<vmem>>) offsets(%dma_start3A_8 : memref<128xi32, #tpu.memory_space<vmem>>) semaphore(%arg12 : memref<!tpu.dma_semaphore, #tpu.memory_space<semaphore_mem>>)
    %scan3A = arith.constant 0 : i32
    %scan3A_12 = arith.constant 40 : i32
    %scan3A_13 = arith.addi %scan3A, %scan3A_12 : i32
    %scan3A_14 = arith.constant 1 : i32
    scf.for %scan3A_70 = %scan3A to %scan3A_13 step %scan3A_14  : i32 {
      %mul3A_71 = arith.constant 2 : i32
      %mul3A_72 = arith.muli %scan3A_70, %mul3A_71 : i32
      %add3A = arith.constant 0 : i32
      %add3A_73 = arith.addi %add3A, %mul3A_72 : i32
      %add3A_74 = arith.constant 0 : i32
      %add3A_75 = arith.addi %add3A_73, %add3A_74 : i32
      %add3A_76 = arith.constant 1 : i32
      %add3A_77 = arith.addi %add3A_75, %add3A_76 : i32
      %dma_start3A_78 = arith.constant 1 : i32
      %dma_start3A_79 = arith.constant 0 : i32
      %dma_start3A_80 = arith.constant 0 : i32
      %dma_start3A_81 = tpu.memref_slice %arg10[%dma_start3A_78, %dma_start3A_79, %dma_start3A_80] : memref<2x128x128xf32, #tpu.memory_space<vmem>> -> memref<1x128x128xf32, #tpu.memory_space<vmem>>
      %dma_start3A_82 = tpu.memref_squeeze %dma_start3A_81 : memref<1x128x128xf32, #tpu.memory_space<vmem>> -> memref<128x128xf32, #tpu.memory_space<vmem>>
      %dma_start3A_83 = arith.constant 0 : i32
      %dma_start3A_84 = tpu.memref_slice %arg8[%add3A_77, %dma_start3A_83] : memref<88x128xi32, #tpu.memory_space<vmem>> -> memref<1x128xi32, #tpu.memory_space<vmem>>
      %dma_start3A_85 = tpu.memref_squeeze %dma_start3A_84 : memref<1x128xi32, #tpu.memory_space<vmem>> -> memref<128xi32, #tpu.memory_space<vmem>>
      %dma_start3A_86 = arith.constant 0 : i32
      %dma_start3A_87 = arith.constant 0 : i32
      %dma_start3A_88 = tpu.memref_slice %arg11[%dma_start3A_86, %dma_start3A_87] : memref<10112x128xf32, #tpu.memory_space<vmem_shared>> -> memref<10112x128xf32, #tpu.memory_space<vmem_shared>>
      tpu.enqueue_indirect_dma source(%dma_start3A_88 : memref<10112x128xf32, #tpu.memory_space<vmem_shared>>) target(%dma_start3A_82 : memref<128x128xf32, #tpu.memory_space<vmem>>) offsets(%dma_start3A_85 : memref<128xi32, #tpu.memory_space<vmem>>) semaphore(%arg13 : memref<!tpu.dma_semaphore, #tpu.memory_space<semaphore_mem>>)
      %dma_wait3A_89 = arith.constant 0 : i32
      %dma_wait3A_90 = arith.constant 0 : i32
      %dma_wait3A_91 = arith.constant 0 : i32
      %dma_wait3A_92 = tpu.memref_slice %arg10[%dma_wait3A_89, %dma_wait3A_90, %dma_wait3A_91] : memref<2x128x128xf32, #tpu.memory_space<vmem>> -> memref<1x128x128xf32, #tpu.memory_space<vmem>>
      %dma_wait3A_93 = tpu.memref_squeeze %dma_wait3A_92 : memref<1x128x128xf32, #tpu.memory_space<vmem>> -> memref<128x128xf32, #tpu.memory_space<vmem>>
      %dma_wait3A_94 = arith.constant 0 : i32
      %dma_wait3A_95 = arith.constant 0 : i32
      %dma_wait3A_96 = tpu.memref_slice %arg2[%dma_wait3A_94, %dma_wait3A_95] : memref<10112x128xf32, #tpu.memory_space<hbm>> -> memref<128x128xf32, #tpu.memory_space<hbm>>
      %dma_wait3A_97 = arith.constant 0 : i32
      %dma_wait3A_98 = arith.constant 0 : i32
      %dma_wait3A_99 = tpu.memref_slice %arg10[%dma_wait3A_89, %dma_wait3A_97, %dma_wait3A_98] : memref<2x128x128xf32, #tpu.memory_space<vmem>> -> memref<1x128x128xf32, #tpu.memory_space<vmem>>
      %dma_wait3A_100 = tpu.memref_squeeze %dma_wait3A_99 : memref<1x128x128xf32, #tpu.memory_space<vmem>> -> memref<128x128xf32, #tpu.memory_space<vmem>>
      %dma_wait3A_101 = arith.constant 0 : i32
      %dma_wait3A_102 = arith.constant 0 : i32
      %dma_wait3A_103 = tpu.memref_slice %arg2[%dma_wait3A_101, %dma_wait3A_102] : memref<10112x128xf32, #tpu.memory_space<hbm>> -> memref<128x128xf32, #tpu.memory_space<hbm>>
      tpu.wait_dma2 semaphore(%arg12 : memref<!tpu.dma_semaphore, #tpu.memory_space<semaphore_mem>>) src(%dma_wait3A_103 : memref<128x128xf32, #tpu.memory_space<hbm>>) dst(%dma_wait3A_100 : memref<128x128xf32, #tpu.memory_space<vmem>>)
      %mul3A_104 = arith.constant 128 : i32
      %mul3A_105 = arith.muli %add3A_75, %mul3A_104 : i32
      %run_scoped3A = arith.constant 0 : i32
      "tpu.region"() ({
        %run_scoped3A_139 = tpu.sem_alloc : memref<!tpu.dma_semaphore, #tpu.memory_space<semaphore_mem>>
        %dma_start3A_140 = arith.constant 0 : i32
        %dma_start3A_141 = arith.constant 0 : i32
        %dma_start3A_142 = tpu.memref_slice %arg10[%run_scoped3A, %dma_start3A_140, %dma_start3A_141] : memref<2x128x128xf32, #tpu.memory_space<vmem>> -> memref<1x128x128xf32, #tpu.memory_space<vmem>>
        %dma_start3A_143 = tpu.memref_squeeze %dma_start3A_142 : memref<1x128x128xf32, #tpu.memory_space<vmem>> -> memref<128x128xf32, #tpu.memory_space<vmem>>
        %dma_start3A_144 = arith.constant 0 : i32
        %dma_start3A_145 = tpu.memref_slice %arg7[%arg0, %arg1, %mul3A_105, %dma_start3A_144] : memref<2x16x10368x128xf32, #tpu.memory_space<hbm>> -> memref<1x1x128x128xf32, #tpu.memory_space<hbm>>
        %dma_start3A_146 = tpu.memref_squeeze %dma_start3A_145 : memref<1x1x128x128xf32, #tpu.memory_space<hbm>> -> memref<128x128xf32, #tpu.memory_space<hbm>>
        %dma_start3A_147 = arith.constant 0 : i32
        %dma_start3A_148 = tpu.memref_slice %arg7[%arg0, %arg1, %mul3A_105, %dma_start3A_147] : memref<2x16x10368x128xf32, #tpu.memory_space<hbm>> -> memref<1x1x128x128xf32, #tpu.memory_space<hbm>>
        %dma_start3A_149 = tpu.memref_squeeze %dma_start3A_148 : memref<1x1x128x128xf32, #tpu.memory_space<hbm>> -> memref<128x128xf32, #tpu.memory_space<hbm>>
        %dma_start3A_150 = arith.constant 0 : i32
        %dma_start3A_151 = arith.constant 0 : i32
        %dma_start3A_152 = tpu.memref_slice %arg10[%run_scoped3A, %dma_start3A_150, %dma_start3A_151] : memref<2x128x128xf32, #tpu.memory_space<vmem>> -> memref<1x128x128xf32, #tpu.memory_space<vmem>>
        %dma_start3A_153 = tpu.memref_squeeze %dma_start3A_152 : memref<1x128x128xf32, #tpu.memory_space<vmem>> -> memref<128x128xf32, #tpu.memory_space<vmem>>
        tpu.enqueue_dma source(%dma_start3A_153 : memref<128x128xf32, #tpu.memory_space<vmem>>) target(%dma_start3A_149 : memref<128x128xf32, #tpu.memory_space<hbm>>) target_semaphore(%run_scoped3A_139 : memref<!tpu.dma_semaphore, #tpu.memory_space<semaphore_mem>>)
        %dma_wait3A_154 = arith.constant 0 : i32
        %dma_wait3A_155 = arith.constant 0 : i32
        %dma_wait3A_156 = tpu.memref_slice %arg10[%run_scoped3A, %dma_wait3A_154, %dma_wait3A_155] : memref<2x128x128xf32, #tpu.memory_space<vmem>> -> memref<1x128x128xf32, #tpu.memory_space<vmem>>
        %dma_wait3A_157 = tpu.memref_squeeze %dma_wait3A_156 : memref<1x128x128xf32, #tpu.memory_space<vmem>> -> memref<128x128xf32, #tpu.memory_space<vmem>>
        %dma_wait3A_158 = arith.constant 0 : i32
        %dma_wait3A_159 = tpu.memref_slice %arg7[%arg0, %arg1, %mul3A_105, %dma_wait3A_158] : memref<2x16x10368x128xf32, #tpu.memory_space<hbm>> -> memref<1x1x128x128xf32, #tpu.memory_space<hbm>>
        %dma_wait3A_160 = tpu.memref_squeeze %dma_wait3A_159 : memref<1x1x128x128xf32, #tpu.memory_space<hbm>> -> memref<128x128xf32, #tpu.memory_space<hbm>>
        %dma_wait3A_161 = arith.constant 0 : i32
        %dma_wait3A_162 = tpu.memref_slice %arg7[%arg0, %arg1, %mul3A_105, %dma_wait3A_161] : memref<2x16x10368x128xf32, #tpu.memory_space<hbm>> -> memref<1x1x128x128xf32, #tpu.memory_space<hbm>>
        %dma_wait3A_163 = tpu.memref_squeeze %dma_wait3A_162 : memref<1x1x128x128xf32, #tpu.memory_space<hbm>> -> memref<128x128xf32, #tpu.memory_space<hbm>>
        %dma_wait3A_164 = arith.constant 0 : i32
        %dma_wait3A_165 = arith.constant 0 : i32
        %dma_wait3A_166 = tpu.memref_slice %arg10[%run_scoped3A, %dma_wait3A_164, %dma_wait3A_165] : memref<2x128x128xf32, #tpu.memory_space<vmem>> -> memref<1x128x128xf32, #tpu.memory_space<vmem>>
        %dma_wait3A_167 = tpu.memref_squeeze %dma_wait3A_166 : memref<1x128x128xf32, #tpu.memory_space<vmem>> -> memref<128x128xf32, #tpu.memory_space<vmem>>
        tpu.wait_dma2 semaphore(%run_scoped3A_139 : memref<!tpu.dma_semaphore, #tpu.memory_space<semaphore_mem>>) src(%dma_wait3A_167 : memref<128x128xf32, #tpu.memory_space<vmem>>) dst(%dma_wait3A_163 : memref<128x128xf32, #tpu.memory_space<hbm>>)
        tpu.yield
      }) : () -> ()
      %add3A_106 = arith.constant 1 : i32
      %add3A_107 = arith.addi %add3A_73, %add3A_106 : i32
      %add3A_108 = arith.constant 1 : i32
      %add3A_109 = arith.addi %add3A_107, %add3A_108 : i32
      %dma_start3A_110 = arith.constant 0 : i32
      %dma_start3A_111 = arith.constant 0 : i32
      %dma_start3A_112 = arith.constant 0 : i32
      %dma_start3A_113 = tpu.memref_slice %arg10[%dma_start3A_110, %dma_start3A_111, %dma_start3A_112] : memref<2x128x128xf32, #tpu.memory_space<vmem>> -> memref<1x128x128xf32, #tpu.memory_space<vmem>>
      %dma_start3A_114 = tpu.memref_squeeze %dma_start3A_113 : memref<1x128x128xf32, #tpu.memory_space<vmem>> -> memref<128x128xf32, #tpu.memory_space<vmem>>
      %dma_start3A_115 = arith.constant 0 : i32
      %dma_start3A_116 = tpu.memref_slice %arg8[%add3A_109, %dma_start3A_115] : memref<88x128xi32, #tpu.memory_space<vmem>> -> memref<1x128xi32, #tpu.memory_space<vmem>>
      %dma_start3A_117 = tpu.memref_squeeze %dma_start3A_116 : memref<1x128xi32, #tpu.memory_space<vmem>> -> memref<128xi32, #tpu.memory_space<vmem>>
      %dma_start3A_118 = arith.constant 0 : i32
      %dma_start3A_119 = arith.constant 0 : i32
      %dma_start3A_120 = tpu.memref_slice %arg11[%dma_start3A_118, %dma_start3A_119] : memref<10112x128xf32, #tpu.memory_space<vmem_shared>> -> memref<10112x128xf32, #tpu.memory_space<vmem_shared>>
      tpu.enqueue_indirect_dma source(%dma_start3A_120 : memref<10112x128xf32, #tpu.memory_space<vmem_shared>>) target(%dma_start3A_114 : memref<128x128xf32, #tpu.memory_space<vmem>>) offsets(%dma_start3A_117 : memref<128xi32, #tpu.memory_space<vmem>>) semaphore(%arg12 : memref<!tpu.dma_semaphore, #tpu.memory_space<semaphore_mem>>)
      %dma_wait3A_121 = arith.constant 1 : i32
      %dma_wait3A_122 = arith.constant 0 : i32
      %dma_wait3A_123 = arith.constant 0 : i32
      %dma_wait3A_124 = tpu.memref_slice %arg10[%dma_wait3A_121, %dma_wait3A_122, %dma_wait3A_123] : memref<2x128x128xf32, #tpu.memory_space<vmem>> -> memref<1x128x128xf32, #tpu.memory_space<vmem>>
      %dma_wait3A_125 = tpu.memref_squeeze %dma_wait3A_124 : memref<1x128x128xf32, #tpu.memory_space<vmem>> -> memref<128x128xf32, #tpu.memory_space<vmem>>
      %dma_wait3A_126 = arith.constant 0 : i32
      %dma_wait3A_127 = arith.constant 0 : i32
      %dma_wait3A_128 = tpu.memref_slice %arg2[%dma_wait3A_126, %dma_wait3A_127] : memref<10112x128xf32, #tpu.memory_space<hbm>> -> memref<128x128xf32, #tpu.memory_space<hbm>>
      %dma_wait3A_129 = arith.constant 0 : i32
      %dma_wait3A_130 = arith.constant 0 : i32
      %dma_wait3A_131 = tpu.memref_slice %arg10[%dma_wait3A_121, %dma_wait3A_129, %dma_wait3A_130] : memref<2x128x128xf32, #tpu.memory_space<vmem>> -> memref<1x128x128xf32, #tpu.memory_space<vmem>>
      %dma_wait3A_132 = tpu.memref_squeeze %dma_wait3A_131 : memref<1x128x128xf32, #tpu.memory_space<vmem>> -> memref<128x128xf32, #tpu.memory_space<vmem>>
      %dma_wait3A_133 = arith.constant 0 : i32
      %dma_wait3A_134 = arith.constant 0 : i32
      %dma_wait3A_135 = tpu.memref_slice %arg2[%dma_wait3A_133, %dma_wait3A_134] : memref<10112x128xf32, #tpu.memory_space<hbm>> -> memref<128x128xf32, #tpu.memory_space<hbm>>
      tpu.wait_dma2 semaphore(%arg13 : memref<!tpu.dma_semaphore, #tpu.memory_space<semaphore_mem>>) src(%dma_wait3A_135 : memref<128x128xf32, #tpu.memory_space<hbm>>) dst(%dma_wait3A_132 : memref<128x128xf32, #tpu.memory_space<vmem>>)
      %mul3A_136 = arith.constant 128 : i32
      %mul3A_137 = arith.muli %add3A_107, %mul3A_136 : i32
      %run_scoped3A_138 = arith.constant 1 : i32
      "tpu.region"() ({
        %run_scoped3A_139 = tpu.sem_alloc : memref<!tpu.dma_semaphore, #tpu.memory_space<semaphore_mem>>
        %dma_start3A_140 = arith.constant 0 : i32
        %dma_start3A_141 = arith.constant 0 : i32
        %dma_start3A_142 = tpu.memref_slice %arg10[%run_scoped3A_138, %dma_start3A_140, %dma_start3A_141] : memref<2x128x128xf32, #tpu.memory_space<vmem>> -> memref<1x128x128xf32, #tpu.memory_space<vmem>>
        %dma_start3A_143 = tpu.memref_squeeze %dma_start3A_142 : memref<1x128x128xf32, #tpu.memory_space<vmem>> -> memref<128x128xf32, #tpu.memory_space<vmem>>
        %dma_start3A_144 = arith.constant 0 : i32
        %dma_start3A_145 = tpu.memref_slice %arg7[%arg0, %arg1, %mul3A_137, %dma_start3A_144] : memref<2x16x10368x128xf32, #tpu.memory_space<hbm>> -> memref<1x1x128x128xf32, #tpu.memory_space<hbm>>
        %dma_start3A_146 = tpu.memref_squeeze %dma_start3A_145 : memref<1x1x128x128xf32, #tpu.memory_space<hbm>> -> memref<128x128xf32, #tpu.memory_space<hbm>>
        %dma_start3A_147 = arith.constant 0 : i32
        %dma_start3A_148 = tpu.memref_slice %arg7[%arg0, %arg1, %mul3A_137, %dma_start3A_147] : memref<2x16x10368x128xf32, #tpu.memory_space<hbm>> -> memref<1x1x128x128xf32, #tpu.memory_space<hbm>>
        %dma_start3A_149 = tpu.memref_squeeze %dma_start3A_148 : memref<1x1x128x128xf32, #tpu.memory_space<hbm>> -> memref<128x128xf32, #tpu.memory_space<hbm>>
        %dma_start3A_150 = arith.constant 0 : i32
        %dma_start3A_151 = arith.constant 0 : i32
        %dma_start3A_152 = tpu.memref_slice %arg10[%run_scoped3A_138, %dma_start3A_150, %dma_start3A_151] : memref<2x128x128xf32, #tpu.memory_space<vmem>> -> memref<1x128x128xf32, #tpu.memory_space<vmem>>
        %dma_start3A_153 = tpu.memref_squeeze %dma_start3A_152 : memref<1x128x128xf32, #tpu.memory_space<vmem>> -> memref<128x128xf32, #tpu.memory_space<vmem>>
        tpu.enqueue_dma source(%dma_start3A_153 : memref<128x128xf32, #tpu.memory_space<vmem>>) target(%dma_start3A_149 : memref<128x128xf32, #tpu.memory_space<hbm>>) target_semaphore(%run_scoped3A_139 : memref<!tpu.dma_semaphore, #tpu.memory_space<semaphore_mem>>)
        %dma_wait3A_154 = arith.constant 0 : i32
        %dma_wait3A_155 = arith.constant 0 : i32
        %dma_wait3A_156 = tpu.memref_slice %arg10[%run_scoped3A_138, %dma_wait3A_154, %dma_wait3A_155] : memref<2x128x128xf32, #tpu.memory_space<vmem>> -> memref<1x128x128xf32, #tpu.memory_space<vmem>>
        %dma_wait3A_157 = tpu.memref_squeeze %dma_wait3A_156 : memref<1x128x128xf32, #tpu.memory_space<vmem>> -> memref<128x128xf32, #tpu.memory_space<vmem>>
        %dma_wait3A_158 = arith.constant 0 : i32
        %dma_wait3A_159 = tpu.memref_slice %arg7[%arg0, %arg1, %mul3A_137, %dma_wait3A_158] : memref<2x16x10368x128xf32, #tpu.memory_space<hbm>> -> memref<1x1x128x128xf32, #tpu.memory_space<hbm>>
        %dma_wait3A_160 = tpu.memref_squeeze %dma_wait3A_159 : memref<1x1x128x128xf32, #tpu.memory_space<hbm>> -> memref<128x128xf32, #tpu.memory_space<hbm>>
        %dma_wait3A_161 = arith.constant 0 : i32
        %dma_wait3A_162 = tpu.memref_slice %arg7[%arg0, %arg1, %mul3A_137, %dma_wait3A_161] : memref<2x16x10368x128xf32, #tpu.memory_space<hbm>> -> memref<1x1x128x128xf32, #tpu.memory_space<hbm>>
        %dma_wait3A_163 = tpu.memref_squeeze %dma_wait3A_162 : memref<1x1x128x128xf32, #tpu.memory_space<hbm>> -> memref<128x128xf32, #tpu.memory_space<hbm>>
        %dma_wait3A_164 = arith.constant 0 : i32
        %dma_wait3A_165 = arith.constant 0 : i32
        %dma_wait3A_166 = tpu.memref_slice %arg10[%run_scoped3A_138, %dma_wait3A_164, %dma_wait3A_165] : memref<2x128x128xf32, #tpu.memory_space<vmem>> -> memref<1x128x128xf32, #tpu.memory_space<vmem>>
        %dma_wait3A_167 = tpu.memref_squeeze %dma_wait3A_166 : memref<1x128x128xf32, #tpu.memory_space<vmem>> -> memref<128x128xf32, #tpu.memory_space<vmem>>
        tpu.wait_dma2 semaphore(%run_scoped3A_139 : memref<!tpu.dma_semaphore, #tpu.memory_space<semaphore_mem>>) src(%dma_wait3A_167 : memref<128x128xf32, #tpu.memory_space<vmem>>) dst(%dma_wait3A_163 : memref<128x128xf32, #tpu.memory_space<hbm>>)
        tpu.yield
      }) : () -> ()
    }
    %scan3A_15 = arith.constant 40 : i32
    %dma_wait3A = arith.constant 0 : i32
    %dma_wait3A_16 = arith.constant 0 : i32
    %dma_wait3A_17 = arith.constant 0 : i32
    %dma_wait3A_18 = tpu.memref_slice %arg10[%dma_wait3A, %dma_wait3A_16, %dma_wait3A_17] : memref<2x128x128xf32, #tpu.memory_space<vmem>> -> memref<1x128x128xf32, #tpu.memory_space<vmem>>
    %dma_wait3A_19 = tpu.memref_squeeze %dma_wait3A_18 : memref<1x128x128xf32, #tpu.memory_space<vmem>> -> memref<128x128xf32, #tpu.memory_space<vmem>>
    %dma_wait3A_20 = arith.constant 0 : i32
    %dma_wait3A_21 = arith.constant 0 : i32
    %dma_wait3A_22 = tpu.memref_slice %arg2[%dma_wait3A_20, %dma_wait3A_21] : memref<10112x128xf32, #tpu.memory_space<hbm>> -> memref<128x128xf32, #tpu.memory_space<hbm>>
    %dma_wait3A_23 = arith.constant 0 : i32
    %dma_wait3A_24 = arith.constant 0 : i32
    %dma_wait3A_25 = tpu.memref_slice %arg10[%dma_wait3A, %dma_wait3A_23, %dma_wait3A_24] : memref<2x128x128xf32, #tpu.memory_space<vmem>> -> memref<1x128x128xf32, #tpu.memory_space<vmem>>
    %dma_wait3A_26 = tpu.memref_squeeze %dma_wait3A_25 : memref<1x128x128xf32, #tpu.memory_space<vmem>> -> memref<128x128xf32, #tpu.memory_space<vmem>>
    %dma_wait3A_27 = arith.constant 0 : i32
    %dma_wait3A_28 = arith.constant 0 : i32
    %dma_wait3A_29 = tpu.memref_slice %arg2[%dma_wait3A_27, %dma_wait3A_28] : memref<10112x128xf32, #tpu.memory_space<hbm>> -> memref<128x128xf32, #tpu.memory_space<hbm>>
    tpu.wait_dma2 semaphore(%arg12 : memref<!tpu.dma_semaphore, #tpu.memory_space<semaphore_mem>>) src(%dma_wait3A_29 : memref<128x128xf32, #tpu.memory_space<hbm>>) dst(%dma_wait3A_26 : memref<128x128xf32, #tpu.memory_space<vmem>>)
    %barrier3A_30 = arith.constant 0 : index
    tpu.barrier barrier_id(%barrier3A_30)
    "tpu.region"() ({
      %run_scoped3A = tpu.sem_alloc : memref<!tpu.dma_semaphore, #tpu.memory_space<semaphore_mem>>
      %dma_start3A_70 = arith.constant 0 : i32
      %dma_start3A_71 = tpu.memref_slice %arg11[%mul3A_0, %dma_start3A_70] : memref<10112x128xf32, #tpu.memory_space<vmem_shared>> -> memref<632x128xf32, #tpu.memory_space<vmem_shared>>
      tpu.enqueue_dma source(%arg5 : memref<632x128xf32, #tpu.memory_space<hbm>>) target(%dma_start3A_71 : memref<632x128xf32, #tpu.memory_space<vmem_shared>>) target_semaphore(%run_scoped3A : memref<!tpu.dma_semaphore, #tpu.memory_space<semaphore_mem>>)
      %dma_wait3A_72 = arith.constant 0 : i32
      %dma_wait3A_73 = tpu.memref_slice %arg11[%mul3A_0, %dma_wait3A_72] : memref<10112x128xf32, #tpu.memory_space<vmem_shared>> -> memref<632x128xf32, #tpu.memory_space<vmem_shared>>
      tpu.wait_dma2 semaphore(%run_scoped3A : memref<!tpu.dma_semaphore, #tpu.memory_space<semaphore_mem>>) src(%arg5 : memref<632x128xf32, #tpu.memory_space<hbm>>) dst(%dma_wait3A_73 : memref<632x128xf32, #tpu.memory_space<vmem_shared>>)
      tpu.yield
    }) : () -> ()
    "tpu.region"() ({
      %run_scoped3A = tpu.sem_alloc : memref<!tpu.dma_semaphore, #tpu.memory_space<semaphore_mem>>
      %dma_start3A_70 = arith.constant 0 : i32
      %dma_start3A_71 = arith.constant 0 : i32
      %dma_start3A_72 = tpu.memref_slice %arg4[%arg0, %arg1, %dma_start3A_70, %dma_start3A_71] : memref<2x16x80x128xi32, #tpu.memory_space<hbm>> -> memref<1x1x32x128xi32, #tpu.memory_space<hbm>>
      %dma_start3A_73 = tpu.memref_squeeze %dma_start3A_72 : memref<1x1x32x128xi32, #tpu.memory_space<hbm>> -> memref<32x128xi32, #tpu.memory_space<hbm>>
      %dma_start3A_74 = arith.constant 0 : i32
      %dma_start3A_75 = arith.constant 0 : i32
      %dma_start3A_76 = tpu.memref_slice %arg4[%arg0, %arg1, %dma_start3A_74, %dma_start3A_75] : memref<2x16x80x128xi32, #tpu.memory_space<hbm>> -> memref<1x1x32x128xi32, #tpu.memory_space<hbm>>
      %dma_start3A_77 = tpu.memref_squeeze %dma_start3A_76 : memref<1x1x32x128xi32, #tpu.memory_space<hbm>> -> memref<32x128xi32, #tpu.memory_space<hbm>>
      tpu.enqueue_dma source(%dma_start3A_77 : memref<32x128xi32, #tpu.memory_space<hbm>>) target(%arg9 : memref<32x128xi32, #tpu.memory_space<vmem>>) target_semaphore(%run_scoped3A : memref<!tpu.dma_semaphore, #tpu.memory_space<semaphore_mem>>)
      %dma_wait3A_78 = arith.constant 0 : i32
      %dma_wait3A_79 = arith.constant 0 : i32
      %dma_wait3A_80 = tpu.memref_slice %arg4[%arg0, %arg1, %dma_wait3A_78, %dma_wait3A_79] : memref<2x16x80x128xi32, #tpu.memory_space<hbm>> -> memref<1x1x32x128xi32, #tpu.memory_space<hbm>>
      %dma_wait3A_81 = tpu.memref_squeeze %dma_wait3A_80 : memref<1x1x32x128xi32, #tpu.memory_space<hbm>> -> memref<32x128xi32, #tpu.memory_space<hbm>>
      %dma_wait3A_82 = arith.constant 0 : i32
      %dma_wait3A_83 = arith.constant 0 : i32
      %dma_wait3A_84 = tpu.memref_slice %arg4[%arg0, %arg1, %dma_wait3A_82, %dma_wait3A_83] : memref<2x16x80x128xi32, #tpu.memory_space<hbm>> -> memref<1x1x32x128xi32, #tpu.memory_space<hbm>>
      %dma_wait3A_85 = tpu.memref_squeeze %dma_wait3A_84 : memref<1x1x32x128xi32, #tpu.memory_space<hbm>> -> memref<32x128xi32, #tpu.memory_space<hbm>>
      tpu.wait_dma2 semaphore(%run_scoped3A : memref<!tpu.dma_semaphore, #tpu.memory_space<semaphore_mem>>) src(%dma_wait3A_85 : memref<32x128xi32, #tpu.memory_space<hbm>>) dst(%arg9 : memref<32x128xi32, #tpu.memory_space<vmem>>)
      tpu.yield
    }) : () -> ()
    %barrier3A_31 = arith.constant 0 : index
    tpu.barrier barrier_id(%barrier3A_31)
    %dma_start3A_32 = arith.constant 0 : i32
    %dma_start3A_33 = arith.constant 0 : i32
    %dma_start3A_34 = arith.constant 0 : i32
    %dma_start3A_35 = tpu.memref_slice %arg10[%dma_start3A_32, %dma_start3A_33, %dma_start3A_34] : memref<2x128x128xf32, #tpu.memory_space<vmem>> -> memref<1x128x128xf32, #tpu.memory_space<vmem>>
    %dma_start3A_36 = tpu.memref_squeeze %dma_start3A_35 : memref<1x128x128xf32, #tpu.memory_space<vmem>> -> memref<128x128xf32, #tpu.memory_space<vmem>>
    %dma_start3A_37 = arith.constant 0 : i32
    %dma_start3A_38 = arith.constant 0 : i32
    %dma_start3A_39 = tpu.memref_slice %arg7[%arg0, %arg1, %dma_start3A_37, %dma_start3A_38] : memref<2x16x10368x128xf32, #tpu.memory_space<hbm>> -> memref<1x1x128x128xf32, #tpu.memory_space<hbm>>
    %dma_start3A_40 = tpu.memref_squeeze %dma_start3A_39 : memref<1x1x128x128xf32, #tpu.memory_space<hbm>> -> memref<128x128xf32, #tpu.memory_space<hbm>>
    %dma_start3A_41 = arith.constant 0 : i32
    %dma_start3A_42 = arith.constant 0 : i32
    %dma_start3A_43 = tpu.memref_slice %arg10[%dma_start3A_32, %dma_start3A_41, %dma_start3A_42] : memref<2x128x128xf32, #tpu.memory_space<vmem>> -> memref<1x128x128xf32, #tpu.memory_space<vmem>>
    %dma_start3A_44 = tpu.memref_squeeze %dma_start3A_43 : memref<1x128x128xf32, #tpu.memory_space<vmem>> -> memref<128x128xf32, #tpu.memory_space<vmem>>
    %dma_start3A_45 = arith.constant 0 : i32
    %dma_start3A_46 = arith.constant 0 : i32
    %dma_start3A_47 = tpu.memref_slice %arg7[%arg0, %arg1, %dma_start3A_45, %dma_start3A_46] : memref<2x16x10368x128xf32, #tpu.memory_space<hbm>> -> memref<1x1x128x128xf32, #tpu.memory_space<hbm>>
    %dma_start3A_48 = tpu.memref_squeeze %dma_start3A_47 : memref<1x1x128x128xf32, #tpu.memory_space<hbm>> -> memref<128x128xf32, #tpu.memory_space<hbm>>
    tpu.enqueue_dma source(%dma_start3A_48 : memref<128x128xf32, #tpu.memory_space<hbm>>) target(%dma_start3A_44 : memref<128x128xf32, #tpu.memory_space<vmem>>) target_semaphore(%arg12 : memref<!tpu.dma_semaphore, #tpu.memory_space<semaphore_mem>>)
    %scan3A_49 = arith.constant 0 : i32
    %scan3A_50 = arith.constant 5 : i32
    %scan3A_51 = arith.addi %scan3A_49, %scan3A_50 : i32
    %scan3A_52 = arith.constant 1 : i32
    scf.for %scan3A_70 = %scan3A_49 to %scan3A_51 step %scan3A_52  : i32 {
      %mul3A_71 = arith.constant 16 : i32
      %mul3A_72 = arith.muli %scan3A_70, %mul3A_71 : i32
      %add3A = arith.constant 0 : i32
      %add3A_73 = arith.addi %add3A, %mul3A_72 : i32
      %gt3A = arith.constant 0 : i32
      %gt3A_74 = arith.cmpi sgt, %add3A_73, %gt3A : i32
      %convert_element_type3A = arith.extui %gt3A_74 : i1 to i32
      %cond3A = arith.constant 0 : i32
      %cond3A_75 = arith.cmpi ne, %convert_element_type3A, %cond3A : i32
      scf.if %cond3A_75 {
        %rem3A = arith.constant 32 : i32
        %rem3A_85 = arith.remsi %add3A_73, %rem3A : i32
        %dma_wait3A_86 = arith.constant 0 : i32
        %dma_wait3A_87 = tpu.memref_slice %arg9[%rem3A_85, %dma_wait3A_86] : memref<32x128xi32, #tpu.memory_space<vmem>> -> memref<16x128xi32, #tpu.memory_space<vmem>>
        %dma_wait3A_88 = arith.constant 0 : i32
        %dma_wait3A_89 = tpu.memref_slice %arg4[%arg0, %arg1, %rem3A_85, %dma_wait3A_88] : memref<2x16x80x128xi32, #tpu.memory_space<hbm>> -> memref<1x1x16x128xi32, #tpu.memory_space<hbm>>
        %dma_wait3A_90 = tpu.memref_squeeze %dma_wait3A_89 : memref<1x1x16x128xi32, #tpu.memory_space<hbm>> -> memref<16x128xi32, #tpu.memory_space<hbm>>
        %dma_wait3A_91 = arith.constant 0 : i32
        %dma_wait3A_92 = tpu.memref_slice %arg9[%rem3A_85, %dma_wait3A_91] : memref<32x128xi32, #tpu.memory_space<vmem>> -> memref<16x128xi32, #tpu.memory_space<vmem>>
        %dma_wait3A_93 = arith.constant 0 : i32
        %dma_wait3A_94 = tpu.memref_slice %arg4[%arg0, %arg1, %rem3A_85, %dma_wait3A_93] : memref<2x16x80x128xi32, #tpu.memory_space<hbm>> -> memref<1x1x16x128xi32, #tpu.memory_space<hbm>>
        %dma_wait3A_95 = tpu.memref_squeeze %dma_wait3A_94 : memref<1x1x16x128xi32, #tpu.memory_space<hbm>> -> memref<16x128xi32, #tpu.memory_space<hbm>>
        tpu.wait_dma2 semaphore(%arg14 : memref<!tpu.dma_semaphore, #tpu.memory_space<semaphore_mem>>) src(%dma_wait3A_95 : memref<16x128xi32, #tpu.memory_space<hbm>>) dst(%dma_wait3A_92 : memref<16x128xi32, #tpu.memory_space<vmem>>)
      } else {
      }
      %lt3A = arith.constant 64 : i32
      %lt3A_76 = arith.cmpi slt, %add3A_73, %lt3A : i32
      %convert_element_type3A_77 = arith.extui %lt3A_76 : i1 to i32
      %cond3A_78 = arith.constant 0 : i32
      %cond3A_79 = arith.cmpi ne, %convert_element_type3A_77, %cond3A_78 : i32
      scf.if %cond3A_79 {
        %add3A_85 = arith.constant 16 : i32
        %add3A_86 = arith.addi %add3A_73, %add3A_85 : i32
        %add3A_87 = arith.constant 16 : i32
        %add3A_88 = arith.addi %add3A_73, %add3A_87 : i32
        %rem3A = arith.constant 32 : i32
        %rem3A_89 = arith.remsi %add3A_88, %rem3A : i32
        %dma_start3A_90 = arith.constant 0 : i32
        %dma_start3A_91 = tpu.memref_slice %arg9[%rem3A_89, %dma_start3A_90] : memref<32x128xi32, #tpu.memory_space<vmem>> -> memref<16x128xi32, #tpu.memory_space<vmem>>
        %dma_start3A_92 = arith.constant 0 : i32
        %dma_start3A_93 = tpu.memref_slice %arg4[%arg0, %arg1, %add3A_86, %dma_start3A_92] : memref<2x16x80x128xi32, #tpu.memory_space<hbm>> -> memref<1x1x16x128xi32, #tpu.memory_space<hbm>>
        %dma_start3A_94 = tpu.memref_squeeze %dma_start3A_93 : memref<1x1x16x128xi32, #tpu.memory_space<hbm>> -> memref<16x128xi32, #tpu.memory_space<hbm>>
        %dma_start3A_95 = arith.constant 0 : i32
        %dma_start3A_96 = tpu.memref_slice %arg9[%rem3A_89, %dma_start3A_95] : memref<32x128xi32, #tpu.memory_space<vmem>> -> memref<16x128xi32, #tpu.memory_space<vmem>>
        %dma_start3A_97 = arith.constant 0 : i32
        %dma_start3A_98 = tpu.memref_slice %arg4[%arg0, %arg1, %add3A_86, %dma_start3A_97] : memref<2x16x80x128xi32, #tpu.memory_space<hbm>> -> memref<1x1x16x128xi32, #tpu.memory_space<hbm>>
        %dma_start3A_99 = tpu.memref_squeeze %dma_start3A_98 : memref<1x1x16x128xi32, #tpu.memory_space<hbm>> -> memref<16x128xi32, #tpu.memory_space<hbm>>
        tpu.enqueue_dma source(%dma_start3A_99 : memref<16x128xi32, #tpu.memory_space<hbm>>) target(%dma_start3A_96 : memref<16x128xi32, #tpu.memory_space<vmem>>) target_semaphore(%arg14 : memref<!tpu.dma_semaphore, #tpu.memory_space<semaphore_mem>>)
      } else {
      }
      %scan3A_80 = arith.constant 0 : i32
      %scan3A_81 = arith.constant 8 : i32
      %scan3A_82 = arith.addi %scan3A_80, %scan3A_81 : i32
      %scan3A_83 = arith.constant 1 : i32
      scf.for %scan3A_85 = %scan3A_80 to %scan3A_82 step %scan3A_83  : i32 {
        %mul3A_86 = arith.constant 2 : i32
        %mul3A_87 = arith.muli %scan3A_85, %mul3A_86 : i32
        %add3A_88 = arith.constant 0 : i32
        %add3A_89 = arith.addi %add3A_88, %mul3A_87 : i32
        %add3A_90 = arith.addi %add3A_73, %add3A_89 : i32
        %add3A_91 = arith.constant 0 : i32
        %add3A_92 = arith.addi %add3A_90, %add3A_91 : i32
        %rem3A = arith.constant 32 : i32
        %rem3A_93 = arith.remsi %add3A_92, %rem3A : i32
        %add3A_94 = arith.constant 1 : i32
        %add3A_95 = arith.addi %add3A_92, %add3A_94 : i32
        %mul3A_96 = arith.constant 128 : i32
        %mul3A_97 = arith.muli %add3A_95, %mul3A_96 : i32
        %dma_start3A_98 = arith.constant 1 : i32
        %dma_start3A_99 = arith.constant 0 : i32
        %dma_start3A_100 = arith.constant 0 : i32
        %dma_start3A_101 = tpu.memref_slice %arg10[%dma_start3A_98, %dma_start3A_99, %dma_start3A_100] : memref<2x128x128xf32, #tpu.memory_space<vmem>> -> memref<1x128x128xf32, #tpu.memory_space<vmem>>
        %dma_start3A_102 = tpu.memref_squeeze %dma_start3A_101 : memref<1x128x128xf32, #tpu.memory_space<vmem>> -> memref<128x128xf32, #tpu.memory_space<vmem>>
        %dma_start3A_103 = arith.constant 0 : i32
        %dma_start3A_104 = tpu.memref_slice %arg7[%arg0, %arg1, %mul3A_97, %dma_start3A_103] : memref<2x16x10368x128xf32, #tpu.memory_space<hbm>> -> memref<1x1x128x128xf32, #tpu.memory_space<hbm>>
        %dma_start3A_105 = tpu.memref_squeeze %dma_start3A_104 : memref<1x1x128x128xf32, #tpu.memory_space<hbm>> -> memref<128x128xf32, #tpu.memory_space<hbm>>
        %dma_start3A_106 = arith.constant 0 : i32
        %dma_start3A_107 = arith.constant 0 : i32
        %dma_start3A_108 = tpu.memref_slice %arg10[%dma_start3A_98, %dma_start3A_106, %dma_start3A_107] : memref<2x128x128xf32, #tpu.memory_space<vmem>> -> memref<1x128x128xf32, #tpu.memory_space<vmem>>
        %dma_start3A_109 = tpu.memref_squeeze %dma_start3A_108 : memref<1x128x128xf32, #tpu.memory_space<vmem>> -> memref<128x128xf32, #tpu.memory_space<vmem>>
        %dma_start3A_110 = arith.constant 0 : i32
        %dma_start3A_111 = tpu.memref_slice %arg7[%arg0, %arg1, %mul3A_97, %dma_start3A_110] : memref<2x16x10368x128xf32, #tpu.memory_space<hbm>> -> memref<1x1x128x128xf32, #tpu.memory_space<hbm>>
        %dma_start3A_112 = tpu.memref_squeeze %dma_start3A_111 : memref<1x1x128x128xf32, #tpu.memory_space<hbm>> -> memref<128x128xf32, #tpu.memory_space<hbm>>
        tpu.enqueue_dma source(%dma_start3A_112 : memref<128x128xf32, #tpu.memory_space<hbm>>) target(%dma_start3A_109 : memref<128x128xf32, #tpu.memory_space<vmem>>) target_semaphore(%arg13 : memref<!tpu.dma_semaphore, #tpu.memory_space<semaphore_mem>>)
        %dma_wait3A_113 = arith.constant 0 : i32
        %dma_wait3A_114 = arith.constant 0 : i32
        %dma_wait3A_115 = arith.constant 0 : i32
        %dma_wait3A_116 = tpu.memref_slice %arg10[%dma_wait3A_113, %dma_wait3A_114, %dma_wait3A_115] : memref<2x128x128xf32, #tpu.memory_space<vmem>> -> memref<1x128x128xf32, #tpu.memory_space<vmem>>
        %dma_wait3A_117 = tpu.memref_squeeze %dma_wait3A_116 : memref<1x128x128xf32, #tpu.memory_space<vmem>> -> memref<128x128xf32, #tpu.memory_space<vmem>>
        %dma_wait3A_118 = arith.constant 0 : i32
        %dma_wait3A_119 = arith.constant 0 : i32
        %dma_wait3A_120 = tpu.memref_slice %arg2[%dma_wait3A_118, %dma_wait3A_119] : memref<10112x128xf32, #tpu.memory_space<hbm>> -> memref<128x128xf32, #tpu.memory_space<hbm>>
        %dma_wait3A_121 = arith.constant 0 : i32
        %dma_wait3A_122 = arith.constant 0 : i32
        %dma_wait3A_123 = tpu.memref_slice %arg10[%dma_wait3A_113, %dma_wait3A_121, %dma_wait3A_122] : memref<2x128x128xf32, #tpu.memory_space<vmem>> -> memref<1x128x128xf32, #tpu.memory_space<vmem>>
        %dma_wait3A_124 = tpu.memref_squeeze %dma_wait3A_123 : memref<1x128x128xf32, #tpu.memory_space<vmem>> -> memref<128x128xf32, #tpu.memory_space<vmem>>
        %dma_wait3A_125 = arith.constant 0 : i32
        %dma_wait3A_126 = arith.constant 0 : i32
        %dma_wait3A_127 = tpu.memref_slice %arg2[%dma_wait3A_125, %dma_wait3A_126] : memref<10112x128xf32, #tpu.memory_space<hbm>> -> memref<128x128xf32, #tpu.memory_space<hbm>>
        tpu.wait_dma2 semaphore(%arg12 : memref<!tpu.dma_semaphore, #tpu.memory_space<semaphore_mem>>) src(%dma_wait3A_127 : memref<128x128xf32, #tpu.memory_space<hbm>>) dst(%dma_wait3A_124 : memref<128x128xf32, #tpu.memory_space<vmem>>)
        %run_scoped3A = arith.constant 0 : i32
        "tpu.region"() ({
          %run_scoped3A_168 = tpu.sem_alloc : memref<!tpu.dma_semaphore, #tpu.memory_space<semaphore_mem>>
          %dma_start3A_169 = arith.constant 0 : i32
          %dma_start3A_170 = arith.constant 0 : i32
          %dma_start3A_171 = tpu.memref_slice %arg10[%run_scoped3A, %dma_start3A_169, %dma_start3A_170] : memref<2x128x128xf32, #tpu.memory_space<vmem>> -> memref<1x128x128xf32, #tpu.memory_space<vmem>>
          %dma_start3A_172 = tpu.memref_squeeze %dma_start3A_171 : memref<1x128x128xf32, #tpu.memory_space<vmem>> -> memref<128x128xf32, #tpu.memory_space<vmem>>
          %dma_start3A_173 = arith.constant 0 : i32
          %dma_start3A_174 = tpu.memref_slice %arg9[%rem3A_93, %dma_start3A_173] : memref<32x128xi32, #tpu.memory_space<vmem>> -> memref<1x128xi32, #tpu.memory_space<vmem>>
          %dma_start3A_175 = tpu.memref_squeeze %dma_start3A_174 : memref<1x128xi32, #tpu.memory_space<vmem>> -> memref<128xi32, #tpu.memory_space<vmem>>
          %dma_start3A_176 = arith.constant 0 : i32
          %dma_start3A_177 = arith.constant 0 : i32
          %dma_start3A_178 = tpu.memref_slice %arg11[%dma_start3A_176, %dma_start3A_177] : memref<10112x128xf32, #tpu.memory_space<vmem_shared>> -> memref<10112x128xf32, #tpu.memory_space<vmem_shared>>
          tpu.enqueue_indirect_dma source(%dma_start3A_172 : memref<128x128xf32, #tpu.memory_space<vmem>>) target(%dma_start3A_178 : memref<10112x128xf32, #tpu.memory_space<vmem_shared>>) offsets(%dma_start3A_175 : memref<128xi32, #tpu.memory_space<vmem>>) semaphore(%run_scoped3A_168 : memref<!tpu.dma_semaphore, #tpu.memory_space<semaphore_mem>>) {add = true}
          %dma_wait3A_179 = arith.constant 0 : i32
          %dma_wait3A_180 = arith.constant 0 : i32
          %dma_wait3A_181 = tpu.memref_slice %arg10[%run_scoped3A, %dma_wait3A_179, %dma_wait3A_180] : memref<2x128x128xf32, #tpu.memory_space<vmem>> -> memref<1x128x128xf32, #tpu.memory_space<vmem>>
          %dma_wait3A_182 = tpu.memref_squeeze %dma_wait3A_181 : memref<1x128x128xf32, #tpu.memory_space<vmem>> -> memref<128x128xf32, #tpu.memory_space<vmem>>
          %dma_wait3A_183 = arith.constant 0 : i32
          %dma_wait3A_184 = tpu.memref_slice %arg9[%rem3A_93, %dma_wait3A_183] : memref<32x128xi32, #tpu.memory_space<vmem>> -> memref<1x128xi32, #tpu.memory_space<vmem>>
          %dma_wait3A_185 = tpu.memref_squeeze %dma_wait3A_184 : memref<1x128xi32, #tpu.memory_space<vmem>> -> memref<128xi32, #tpu.memory_space<vmem>>
          %dma_wait3A_186 = arith.constant 0 : i32
          %dma_wait3A_187 = arith.constant 0 : i32
          %dma_wait3A_188 = tpu.memref_slice %arg11[%dma_wait3A_186, %dma_wait3A_187] : memref<10112x128xf32, #tpu.memory_space<vmem_shared>> -> memref<10112x128xf32, #tpu.memory_space<vmem_shared>>
          tpu.wait_indirect_dma semaphore(%run_scoped3A_168 : memref<!tpu.dma_semaphore, #tpu.memory_space<semaphore_mem>>) src(%dma_wait3A_182 : memref<128x128xf32, #tpu.memory_space<vmem>>) dst(%dma_wait3A_188 : memref<10112x128xf32, #tpu.memory_space<vmem_shared>>)
          tpu.yield
        }) : () -> ()
        %add3A_128 = arith.addi %add3A_73, %add3A_89 : i32
        %add3A_129 = arith.constant 1 : i32
        %add3A_130 = arith.addi %add3A_128, %add3A_129 : i32
        %rem3A_131 = arith.constant 32 : i32
        %rem3A_132 = arith.remsi %add3A_130, %rem3A_131 : i32
        %add3A_133 = arith.constant 1 : i32
        %add3A_134 = arith.addi %add3A_130, %add3A_133 : i32
        %mul3A_135 = arith.constant 128 : i32
        %mul3A_136 = arith.muli %add3A_134, %mul3A_135 : i32
        %dma_start3A_137 = arith.constant 0 : i32
        %dma_start3A_138 = arith.constant 0 : i32
        %dma_start3A_139 = arith.constant 0 : i32
        %dma_start3A_140 = tpu.memref_slice %arg10[%dma_start3A_137, %dma_start3A_138, %dma_start3A_139] : memref<2x128x128xf32, #tpu.memory_space<vmem>> -> memref<1x128x128xf32, #tpu.memory_space<vmem>>
        %dma_start3A_141 = tpu.memref_squeeze %dma_start3A_140 : memref<1x128x128xf32, #tpu.memory_space<vmem>> -> memref<128x128xf32, #tpu.memory_space<vmem>>
        %dma_start3A_142 = arith.constant 0 : i32
        %dma_start3A_143 = tpu.memref_slice %arg7[%arg0, %arg1, %mul3A_136, %dma_start3A_142] : memref<2x16x10368x128xf32, #tpu.memory_space<hbm>> -> memref<1x1x128x128xf32, #tpu.memory_space<hbm>>
        %dma_start3A_144 = tpu.memref_squeeze %dma_start3A_143 : memref<1x1x128x128xf32, #tpu.memory_space<hbm>> -> memref<128x128xf32, #tpu.memory_space<hbm>>
        %dma_start3A_145 = arith.constant 0 : i32
        %dma_start3A_146 = arith.constant 0 : i32
        %dma_start3A_147 = tpu.memref_slice %arg10[%dma_start3A_137, %dma_start3A_145, %dma_start3A_146] : memref<2x128x128xf32, #tpu.memory_space<vmem>> -> memref<1x128x128xf32, #tpu.memory_space<vmem>>
        %dma_start3A_148 = tpu.memref_squeeze %dma_start3A_147 : memref<1x128x128xf32, #tpu.memory_space<vmem>> -> memref<128x128xf32, #tpu.memory_space<vmem>>
        %dma_start3A_149 = arith.constant 0 : i32
        %dma_start3A_150 = tpu.memref_slice %arg7[%arg0, %arg1, %mul3A_136, %dma_start3A_149] : memref<2x16x10368x128xf32, #tpu.memory_space<hbm>> -> memref<1x1x128x128xf32, #tpu.memory_space<hbm>>
        %dma_start3A_151 = tpu.memref_squeeze %dma_start3A_150 : memref<1x1x128x128xf32, #tpu.memory_space<hbm>> -> memref<128x128xf32, #tpu.memory_space<hbm>>
        tpu.enqueue_dma source(%dma_start3A_151 : memref<128x128xf32, #tpu.memory_space<hbm>>) target(%dma_start3A_148 : memref<128x128xf32, #tpu.memory_space<vmem>>) target_semaphore(%arg12 : memref<!tpu.dma_semaphore, #tpu.memory_space<semaphore_mem>>)
        %dma_wait3A_152 = arith.constant 1 : i32
        %dma_wait3A_153 = arith.constant 0 : i32
        %dma_wait3A_154 = arith.constant 0 : i32
        %dma_wait3A_155 = tpu.memref_slice %arg10[%dma_wait3A_152, %dma_wait3A_153, %dma_wait3A_154] : memref<2x128x128xf32, #tpu.memory_space<vmem>> -> memref<1x128x128xf32, #tpu.memory_space<vmem>>
        %dma_wait3A_156 = tpu.memref_squeeze %dma_wait3A_155 : memref<1x128x128xf32, #tpu.memory_space<vmem>> -> memref<128x128xf32, #tpu.memory_space<vmem>>
        %dma_wait3A_157 = arith.constant 0 : i32
        %dma_wait3A_158 = arith.constant 0 : i32
        %dma_wait3A_159 = tpu.memref_slice %arg2[%dma_wait3A_157, %dma_wait3A_158] : memref<10112x128xf32, #tpu.memory_space<hbm>> -> memref<128x128xf32, #tpu.memory_space<hbm>>
        %dma_wait3A_160 = arith.constant 0 : i32
        %dma_wait3A_161 = arith.constant 0 : i32
        %dma_wait3A_162 = tpu.memref_slice %arg10[%dma_wait3A_152, %dma_wait3A_160, %dma_wait3A_161] : memref<2x128x128xf32, #tpu.memory_space<vmem>> -> memref<1x128x128xf32, #tpu.memory_space<vmem>>
        %dma_wait3A_163 = tpu.memref_squeeze %dma_wait3A_162 : memref<1x128x128xf32, #tpu.memory_space<vmem>> -> memref<128x128xf32, #tpu.memory_space<vmem>>
        %dma_wait3A_164 = arith.constant 0 : i32
        %dma_wait3A_165 = arith.constant 0 : i32
        %dma_wait3A_166 = tpu.memref_slice %arg2[%dma_wait3A_164, %dma_wait3A_165] : memref<10112x128xf32, #tpu.memory_space<hbm>> -> memref<128x128xf32, #tpu.memory_space<hbm>>
        tpu.wait_dma2 semaphore(%arg13 : memref<!tpu.dma_semaphore, #tpu.memory_space<semaphore_mem>>) src(%dma_wait3A_166 : memref<128x128xf32, #tpu.memory_space<hbm>>) dst(%dma_wait3A_163 : memref<128x128xf32, #tpu.memory_space<vmem>>)
        %run_scoped3A_167 = arith.constant 1 : i32
        "tpu.region"() ({
          %run_scoped3A_168 = tpu.sem_alloc : memref<!tpu.dma_semaphore, #tpu.memory_space<semaphore_mem>>
          %dma_start3A_169 = arith.constant 0 : i32
          %dma_start3A_170 = arith.constant 0 : i32
          %dma_start3A_171 = tpu.memref_slice %arg10[%run_scoped3A_167, %dma_start3A_169, %dma_start3A_170] : memref<2x128x128xf32, #tpu.memory_space<vmem>> -> memref<1x128x128xf32, #tpu.memory_space<vmem>>
          %dma_start3A_172 = tpu.memref_squeeze %dma_start3A_171 : memref<1x128x128xf32, #tpu.memory_space<vmem>> -> memref<128x128xf32, #tpu.memory_space<vmem>>
          %dma_start3A_173 = arith.constant 0 : i32
          %dma_start3A_174 = tpu.memref_slice %arg9[%rem3A_132, %dma_start3A_173] : memref<32x128xi32, #tpu.memory_space<vmem>> -> memref<1x128xi32, #tpu.memory_space<vmem>>
          %dma_start3A_175 = tpu.memref_squeeze %dma_start3A_174 : memref<1x128xi32, #tpu.memory_space<vmem>> -> memref<128xi32, #tpu.memory_space<vmem>>
          %dma_start3A_176 = arith.constant 0 : i32
          %dma_start3A_177 = arith.constant 0 : i32
          %dma_start3A_178 = tpu.memref_slice %arg11[%dma_start3A_176, %dma_start3A_177] : memref<10112x128xf32, #tpu.memory_space<vmem_shared>> -> memref<10112x128xf32, #tpu.memory_space<vmem_shared>>
          tpu.enqueue_indirect_dma source(%dma_start3A_172 : memref<128x128xf32, #tpu.memory_space<vmem>>) target(%dma_start3A_178 : memref<10112x128xf32, #tpu.memory_space<vmem_shared>>) offsets(%dma_start3A_175 : memref<128xi32, #tpu.memory_space<vmem>>) semaphore(%run_scoped3A_168 : memref<!tpu.dma_semaphore, #tpu.memory_space<semaphore_mem>>) {add = true}
          %dma_wait3A_179 = arith.constant 0 : i32
          %dma_wait3A_180 = arith.constant 0 : i32
          %dma_wait3A_181 = tpu.memref_slice %arg10[%run_scoped3A_167, %dma_wait3A_179, %dma_wait3A_180] : memref<2x128x128xf32, #tpu.memory_space<vmem>> -> memref<1x128x128xf32, #tpu.memory_space<vmem>>
          %dma_wait3A_182 = tpu.memref_squeeze %dma_wait3A_181 : memref<1x128x128xf32, #tpu.memory_space<vmem>> -> memref<128x128xf32, #tpu.memory_space<vmem>>
          %dma_wait3A_183 = arith.constant 0 : i32
          %dma_wait3A_184 = tpu.memref_slice %arg9[%rem3A_132, %dma_wait3A_183] : memref<32x128xi32, #tpu.memory_space<vmem>> -> memref<1x128xi32, #tpu.memory_space<vmem>>
          %dma_wait3A_185 = tpu.memref_squeeze %dma_wait3A_184 : memref<1x128xi32, #tpu.memory_space<vmem>> -> memref<128xi32, #tpu.memory_space<vmem>>
          %dma_wait3A_186 = arith.constant 0 : i32
          %dma_wait3A_187 = arith.constant 0 : i32
          %dma_wait3A_188 = tpu.memref_slice %arg11[%dma_wait3A_186, %dma_wait3A_187] : memref<10112x128xf32, #tpu.memory_space<vmem_shared>> -> memref<10112x128xf32, #tpu.memory_space<vmem_shared>>
          tpu.wait_indirect_dma semaphore(%run_scoped3A_168 : memref<!tpu.dma_semaphore, #tpu.memory_space<semaphore_mem>>) src(%dma_wait3A_182 : memref<128x128xf32, #tpu.memory_space<vmem>>) dst(%dma_wait3A_188 : memref<10112x128xf32, #tpu.memory_space<vmem_shared>>)
          tpu.yield
        }) : () -> ()
      }
      %scan3A_84 = arith.constant 8 : i32
    }
    %scan3A_53 = arith.constant 5 : i32
    %dma_wait3A_54 = arith.constant 0 : i32
    %dma_wait3A_55 = arith.constant 0 : i32
    %dma_wait3A_56 = arith.constant 0 : i32
    %dma_wait3A_57 = tpu.memref_slice %arg10[%dma_wait3A_54, %dma_wait3A_55, %dma_wait3A_56] : memref<2x128x128xf32, #tpu.memory_space<vmem>> -> memref<1x128x128xf32, #tpu.memory_space<vmem>>
    %dma_wait3A_58 = tpu.memref_squeeze %dma_wait3A_57 : memref<1x128x128xf32, #tpu.memory_space<vmem>> -> memref<128x128xf32, #tpu.memory_space<vmem>>
    %dma_wait3A_59 = arith.constant 0 : i32
    %dma_wait3A_60 = arith.constant 0 : i32
    %dma_wait3A_61 = tpu.memref_slice %arg2[%dma_wait3A_59, %dma_wait3A_60] : memref<10112x128xf32, #tpu.memory_space<hbm>> -> memref<128x128xf32, #tpu.memory_space<hbm>>
    %dma_wait3A_62 = arith.constant 0 : i32
    %dma_wait3A_63 = arith.constant 0 : i32
    %dma_wait3A_64 = tpu.memref_slice %arg10[%dma_wait3A_54, %dma_wait3A_62, %dma_wait3A_63] : memref<2x128x128xf32, #tpu.memory_space<vmem>> -> memref<1x128x128xf32, #tpu.memory_space<vmem>>
    %dma_wait3A_65 = tpu.memref_squeeze %dma_wait3A_64 : memref<1x128x128xf32, #tpu.memory_space<vmem>> -> memref<128x128xf32, #tpu.memory_space<vmem>>
    %dma_wait3A_66 = arith.constant 0 : i32
    %dma_wait3A_67 = arith.constant 0 : i32
    %dma_wait3A_68 = tpu.memref_slice %arg2[%dma_wait3A_66, %dma_wait3A_67] : memref<10112x128xf32, #tpu.memory_space<hbm>> -> memref<128x128xf32, #tpu.memory_space<hbm>>
    tpu.wait_dma2 semaphore(%arg12 : memref<!tpu.dma_semaphore, #tpu.memory_space<semaphore_mem>>) src(%dma_wait3A_68 : memref<128x128xf32, #tpu.memory_space<hbm>>) dst(%dma_wait3A_65 : memref<128x128xf32, #tpu.memory_space<vmem>>)
    %barrier3A_69 = arith.constant 0 : index
    tpu.barrier barrier_id(%barrier3A_69)
    "tpu.region"() ({
      %run_scoped3A = tpu.sem_alloc : memref<!tpu.dma_semaphore, #tpu.memory_space<semaphore_mem>>
      %dma_start3A_70 = arith.constant 0 : i32
      %dma_start3A_71 = tpu.memref_slice %arg6[%arg0, %mul3A_0, %dma_start3A_70] : memref<2x10112x128xf32, #tpu.memory_space<hbm>> -> memref<1x632x128xf32, #tpu.memory_space<hbm>>
      %dma_start3A_72 = tpu.memref_squeeze %dma_start3A_71 : memref<1x632x128xf32, #tpu.memory_space<hbm>> -> memref<632x128xf32, #tpu.memory_space<hbm>>
      %dma_start3A_73 = arith.constant 0 : i32
      %dma_start3A_74 = tpu.memref_slice %arg11[%mul3A_0, %dma_start3A_73] : memref<10112x128xf32, #tpu.memory_space<vmem_shared>> -> memref<632x128xf32, #tpu.memory_space<vmem_shared>>
      tpu.enqueue_dma source(%dma_start3A_74 : memref<632x128xf32, #tpu.memory_space<vmem_shared>>) target(%dma_start3A_72 : memref<632x128xf32, #tpu.memory_space<hbm>>) target_semaphore(%run_scoped3A : memref<!tpu.dma_semaphore, #tpu.memory_space<semaphore_mem>>)
      %dma_wait3A_75 = arith.constant 0 : i32
      %dma_wait3A_76 = tpu.memref_slice %arg6[%arg0, %mul3A_0, %dma_wait3A_75] : memref<2x10112x128xf32, #tpu.memory_space<hbm>> -> memref<1x632x128xf32, #tpu.memory_space<hbm>>
      %dma_wait3A_77 = tpu.memref_squeeze %dma_wait3A_76 : memref<1x632x128xf32, #tpu.memory_space<hbm>> -> memref<632x128xf32, #tpu.memory_space<hbm>>
      %dma_wait3A_78 = arith.constant 0 : i32
      %dma_wait3A_79 = tpu.memref_slice %arg11[%mul3A_0, %dma_wait3A_78] : memref<10112x128xf32, #tpu.memory_space<vmem_shared>> -> memref<632x128xf32, #tpu.memory_space<vmem_shared>>
      tpu.wait_dma2 semaphore(%run_scoped3A : memref<!tpu.dma_semaphore, #tpu.memory_space<semaphore_mem>>) src(%dma_wait3A_79 : memref<632x128xf32, #tpu.memory_space<vmem_shared>>) dst(%dma_wait3A_77 : memref<632x128xf32, #tpu.memory_space<hbm>>)
      tpu.yield
    }) : () -> ()
    return
  }
}

#map = affine_map<(d0, d1) -> (0, 0)>
#map1 = affine_map<(d0, d1) -> (0, 0, 0, 0)>
#map2 = affine_map<(d0, d1) -> (0, 0, 0)>
module attributes {stable_mosaic.version = 14 : i64} {
  func.func @_gs_kernel(%arg0: i32, %arg1: i32, %arg2: memref<10112x128xf32, #tpu.memory_space<hbm>>, %arg3: memref<2x16x88x128xi32, #tpu.memory_space<hbm>>, %arg4: memref<2x16x80x128xi32, #tpu.memory_space<hbm>>, %arg5: memref<632x128xf32, #tpu.memory_space<hbm>>, %arg6: memref<2x10112x128xf32, #tpu.memory_space<hbm>>, %arg7: memref<2x16x10368x128xf32, #tpu.memory_space<hbm>>, %arg8: memref<88x128xi32, #tpu.memory_space<vmem>>, %arg9: memref<32x128xi32, #tpu.memory_space<vmem>>, %arg10: memref<2x128x128xf32, #tpu.memory_space<vmem>>, %arg11: memref<10112x128xf32, #tpu.memory_space<vmem_shared>>, %arg12: memref<!tpu.dma_semaphore, #tpu.memory_space<semaphore_mem>>, %arg13: memref<!tpu.dma_semaphore, #tpu.memory_space<semaphore_mem>>, %arg14: memref<!tpu.dma_semaphore, #tpu.memory_space<semaphore_mem>>) attributes {dimension_semantics = [#tpu.dimension_semantics<core_parallel>, #tpu.dimension_semantics<subcore_parallel>], iteration_bounds = array<i64: 2, 16>, scalar_prefetch = 0 : i64, scratch_operands = 7 : i64, tpu.core_type = #tpu.core_type<sc_vector_subcore>, window_params = [{transform_indices = #map}, {transform_indices = #map1}, {transform_indices = #map1}, {transform_indices = #map}, {transform_indices = #map2}, {transform_indices = #map1}]} {
    %mul3A = arith.constant 632 : i32
    %mul3A_0 = arith.muli %arg1, %mul3A : i32
    "tpu.region"() ({
      %run_scoped3A = tpu.sem_alloc : memref<!tpu.dma_semaphore, #tpu.memory_space<semaphore_mem>>
      %dma_start3A_70 = arith.constant 0 : i32
      %dma_start3A_71 = arith.constant 0 : i32
      %dma_start3A_72 = tpu.memref_slice %arg3[%arg0, %arg1, %dma_start3A_70, %dma_start3A_71] : memref<2x16x88x128xi32, #tpu.memory_space<hbm>> -> memref<1x1x88x128xi32, #tpu.memory_space<hbm>>
      %dma_start3A_73 = tpu.memref_squeeze %dma_start3A_72 : memref<1x1x88x128xi32, #tpu.memory_space<hbm>> -> memref<88x128xi32, #tpu.memory_space<hbm>>
      %dma_start3A_74 = arith.constant 0 : i32
      %dma_start3A_75 = arith.constant 0 : i32
      %dma_start3A_76 = tpu.memref_slice %arg3[%arg0, %arg1, %dma_start3A_74, %dma_start3A_75] : memref<2x16x88x128xi32, #tpu.memory_space<hbm>> -> memref<1x1x88x128xi32, #tpu.memory_space<hbm>>
      %dma_start3A_77 = tpu.memref_squeeze %dma_start3A_76 : memref<1x1x88x128xi32, #tpu.memory_space<hbm>> -> memref<88x128xi32, #tpu.memory_space<hbm>>
      tpu.enqueue_dma source(%dma_start3A_77 : memref<88x128xi32, #tpu.memory_space<hbm>>) target(%arg8 : memref<88x128xi32, #tpu.memory_space<vmem>>) target_semaphore(%run_scoped3A : memref<!tpu.dma_semaphore, #tpu.memory_space<semaphore_mem>>)
      %dma_wait3A_78 = arith.constant 0 : i32
      %dma_wait3A_79 = arith.constant 0 : i32
      %dma_wait3A_80 = tpu.memref_slice %arg3[%arg0, %arg1, %dma_wait3A_78, %dma_wait3A_79] : memref<2x16x88x128xi32, #tpu.memory_space<hbm>> -> memref<1x1x88x128xi32, #tpu.memory_space<hbm>>
      %dma_wait3A_81 = tpu.memref_squeeze %dma_wait3A_80 : memref<1x1x88x128xi32, #tpu.memory_space<hbm>> -> memref<88x128xi32, #tpu.memory_space<hbm>>
      %dma_wait3A_82 = arith.constant 0 : i32
      %dma_wait3A_83 = arith.constant 0 : i32
      %dma_wait3A_84 = tpu.memref_slice %arg3[%arg0, %arg1, %dma_wait3A_82, %dma_wait3A_83] : memref<2x16x88x128xi32, #tpu.memory_space<hbm>> -> memref<1x1x88x128xi32, #tpu.memory_space<hbm>>
      %dma_wait3A_85 = tpu.memref_squeeze %dma_wait3A_84 : memref<1x1x88x128xi32, #tpu.memory_space<hbm>> -> memref<88x128xi32, #tpu.memory_space<hbm>>
      tpu.wait_dma2 semaphore(%run_scoped3A : memref<!tpu.dma_semaphore, #tpu.memory_space<semaphore_mem>>) src(%dma_wait3A_85 : memref<88x128xi32, #tpu.memory_space<hbm>>) dst(%arg8 : memref<88x128xi32, #tpu.memory_space<vmem>>)
      tpu.yield
    }) : () -> ()
    "tpu.region"() ({
      %run_scoped3A = tpu.sem_alloc : memref<!tpu.dma_semaphore, #tpu.memory_space<semaphore_mem>>
      %dma_start3A_70 = arith.constant 0 : i32
      %dma_start3A_71 = tpu.memref_slice %arg11[%mul3A_0, %dma_start3A_70] : memref<10112x128xf32, #tpu.memory_space<vmem_shared>> -> memref<632x128xf32, #tpu.memory_space<vmem_shared>>
      %dma_start3A_72 = arith.constant 0 : i32
      %dma_start3A_73 = tpu.memref_slice %arg2[%mul3A_0, %dma_start3A_72] : memref<10112x128xf32, #tpu.memory_space<hbm>> -> memref<632x128xf32, #tpu.memory_space<hbm>>
      tpu.enqueue_dma source(%dma_start3A_73 : memref<632x128xf32, #tpu.memory_space<hbm>>) target(%dma_start3A_71 : memref<632x128xf32, #tpu.memory_space<vmem_shared>>) target_semaphore(%run_scoped3A : memref<!tpu.dma_semaphore, #tpu.memory_space<semaphore_mem>>)
      %dma_wait3A_74 = arith.constant 0 : i32
      %dma_wait3A_75 = tpu.memref_slice %arg11[%mul3A_0, %dma_wait3A_74] : memref<10112x128xf32, #tpu.memory_space<vmem_shared>> -> memref<632x128xf32, #tpu.memory_space<vmem_shared>>
      %dma_wait3A_76 = arith.constant 0 : i32
      %dma_wait3A_77 = tpu.memref_slice %arg2[%mul3A_0, %dma_wait3A_76] : memref<10112x128xf32, #tpu.memory_space<hbm>> -> memref<632x128xf32, #tpu.memory_space<hbm>>
      tpu.wait_dma2 semaphore(%run_scoped3A : memref<!tpu.dma_semaphore, #tpu.memory_space<semaphore_mem>>) src(%dma_wait3A_77 : memref<632x128xf32, #tpu.memory_space<hbm>>) dst(%dma_wait3A_75 : memref<632x128xf32, #tpu.memory_space<vmem_shared>>)
      tpu.yield
    }) : () -> ()
    %barrier3A = arith.constant 0 : index
    tpu.barrier barrier_id(%barrier3A)
    %dma_start3A = arith.constant 0 : i32
    %dma_start3A_1 = arith.constant 0 : i32
    %dma_start3A_2 = arith.constant 0 : i32
    %dma_start3A_3 = arith.constant 0 : i32
    %dma_start3A_4 = tpu.memref_slice %arg10[%dma_start3A_1, %dma_start3A_2, %dma_start3A_3] : memref<2x128x128xf32, #tpu.memory_space<vmem>> -> memref<1x128x128xf32, #tpu.memory_space<vmem>>
    %dma_start3A_5 = tpu.memref_squeeze %dma_start3A_4 : memref<1x128x128xf32, #tpu.memory_space<vmem>> -> memref<128x128xf32, #tpu.memory_space<vmem>>
    %dma_start3A_6 = arith.constant 0 : i32
    %dma_start3A_7 = tpu.memref_slice %arg8[%dma_start3A, %dma_start3A_6] : memref<88x128xi32, #tpu.memory_space<vmem>> -> memref<1x128xi32, #tpu.memory_space<vmem>>
    %dma_start3A_8 = tpu.memref_squeeze %dma_start3A_7 : memref<1x128xi32, #tpu.memory_space<vmem>> -> memref<128xi32, #tpu.memory_space<vmem>>
    %dma_start3A_9 = arith.constant 0 : i32
    %dma_start3A_10 = arith.constant 0 : i32
    %dma_start3A_11 = tpu.memref_slice %arg11[%dma_start3A_9, %dma_start3A_10] : memref<10112x128xf32, #tpu.memory_space<vmem_shared>> -> memref<10112x128xf32, #tpu.memory_space<vmem_shared>>
    tpu.enqueue_indirect_dma source(%dma_start3A_11 : memref<10112x128xf32, #tpu.memory_space<vmem_shared>>) target(%dma_start3A_5 : memref<128x128xf32, #tpu.memory_space<vmem>>) offsets(%dma_start3A_8 : memref<128xi32, #tpu.memory_space<vmem>>) semaphore(%arg12 : memref<!tpu.dma_semaphore, #tpu.memory_space<semaphore_mem>>)
    %scan3A = arith.constant 0 : i32
    %scan3A_12 = arith.constant 40 : i32
    %scan3A_13 = arith.addi %scan3A, %scan3A_12 : i32
    %scan3A_14 = arith.constant 1 : i32
    scf.for %scan3A_70 = %scan3A to %scan3A_13 step %scan3A_14  : i32 {
      %mul3A_71 = arith.constant 2 : i32
      %mul3A_72 = arith.muli %scan3A_70, %mul3A_71 : i32
      %add3A = arith.constant 0 : i32
      %add3A_73 = arith.addi %add3A, %mul3A_72 : i32
      %add3A_74 = arith.constant 0 : i32
      %add3A_75 = arith.addi %add3A_73, %add3A_74 : i32
      %add3A_76 = arith.constant 1 : i32
      %add3A_77 = arith.addi %add3A_75, %add3A_76 : i32
      %dma_start3A_78 = arith.constant 1 : i32
      %dma_start3A_79 = arith.constant 0 : i32
      %dma_start3A_80 = arith.constant 0 : i32
      %dma_start3A_81 = tpu.memref_slice %arg10[%dma_start3A_78, %dma_start3A_79, %dma_start3A_80] : memref<2x128x128xf32, #tpu.memory_space<vmem>> -> memref<1x128x128xf32, #tpu.memory_space<vmem>>
      %dma_start3A_82 = tpu.memref_squeeze %dma_start3A_81 : memref<1x128x128xf32, #tpu.memory_space<vmem>> -> memref<128x128xf32, #tpu.memory_space<vmem>>
      %dma_start3A_83 = arith.constant 0 : i32
      %dma_start3A_84 = tpu.memref_slice %arg8[%add3A_77, %dma_start3A_83] : memref<88x128xi32, #tpu.memory_space<vmem>> -> memref<1x128xi32, #tpu.memory_space<vmem>>
      %dma_start3A_85 = tpu.memref_squeeze %dma_start3A_84 : memref<1x128xi32, #tpu.memory_space<vmem>> -> memref<128xi32, #tpu.memory_space<vmem>>
      %dma_start3A_86 = arith.constant 0 : i32
      %dma_start3A_87 = arith.constant 0 : i32
      %dma_start3A_88 = tpu.memref_slice %arg11[%dma_start3A_86, %dma_start3A_87] : memref<10112x128xf32, #tpu.memory_space<vmem_shared>> -> memref<10112x128xf32, #tpu.memory_space<vmem_shared>>
      tpu.enqueue_indirect_dma source(%dma_start3A_88 : memref<10112x128xf32, #tpu.memory_space<vmem_shared>>) target(%dma_start3A_82 : memref<128x128xf32, #tpu.memory_space<vmem>>) offsets(%dma_start3A_85 : memref<128xi32, #tpu.memory_space<vmem>>) semaphore(%arg13 : memref<!tpu.dma_semaphore, #tpu.memory_space<semaphore_mem>>)
      %dma_wait3A_89 = arith.constant 0 : i32
      %dma_wait3A_90 = arith.constant 0 : i32
      %dma_wait3A_91 = arith.constant 0 : i32
      %dma_wait3A_92 = tpu.memref_slice %arg10[%dma_wait3A_89, %dma_wait3A_90, %dma_wait3A_91] : memref<2x128x128xf32, #tpu.memory_space<vmem>> -> memref<1x128x128xf32, #tpu.memory_space<vmem>>
      %dma_wait3A_93 = tpu.memref_squeeze %dma_wait3A_92 : memref<1x128x128xf32, #tpu.memory_space<vmem>> -> memref<128x128xf32, #tpu.memory_space<vmem>>
      %dma_wait3A_94 = arith.constant 0 : i32
      %dma_wait3A_95 = arith.constant 0 : i32
      %dma_wait3A_96 = tpu.memref_slice %arg2[%dma_wait3A_94, %dma_wait3A_95] : memref<10112x128xf32, #tpu.memory_space<hbm>> -> memref<128x128xf32, #tpu.memory_space<hbm>>
      %dma_wait3A_97 = arith.constant 0 : i32
      %dma_wait3A_98 = arith.constant 0 : i32
      %dma_wait3A_99 = tpu.memref_slice %arg10[%dma_wait3A_89, %dma_wait3A_97, %dma_wait3A_98] : memref<2x128x128xf32, #tpu.memory_space<vmem>> -> memref<1x128x128xf32, #tpu.memory_space<vmem>>
      %dma_wait3A_100 = tpu.memref_squeeze %dma_wait3A_99 : memref<1x128x128xf32, #tpu.memory_space<vmem>> -> memref<128x128xf32, #tpu.memory_space<vmem>>
      %dma_wait3A_101 = arith.constant 0 : i32
      %dma_wait3A_102 = arith.constant 0 : i32
      %dma_wait3A_103 = tpu.memref_slice %arg2[%dma_wait3A_101, %dma_wait3A_102] : memref<10112x128xf32, #tpu.memory_space<hbm>> -> memref<128x128xf32, #tpu.memory_space<hbm>>
      tpu.wait_dma2 semaphore(%arg12 : memref<!tpu.dma_semaphore, #tpu.memory_space<semaphore_mem>>) src(%dma_wait3A_103 : memref<128x128xf32, #tpu.memory_space<hbm>>) dst(%dma_wait3A_100 : memref<128x128xf32, #tpu.memory_space<vmem>>)
      %mul3A_104 = arith.constant 128 : i32
      %mul3A_105 = arith.muli %add3A_75, %mul3A_104 : i32
      %run_scoped3A = arith.constant 0 : i32
      "tpu.region"() ({
        %run_scoped3A_139 = tpu.sem_alloc : memref<!tpu.dma_semaphore, #tpu.memory_space<semaphore_mem>>
        %dma_start3A_140 = arith.constant 0 : i32
        %dma_start3A_141 = arith.constant 0 : i32
        %dma_start3A_142 = tpu.memref_slice %arg10[%run_scoped3A, %dma_start3A_140, %dma_start3A_141] : memref<2x128x128xf32, #tpu.memory_space<vmem>> -> memref<1x128x128xf32, #tpu.memory_space<vmem>>
        %dma_start3A_143 = tpu.memref_squeeze %dma_start3A_142 : memref<1x128x128xf32, #tpu.memory_space<vmem>> -> memref<128x128xf32, #tpu.memory_space<vmem>>
        %dma_start3A_144 = arith.constant 0 : i32
        %dma_start3A_145 = tpu.memref_slice %arg7[%arg0, %arg1, %mul3A_105, %dma_start3A_144] : memref<2x16x10368x128xf32, #tpu.memory_space<hbm>> -> memref<1x1x128x128xf32, #tpu.memory_space<hbm>>
        %dma_start3A_146 = tpu.memref_squeeze %dma_start3A_145 : memref<1x1x128x128xf32, #tpu.memory_space<hbm>> -> memref<128x128xf32, #tpu.memory_space<hbm>>
        %dma_start3A_147 = arith.constant 0 : i32
        %dma_start3A_148 = tpu.memref_slice %arg7[%arg0, %arg1, %mul3A_105, %dma_start3A_147] : memref<2x16x10368x128xf32, #tpu.memory_space<hbm>> -> memref<1x1x128x128xf32, #tpu.memory_space<hbm>>
        %dma_start3A_149 = tpu.memref_squeeze %dma_start3A_148 : memref<1x1x128x128xf32, #tpu.memory_space<hbm>> -> memref<128x128xf32, #tpu.memory_space<hbm>>
        %dma_start3A_150 = arith.constant 0 : i32
        %dma_start3A_151 = arith.constant 0 : i32
        %dma_start3A_152 = tpu.memref_slice %arg10[%run_scoped3A, %dma_start3A_150, %dma_start3A_151] : memref<2x128x128xf32, #tpu.memory_space<vmem>> -> memref<1x128x128xf32, #tpu.memory_space<vmem>>
        %dma_start3A_153 = tpu.memref_squeeze %dma_start3A_152 : memref<1x128x128xf32, #tpu.memory_space<vmem>> -> memref<128x128xf32, #tpu.memory_space<vmem>>
        tpu.enqueue_dma source(%dma_start3A_153 : memref<128x128xf32, #tpu.memory_space<vmem>>) target(%dma_start3A_149 : memref<128x128xf32, #tpu.memory_space<hbm>>) target_semaphore(%run_scoped3A_139 : memref<!tpu.dma_semaphore, #tpu.memory_space<semaphore_mem>>)
        %dma_wait3A_154 = arith.constant 0 : i32
        %dma_wait3A_155 = arith.constant 0 : i32
        %dma_wait3A_156 = tpu.memref_slice %arg10[%run_scoped3A, %dma_wait3A_154, %dma_wait3A_155] : memref<2x128x128xf32, #tpu.memory_space<vmem>> -> memref<1x128x128xf32, #tpu.memory_space<vmem>>
        %dma_wait3A_157 = tpu.memref_squeeze %dma_wait3A_156 : memref<1x128x128xf32, #tpu.memory_space<vmem>> -> memref<128x128xf32, #tpu.memory_space<vmem>>
        %dma_wait3A_158 = arith.constant 0 : i32
        %dma_wait3A_159 = tpu.memref_slice %arg7[%arg0, %arg1, %mul3A_105, %dma_wait3A_158] : memref<2x16x10368x128xf32, #tpu.memory_space<hbm>> -> memref<1x1x128x128xf32, #tpu.memory_space<hbm>>
        %dma_wait3A_160 = tpu.memref_squeeze %dma_wait3A_159 : memref<1x1x128x128xf32, #tpu.memory_space<hbm>> -> memref<128x128xf32, #tpu.memory_space<hbm>>
        %dma_wait3A_161 = arith.constant 0 : i32
        %dma_wait3A_162 = tpu.memref_slice %arg7[%arg0, %arg1, %mul3A_105, %dma_wait3A_161] : memref<2x16x10368x128xf32, #tpu.memory_space<hbm>> -> memref<1x1x128x128xf32, #tpu.memory_space<hbm>>
        %dma_wait3A_163 = tpu.memref_squeeze %dma_wait3A_162 : memref<1x1x128x128xf32, #tpu.memory_space<hbm>> -> memref<128x128xf32, #tpu.memory_space<hbm>>
        %dma_wait3A_164 = arith.constant 0 : i32
        %dma_wait3A_165 = arith.constant 0 : i32
        %dma_wait3A_166 = tpu.memref_slice %arg10[%run_scoped3A, %dma_wait3A_164, %dma_wait3A_165] : memref<2x128x128xf32, #tpu.memory_space<vmem>> -> memref<1x128x128xf32, #tpu.memory_space<vmem>>
        %dma_wait3A_167 = tpu.memref_squeeze %dma_wait3A_166 : memref<1x128x128xf32, #tpu.memory_space<vmem>> -> memref<128x128xf32, #tpu.memory_space<vmem>>
        tpu.wait_dma2 semaphore(%run_scoped3A_139 : memref<!tpu.dma_semaphore, #tpu.memory_space<semaphore_mem>>) src(%dma_wait3A_167 : memref<128x128xf32, #tpu.memory_space<vmem>>) dst(%dma_wait3A_163 : memref<128x128xf32, #tpu.memory_space<hbm>>)
        tpu.yield
      }) : () -> ()
      %add3A_106 = arith.constant 1 : i32
      %add3A_107 = arith.addi %add3A_73, %add3A_106 : i32
      %add3A_108 = arith.constant 1 : i32
      %add3A_109 = arith.addi %add3A_107, %add3A_108 : i32
      %dma_start3A_110 = arith.constant 0 : i32
      %dma_start3A_111 = arith.constant 0 : i32
      %dma_start3A_112 = arith.constant 0 : i32
      %dma_start3A_113 = tpu.memref_slice %arg10[%dma_start3A_110, %dma_start3A_111, %dma_start3A_112] : memref<2x128x128xf32, #tpu.memory_space<vmem>> -> memref<1x128x128xf32, #tpu.memory_space<vmem>>
      %dma_start3A_114 = tpu.memref_squeeze %dma_start3A_113 : memref<1x128x128xf32, #tpu.memory_space<vmem>> -> memref<128x128xf32, #tpu.memory_space<vmem>>
      %dma_start3A_115 = arith.constant 0 : i32
      %dma_start3A_116 = tpu.memref_slice %arg8[%add3A_109, %dma_start3A_115] : memref<88x128xi32, #tpu.memory_space<vmem>> -> memref<1x128xi32, #tpu.memory_space<vmem>>
      %dma_start3A_117 = tpu.memref_squeeze %dma_start3A_116 : memref<1x128xi32, #tpu.memory_space<vmem>> -> memref<128xi32, #tpu.memory_space<vmem>>
      %dma_start3A_118 = arith.constant 0 : i32
      %dma_start3A_119 = arith.constant 0 : i32
      %dma_start3A_120 = tpu.memref_slice %arg11[%dma_start3A_118, %dma_start3A_119] : memref<10112x128xf32, #tpu.memory_space<vmem_shared>> -> memref<10112x128xf32, #tpu.memory_space<vmem_shared>>
      tpu.enqueue_indirect_dma source(%dma_start3A_120 : memref<10112x128xf32, #tpu.memory_space<vmem_shared>>) target(%dma_start3A_114 : memref<128x128xf32, #tpu.memory_space<vmem>>) offsets(%dma_start3A_117 : memref<128xi32, #tpu.memory_space<vmem>>) semaphore(%arg12 : memref<!tpu.dma_semaphore, #tpu.memory_space<semaphore_mem>>)
      %dma_wait3A_121 = arith.constant 1 : i32
      %dma_wait3A_122 = arith.constant 0 : i32
      %dma_wait3A_123 = arith.constant 0 : i32
      %dma_wait3A_124 = tpu.memref_slice %arg10[%dma_wait3A_121, %dma_wait3A_122, %dma_wait3A_123] : memref<2x128x128xf32, #tpu.memory_space<vmem>> -> memref<1x128x128xf32, #tpu.memory_space<vmem>>
      %dma_wait3A_125 = tpu.memref_squeeze %dma_wait3A_124 : memref<1x128x128xf32, #tpu.memory_space<vmem>> -> memref<128x128xf32, #tpu.memory_space<vmem>>
      %dma_wait3A_126 = arith.constant 0 : i32
      %dma_wait3A_127 = arith.constant 0 : i32
      %dma_wait3A_128 = tpu.memref_slice %arg2[%dma_wait3A_126, %dma_wait3A_127] : memref<10112x128xf32, #tpu.memory_space<hbm>> -> memref<128x128xf32, #tpu.memory_space<hbm>>
      %dma_wait3A_129 = arith.constant 0 : i32
      %dma_wait3A_130 = arith.constant 0 : i32
      %dma_wait3A_131 = tpu.memref_slice %arg10[%dma_wait3A_121, %dma_wait3A_129, %dma_wait3A_130] : memref<2x128x128xf32, #tpu.memory_space<vmem>> -> memref<1x128x128xf32, #tpu.memory_space<vmem>>
      %dma_wait3A_132 = tpu.memref_squeeze %dma_wait3A_131 : memref<1x128x128xf32, #tpu.memory_space<vmem>> -> memref<128x128xf32, #tpu.memory_space<vmem>>
      %dma_wait3A_133 = arith.constant 0 : i32
      %dma_wait3A_134 = arith.constant 0 : i32
      %dma_wait3A_135 = tpu.memref_slice %arg2[%dma_wait3A_133, %dma_wait3A_134] : memref<10112x128xf32, #tpu.memory_space<hbm>> -> memref<128x128xf32, #tpu.memory_space<hbm>>
      tpu.wait_dma2 semaphore(%arg13 : memref<!tpu.dma_semaphore, #tpu.memory_space<semaphore_mem>>) src(%dma_wait3A_135 : memref<128x128xf32, #tpu.memory_space<hbm>>) dst(%dma_wait3A_132 : memref<128x128xf32, #tpu.memory_space<vmem>>)
      %mul3A_136 = arith.constant 128 : i32
      %mul3A_137 = arith.muli %add3A_107, %mul3A_136 : i32
      %run_scoped3A_138 = arith.constant 1 : i32
      "tpu.region"() ({
        %run_scoped3A_139 = tpu.sem_alloc : memref<!tpu.dma_semaphore, #tpu.memory_space<semaphore_mem>>
        %dma_start3A_140 = arith.constant 0 : i32
        %dma_start3A_141 = arith.constant 0 : i32
        %dma_start3A_142 = tpu.memref_slice %arg10[%run_scoped3A_138, %dma_start3A_140, %dma_start3A_141] : memref<2x128x128xf32, #tpu.memory_space<vmem>> -> memref<1x128x128xf32, #tpu.memory_space<vmem>>
        %dma_start3A_143 = tpu.memref_squeeze %dma_start3A_142 : memref<1x128x128xf32, #tpu.memory_space<vmem>> -> memref<128x128xf32, #tpu.memory_space<vmem>>
        %dma_start3A_144 = arith.constant 0 : i32
        %dma_start3A_145 = tpu.memref_slice %arg7[%arg0, %arg1, %mul3A_137, %dma_start3A_144] : memref<2x16x10368x128xf32, #tpu.memory_space<hbm>> -> memref<1x1x128x128xf32, #tpu.memory_space<hbm>>
        %dma_start3A_146 = tpu.memref_squeeze %dma_start3A_145 : memref<1x1x128x128xf32, #tpu.memory_space<hbm>> -> memref<128x128xf32, #tpu.memory_space<hbm>>
        %dma_start3A_147 = arith.constant 0 : i32
        %dma_start3A_148 = tpu.memref_slice %arg7[%arg0, %arg1, %mul3A_137, %dma_start3A_147] : memref<2x16x10368x128xf32, #tpu.memory_space<hbm>> -> memref<1x1x128x128xf32, #tpu.memory_space<hbm>>
        %dma_start3A_149 = tpu.memref_squeeze %dma_start3A_148 : memref<1x1x128x128xf32, #tpu.memory_space<hbm>> -> memref<128x128xf32, #tpu.memory_space<hbm>>
        %dma_start3A_150 = arith.constant 0 : i32
        %dma_start3A_151 = arith.constant 0 : i32
        %dma_start3A_152 = tpu.memref_slice %arg10[%run_scoped3A_138, %dma_start3A_150, %dma_start3A_151] : memref<2x128x128xf32, #tpu.memory_space<vmem>> -> memref<1x128x128xf32, #tpu.memory_space<vmem>>
        %dma_start3A_153 = tpu.memref_squeeze %dma_start3A_152 : memref<1x128x128xf32, #tpu.memory_space<vmem>> -> memref<128x128xf32, #tpu.memory_space<vmem>>
        tpu.enqueue_dma source(%dma_start3A_153 : memref<128x128xf32, #tpu.memory_space<vmem>>) target(%dma_start3A_149 : memref<128x128xf32, #tpu.memory_space<hbm>>) target_semaphore(%run_scoped3A_139 : memref<!tpu.dma_semaphore, #tpu.memory_space<semaphore_mem>>)
        %dma_wait3A_154 = arith.constant 0 : i32
        %dma_wait3A_155 = arith.constant 0 : i32
        %dma_wait3A_156 = tpu.memref_slice %arg10[%run_scoped3A_138, %dma_wait3A_154, %dma_wait3A_155] : memref<2x128x128xf32, #tpu.memory_space<vmem>> -> memref<1x128x128xf32, #tpu.memory_space<vmem>>
        %dma_wait3A_157 = tpu.memref_squeeze %dma_wait3A_156 : memref<1x128x128xf32, #tpu.memory_space<vmem>> -> memref<128x128xf32, #tpu.memory_space<vmem>>
        %dma_wait3A_158 = arith.constant 0 : i32
        %dma_wait3A_159 = tpu.memref_slice %arg7[%arg0, %arg1, %mul3A_137, %dma_wait3A_158] : memref<2x16x10368x128xf32, #tpu.memory_space<hbm>> -> memref<1x1x128x128xf32, #tpu.memory_space<hbm>>
        %dma_wait3A_160 = tpu.memref_squeeze %dma_wait3A_159 : memref<1x1x128x128xf32, #tpu.memory_space<hbm>> -> memref<128x128xf32, #tpu.memory_space<hbm>>
        %dma_wait3A_161 = arith.constant 0 : i32
        %dma_wait3A_162 = tpu.memref_slice %arg7[%arg0, %arg1, %mul3A_137, %dma_wait3A_161] : memref<2x16x10368x128xf32, #tpu.memory_space<hbm>> -> memref<1x1x128x128xf32, #tpu.memory_space<hbm>>
        %dma_wait3A_163 = tpu.memref_squeeze %dma_wait3A_162 : memref<1x1x128x128xf32, #tpu.memory_space<hbm>> -> memref<128x128xf32, #tpu.memory_space<hbm>>
        %dma_wait3A_164 = arith.constant 0 : i32
        %dma_wait3A_165 = arith.constant 0 : i32
        %dma_wait3A_166 = tpu.memref_slice %arg10[%run_scoped3A_138, %dma_wait3A_164, %dma_wait3A_165] : memref<2x128x128xf32, #tpu.memory_space<vmem>> -> memref<1x128x128xf32, #tpu.memory_space<vmem>>
        %dma_wait3A_167 = tpu.memref_squeeze %dma_wait3A_166 : memref<1x128x128xf32, #tpu.memory_space<vmem>> -> memref<128x128xf32, #tpu.memory_space<vmem>>
        tpu.wait_dma2 semaphore(%run_scoped3A_139 : memref<!tpu.dma_semaphore, #tpu.memory_space<semaphore_mem>>) src(%dma_wait3A_167 : memref<128x128xf32, #tpu.memory_space<vmem>>) dst(%dma_wait3A_163 : memref<128x128xf32, #tpu.memory_space<hbm>>)
        tpu.yield
      }) : () -> ()
    }
    %scan3A_15 = arith.constant 40 : i32
    %dma_wait3A = arith.constant 0 : i32
    %dma_wait3A_16 = arith.constant 0 : i32
    %dma_wait3A_17 = arith.constant 0 : i32
    %dma_wait3A_18 = tpu.memref_slice %arg10[%dma_wait3A, %dma_wait3A_16, %dma_wait3A_17] : memref<2x128x128xf32, #tpu.memory_space<vmem>> -> memref<1x128x128xf32, #tpu.memory_space<vmem>>
    %dma_wait3A_19 = tpu.memref_squeeze %dma_wait3A_18 : memref<1x128x128xf32, #tpu.memory_space<vmem>> -> memref<128x128xf32, #tpu.memory_space<vmem>>
    %dma_wait3A_20 = arith.constant 0 : i32
    %dma_wait3A_21 = arith.constant 0 : i32
    %dma_wait3A_22 = tpu.memref_slice %arg2[%dma_wait3A_20, %dma_wait3A_21] : memref<10112x128xf32, #tpu.memory_space<hbm>> -> memref<128x128xf32, #tpu.memory_space<hbm>>
    %dma_wait3A_23 = arith.constant 0 : i32
    %dma_wait3A_24 = arith.constant 0 : i32
    %dma_wait3A_25 = tpu.memref_slice %arg10[%dma_wait3A, %dma_wait3A_23, %dma_wait3A_24] : memref<2x128x128xf32, #tpu.memory_space<vmem>> -> memref<1x128x128xf32, #tpu.memory_space<vmem>>
    %dma_wait3A_26 = tpu.memref_squeeze %dma_wait3A_25 : memref<1x128x128xf32, #tpu.memory_space<vmem>> -> memref<128x128xf32, #tpu.memory_space<vmem>>
    %dma_wait3A_27 = arith.constant 0 : i32
    %dma_wait3A_28 = arith.constant 0 : i32
    %dma_wait3A_29 = tpu.memref_slice %arg2[%dma_wait3A_27, %dma_wait3A_28] : memref<10112x128xf32, #tpu.memory_space<hbm>> -> memref<128x128xf32, #tpu.memory_space<hbm>>
    tpu.wait_dma2 semaphore(%arg12 : memref<!tpu.dma_semaphore, #tpu.memory_space<semaphore_mem>>) src(%dma_wait3A_29 : memref<128x128xf32, #tpu.memory_space<hbm>>) dst(%dma_wait3A_26 : memref<128x128xf32, #tpu.memory_space<vmem>>)
    %barrier3A_30 = arith.constant 0 : index
    tpu.barrier barrier_id(%barrier3A_30)
    "tpu.region"() ({
      %run_scoped3A = tpu.sem_alloc : memref<!tpu.dma_semaphore, #tpu.memory_space<semaphore_mem>>
      %dma_start3A_70 = arith.constant 0 : i32
      %dma_start3A_71 = tpu.memref_slice %arg11[%mul3A_0, %dma_start3A_70] : memref<10112x128xf32, #tpu.memory_space<vmem_shared>> -> memref<632x128xf32, #tpu.memory_space<vmem_shared>>
      tpu.enqueue_dma source(%arg5 : memref<632x128xf32, #tpu.memory_space<hbm>>) target(%dma_start3A_71 : memref<632x128xf32, #tpu.memory_space<vmem_shared>>) target_semaphore(%run_scoped3A : memref<!tpu.dma_semaphore, #tpu.memory_space<semaphore_mem>>)
      %dma_wait3A_72 = arith.constant 0 : i32
      %dma_wait3A_73 = tpu.memref_slice %arg11[%mul3A_0, %dma_wait3A_72] : memref<10112x128xf32, #tpu.memory_space<vmem_shared>> -> memref<632x128xf32, #tpu.memory_space<vmem_shared>>
      tpu.wait_dma2 semaphore(%run_scoped3A : memref<!tpu.dma_semaphore, #tpu.memory_space<semaphore_mem>>) src(%arg5 : memref<632x128xf32, #tpu.memory_space<hbm>>) dst(%dma_wait3A_73 : memref<632x128xf32, #tpu.memory_space<vmem_shared>>)
      tpu.yield
    }) : () -> ()
    "tpu.region"() ({
      %run_scoped3A = tpu.sem_alloc : memref<!tpu.dma_semaphore, #tpu.memory_space<semaphore_mem>>
      %dma_start3A_70 = arith.constant 0 : i32
      %dma_start3A_71 = arith.constant 0 : i32
      %dma_start3A_72 = tpu.memref_slice %arg4[%arg0, %arg1, %dma_start3A_70, %dma_start3A_71] : memref<2x16x80x128xi32, #tpu.memory_space<hbm>> -> memref<1x1x32x128xi32, #tpu.memory_space<hbm>>
      %dma_start3A_73 = tpu.memref_squeeze %dma_start3A_72 : memref<1x1x32x128xi32, #tpu.memory_space<hbm>> -> memref<32x128xi32, #tpu.memory_space<hbm>>
      %dma_start3A_74 = arith.constant 0 : i32
      %dma_start3A_75 = arith.constant 0 : i32
      %dma_start3A_76 = tpu.memref_slice %arg4[%arg0, %arg1, %dma_start3A_74, %dma_start3A_75] : memref<2x16x80x128xi32, #tpu.memory_space<hbm>> -> memref<1x1x32x128xi32, #tpu.memory_space<hbm>>
      %dma_start3A_77 = tpu.memref_squeeze %dma_start3A_76 : memref<1x1x32x128xi32, #tpu.memory_space<hbm>> -> memref<32x128xi32, #tpu.memory_space<hbm>>
      tpu.enqueue_dma source(%dma_start3A_77 : memref<32x128xi32, #tpu.memory_space<hbm>>) target(%arg9 : memref<32x128xi32, #tpu.memory_space<vmem>>) target_semaphore(%run_scoped3A : memref<!tpu.dma_semaphore, #tpu.memory_space<semaphore_mem>>)
      %dma_wait3A_78 = arith.constant 0 : i32
      %dma_wait3A_79 = arith.constant 0 : i32
      %dma_wait3A_80 = tpu.memref_slice %arg4[%arg0, %arg1, %dma_wait3A_78, %dma_wait3A_79] : memref<2x16x80x128xi32, #tpu.memory_space<hbm>> -> memref<1x1x32x128xi32, #tpu.memory_space<hbm>>
      %dma_wait3A_81 = tpu.memref_squeeze %dma_wait3A_80 : memref<1x1x32x128xi32, #tpu.memory_space<hbm>> -> memref<32x128xi32, #tpu.memory_space<hbm>>
      %dma_wait3A_82 = arith.constant 0 : i32
      %dma_wait3A_83 = arith.constant 0 : i32
      %dma_wait3A_84 = tpu.memref_slice %arg4[%arg0, %arg1, %dma_wait3A_82, %dma_wait3A_83] : memref<2x16x80x128xi32, #tpu.memory_space<hbm>> -> memref<1x1x32x128xi32, #tpu.memory_space<hbm>>
      %dma_wait3A_85 = tpu.memref_squeeze %dma_wait3A_84 : memref<1x1x32x128xi32, #tpu.memory_space<hbm>> -> memref<32x128xi32, #tpu.memory_space<hbm>>
      tpu.wait_dma2 semaphore(%run_scoped3A : memref<!tpu.dma_semaphore, #tpu.memory_space<semaphore_mem>>) src(%dma_wait3A_85 : memref<32x128xi32, #tpu.memory_space<hbm>>) dst(%arg9 : memref<32x128xi32, #tpu.memory_space<vmem>>)
      tpu.yield
    }) : () -> ()
    %barrier3A_31 = arith.constant 0 : index
    tpu.barrier barrier_id(%barrier3A_31)
    %dma_start3A_32 = arith.constant 0 : i32
    %dma_start3A_33 = arith.constant 0 : i32
    %dma_start3A_34 = arith.constant 0 : i32
    %dma_start3A_35 = tpu.memref_slice %arg10[%dma_start3A_32, %dma_start3A_33, %dma_start3A_34] : memref<2x128x128xf32, #tpu.memory_space<vmem>> -> memref<1x128x128xf32, #tpu.memory_space<vmem>>
    %dma_start3A_36 = tpu.memref_squeeze %dma_start3A_35 : memref<1x128x128xf32, #tpu.memory_space<vmem>> -> memref<128x128xf32, #tpu.memory_space<vmem>>
    %dma_start3A_37 = arith.constant 0 : i32
    %dma_start3A_38 = arith.constant 0 : i32
    %dma_start3A_39 = tpu.memref_slice %arg7[%arg0, %arg1, %dma_start3A_37, %dma_start3A_38] : memref<2x16x10368x128xf32, #tpu.memory_space<hbm>> -> memref<1x1x128x128xf32, #tpu.memory_space<hbm>>
    %dma_start3A_40 = tpu.memref_squeeze %dma_start3A_39 : memref<1x1x128x128xf32, #tpu.memory_space<hbm>> -> memref<128x128xf32, #tpu.memory_space<hbm>>
    %dma_start3A_41 = arith.constant 0 : i32
    %dma_start3A_42 = arith.constant 0 : i32
    %dma_start3A_43 = tpu.memref_slice %arg10[%dma_start3A_32, %dma_start3A_41, %dma_start3A_42] : memref<2x128x128xf32, #tpu.memory_space<vmem>> -> memref<1x128x128xf32, #tpu.memory_space<vmem>>
    %dma_start3A_44 = tpu.memref_squeeze %dma_start3A_43 : memref<1x128x128xf32, #tpu.memory_space<vmem>> -> memref<128x128xf32, #tpu.memory_space<vmem>>
    %dma_start3A_45 = arith.constant 0 : i32
    %dma_start3A_46 = arith.constant 0 : i32
    %dma_start3A_47 = tpu.memref_slice %arg7[%arg0, %arg1, %dma_start3A_45, %dma_start3A_46] : memref<2x16x10368x128xf32, #tpu.memory_space<hbm>> -> memref<1x1x128x128xf32, #tpu.memory_space<hbm>>
    %dma_start3A_48 = tpu.memref_squeeze %dma_start3A_47 : memref<1x1x128x128xf32, #tpu.memory_space<hbm>> -> memref<128x128xf32, #tpu.memory_space<hbm>>
    tpu.enqueue_dma source(%dma_start3A_48 : memref<128x128xf32, #tpu.memory_space<hbm>>) target(%dma_start3A_44 : memref<128x128xf32, #tpu.memory_space<vmem>>) target_semaphore(%arg12 : memref<!tpu.dma_semaphore, #tpu.memory_space<semaphore_mem>>)
    %scan3A_49 = arith.constant 0 : i32
    %scan3A_50 = arith.constant 5 : i32
    %scan3A_51 = arith.addi %scan3A_49, %scan3A_50 : i32
    %scan3A_52 = arith.constant 1 : i32
    scf.for %scan3A_70 = %scan3A_49 to %scan3A_51 step %scan3A_52  : i32 {
      %mul3A_71 = arith.constant 16 : i32
      %mul3A_72 = arith.muli %scan3A_70, %mul3A_71 : i32
      %add3A = arith.constant 0 : i32
      %add3A_73 = arith.addi %add3A, %mul3A_72 : i32
      %gt3A = arith.constant 0 : i32
      %gt3A_74 = arith.cmpi sgt, %add3A_73, %gt3A : i32
      %convert_element_type3A = arith.extui %gt3A_74 : i1 to i32
      %cond3A = arith.constant 0 : i32
      %cond3A_75 = arith.cmpi ne, %convert_element_type3A, %cond3A : i32
      scf.if %cond3A_75 {
        %rem3A = arith.constant 32 : i32
        %rem3A_85 = arith.remsi %add3A_73, %rem3A : i32
        %dma_wait3A_86 = arith.constant 0 : i32
        %dma_wait3A_87 = tpu.memref_slice %arg9[%rem3A_85, %dma_wait3A_86] : memref<32x128xi32, #tpu.memory_space<vmem>> -> memref<16x128xi32, #tpu.memory_space<vmem>>
        %dma_wait3A_88 = arith.constant 0 : i32
        %dma_wait3A_89 = tpu.memref_slice %arg4[%arg0, %arg1, %rem3A_85, %dma_wait3A_88] : memref<2x16x80x128xi32, #tpu.memory_space<hbm>> -> memref<1x1x16x128xi32, #tpu.memory_space<hbm>>
        %dma_wait3A_90 = tpu.memref_squeeze %dma_wait3A_89 : memref<1x1x16x128xi32, #tpu.memory_space<hbm>> -> memref<16x128xi32, #tpu.memory_space<hbm>>
        %dma_wait3A_91 = arith.constant 0 : i32
        %dma_wait3A_92 = tpu.memref_slice %arg9[%rem3A_85, %dma_wait3A_91] : memref<32x128xi32, #tpu.memory_space<vmem>> -> memref<16x128xi32, #tpu.memory_space<vmem>>
        %dma_wait3A_93 = arith.constant 0 : i32
        %dma_wait3A_94 = tpu.memref_slice %arg4[%arg0, %arg1, %rem3A_85, %dma_wait3A_93] : memref<2x16x80x128xi32, #tpu.memory_space<hbm>> -> memref<1x1x16x128xi32, #tpu.memory_space<hbm>>
        %dma_wait3A_95 = tpu.memref_squeeze %dma_wait3A_94 : memref<1x1x16x128xi32, #tpu.memory_space<hbm>> -> memref<16x128xi32, #tpu.memory_space<hbm>>
        tpu.wait_dma2 semaphore(%arg14 : memref<!tpu.dma_semaphore, #tpu.memory_space<semaphore_mem>>) src(%dma_wait3A_95 : memref<16x128xi32, #tpu.memory_space<hbm>>) dst(%dma_wait3A_92 : memref<16x128xi32, #tpu.memory_space<vmem>>)
      } else {
      }
      %lt3A = arith.constant 64 : i32
      %lt3A_76 = arith.cmpi slt, %add3A_73, %lt3A : i32
      %convert_element_type3A_77 = arith.extui %lt3A_76 : i1 to i32
      %cond3A_78 = arith.constant 0 : i32
      %cond3A_79 = arith.cmpi ne, %convert_element_type3A_77, %cond3A_78 : i32
      scf.if %cond3A_79 {
        %add3A_85 = arith.constant 16 : i32
        %add3A_86 = arith.addi %add3A_73, %add3A_85 : i32
        %add3A_87 = arith.constant 16 : i32
        %add3A_88 = arith.addi %add3A_73, %add3A_87 : i32
        %rem3A = arith.constant 32 : i32
        %rem3A_89 = arith.remsi %add3A_88, %rem3A : i32
        %dma_start3A_90 = arith.constant 0 : i32
        %dma_start3A_91 = tpu.memref_slice %arg9[%rem3A_89, %dma_start3A_90] : memref<32x128xi32, #tpu.memory_space<vmem>> -> memref<16x128xi32, #tpu.memory_space<vmem>>
        %dma_start3A_92 = arith.constant 0 : i32
        %dma_start3A_93 = tpu.memref_slice %arg4[%arg0, %arg1, %add3A_86, %dma_start3A_92] : memref<2x16x80x128xi32, #tpu.memory_space<hbm>> -> memref<1x1x16x128xi32, #tpu.memory_space<hbm>>
        %dma_start3A_94 = tpu.memref_squeeze %dma_start3A_93 : memref<1x1x16x128xi32, #tpu.memory_space<hbm>> -> memref<16x128xi32, #tpu.memory_space<hbm>>
        %dma_start3A_95 = arith.constant 0 : i32
        %dma_start3A_96 = tpu.memref_slice %arg9[%rem3A_89, %dma_start3A_95] : memref<32x128xi32, #tpu.memory_space<vmem>> -> memref<16x128xi32, #tpu.memory_space<vmem>>
        %dma_start3A_97 = arith.constant 0 : i32
        %dma_start3A_98 = tpu.memref_slice %arg4[%arg0, %arg1, %add3A_86, %dma_start3A_97] : memref<2x16x80x128xi32, #tpu.memory_space<hbm>> -> memref<1x1x16x128xi32, #tpu.memory_space<hbm>>
        %dma_start3A_99 = tpu.memref_squeeze %dma_start3A_98 : memref<1x1x16x128xi32, #tpu.memory_space<hbm>> -> memref<16x128xi32, #tpu.memory_space<hbm>>
        tpu.enqueue_dma source(%dma_start3A_99 : memref<16x128xi32, #tpu.memory_space<hbm>>) target(%dma_start3A_96 : memref<16x128xi32, #tpu.memory_space<vmem>>) target_semaphore(%arg14 : memref<!tpu.dma_semaphore, #tpu.memory_space<semaphore_mem>>)
      } else {
      }
      %scan3A_80 = arith.constant 0 : i32
      %scan3A_81 = arith.constant 8 : i32
      %scan3A_82 = arith.addi %scan3A_80, %scan3A_81 : i32
      %scan3A_83 = arith.constant 1 : i32
      scf.for %scan3A_85 = %scan3A_80 to %scan3A_82 step %scan3A_83  : i32 {
        %mul3A_86 = arith.constant 2 : i32
        %mul3A_87 = arith.muli %scan3A_85, %mul3A_86 : i32
        %add3A_88 = arith.constant 0 : i32
        %add3A_89 = arith.addi %add3A_88, %mul3A_87 : i32
        %add3A_90 = arith.addi %add3A_73, %add3A_89 : i32
        %add3A_91 = arith.constant 0 : i32
        %add3A_92 = arith.addi %add3A_90, %add3A_91 : i32
        %rem3A = arith.constant 32 : i32
        %rem3A_93 = arith.remsi %add3A_92, %rem3A : i32
        %add3A_94 = arith.constant 1 : i32
        %add3A_95 = arith.addi %add3A_92, %add3A_94 : i32
        %mul3A_96 = arith.constant 128 : i32
        %mul3A_97 = arith.muli %add3A_95, %mul3A_96 : i32
        %dma_start3A_98 = arith.constant 1 : i32
        %dma_start3A_99 = arith.constant 0 : i32
        %dma_start3A_100 = arith.constant 0 : i32
        %dma_start3A_101 = tpu.memref_slice %arg10[%dma_start3A_98, %dma_start3A_99, %dma_start3A_100] : memref<2x128x128xf32, #tpu.memory_space<vmem>> -> memref<1x128x128xf32, #tpu.memory_space<vmem>>
        %dma_start3A_102 = tpu.memref_squeeze %dma_start3A_101 : memref<1x128x128xf32, #tpu.memory_space<vmem>> -> memref<128x128xf32, #tpu.memory_space<vmem>>
        %dma_start3A_103 = arith.constant 0 : i32
        %dma_start3A_104 = tpu.memref_slice %arg7[%arg0, %arg1, %mul3A_97, %dma_start3A_103] : memref<2x16x10368x128xf32, #tpu.memory_space<hbm>> -> memref<1x1x128x128xf32, #tpu.memory_space<hbm>>
        %dma_start3A_105 = tpu.memref_squeeze %dma_start3A_104 : memref<1x1x128x128xf32, #tpu.memory_space<hbm>> -> memref<128x128xf32, #tpu.memory_space<hbm>>
        %dma_start3A_106 = arith.constant 0 : i32
        %dma_start3A_107 = arith.constant 0 : i32
        %dma_start3A_108 = tpu.memref_slice %arg10[%dma_start3A_98, %dma_start3A_106, %dma_start3A_107] : memref<2x128x128xf32, #tpu.memory_space<vmem>> -> memref<1x128x128xf32, #tpu.memory_space<vmem>>
        %dma_start3A_109 = tpu.memref_squeeze %dma_start3A_108 : memref<1x128x128xf32, #tpu.memory_space<vmem>> -> memref<128x128xf32, #tpu.memory_space<vmem>>
        %dma_start3A_110 = arith.constant 0 : i32
        %dma_start3A_111 = tpu.memref_slice %arg7[%arg0, %arg1, %mul3A_97, %dma_start3A_110] : memref<2x16x10368x128xf32, #tpu.memory_space<hbm>> -> memref<1x1x128x128xf32, #tpu.memory_space<hbm>>
        %dma_start3A_112 = tpu.memref_squeeze %dma_start3A_111 : memref<1x1x128x128xf32, #tpu.memory_space<hbm>> -> memref<128x128xf32, #tpu.memory_space<hbm>>
        tpu.enqueue_dma source(%dma_start3A_112 : memref<128x128xf32, #tpu.memory_space<hbm>>) target(%dma_start3A_109 : memref<128x128xf32, #tpu.memory_space<vmem>>) target_semaphore(%arg13 : memref<!tpu.dma_semaphore, #tpu.memory_space<semaphore_mem>>)
        %dma_wait3A_113 = arith.constant 0 : i32
        %dma_wait3A_114 = arith.constant 0 : i32
        %dma_wait3A_115 = arith.constant 0 : i32
        %dma_wait3A_116 = tpu.memref_slice %arg10[%dma_wait3A_113, %dma_wait3A_114, %dma_wait3A_115] : memref<2x128x128xf32, #tpu.memory_space<vmem>> -> memref<1x128x128xf32, #tpu.memory_space<vmem>>
        %dma_wait3A_117 = tpu.memref_squeeze %dma_wait3A_116 : memref<1x128x128xf32, #tpu.memory_space<vmem>> -> memref<128x128xf32, #tpu.memory_space<vmem>>
        %dma_wait3A_118 = arith.constant 0 : i32
        %dma_wait3A_119 = arith.constant 0 : i32
        %dma_wait3A_120 = tpu.memref_slice %arg2[%dma_wait3A_118, %dma_wait3A_119] : memref<10112x128xf32, #tpu.memory_space<hbm>> -> memref<128x128xf32, #tpu.memory_space<hbm>>
        %dma_wait3A_121 = arith.constant 0 : i32
        %dma_wait3A_122 = arith.constant 0 : i32
        %dma_wait3A_123 = tpu.memref_slice %arg10[%dma_wait3A_113, %dma_wait3A_121, %dma_wait3A_122] : memref<2x128x128xf32, #tpu.memory_space<vmem>> -> memref<1x128x128xf32, #tpu.memory_space<vmem>>
        %dma_wait3A_124 = tpu.memref_squeeze %dma_wait3A_123 : memref<1x128x128xf32, #tpu.memory_space<vmem>> -> memref<128x128xf32, #tpu.memory_space<vmem>>
        %dma_wait3A_125 = arith.constant 0 : i32
        %dma_wait3A_126 = arith.constant 0 : i32
        %dma_wait3A_127 = tpu.memref_slice %arg2[%dma_wait3A_125, %dma_wait3A_126] : memref<10112x128xf32, #tpu.memory_space<hbm>> -> memref<128x128xf32, #tpu.memory_space<hbm>>
        tpu.wait_dma2 semaphore(%arg12 : memref<!tpu.dma_semaphore, #tpu.memory_space<semaphore_mem>>) src(%dma_wait3A_127 : memref<128x128xf32, #tpu.memory_space<hbm>>) dst(%dma_wait3A_124 : memref<128x128xf32, #tpu.memory_space<vmem>>)
        %run_scoped3A = arith.constant 0 : i32
        "tpu.region"() ({
          %run_scoped3A_168 = tpu.sem_alloc : memref<!tpu.dma_semaphore, #tpu.memory_space<semaphore_mem>>
          %dma_start3A_169 = arith.constant 0 : i32
          %dma_start3A_170 = arith.constant 0 : i32
          %dma_start3A_171 = tpu.memref_slice %arg10[%run_scoped3A, %dma_start3A_169, %dma_start3A_170] : memref<2x128x128xf32, #tpu.memory_space<vmem>> -> memref<1x128x128xf32, #tpu.memory_space<vmem>>
          %dma_start3A_172 = tpu.memref_squeeze %dma_start3A_171 : memref<1x128x128xf32, #tpu.memory_space<vmem>> -> memref<128x128xf32, #tpu.memory_space<vmem>>
          %dma_start3A_173 = arith.constant 0 : i32
          %dma_start3A_174 = tpu.memref_slice %arg9[%rem3A_93, %dma_start3A_173] : memref<32x128xi32, #tpu.memory_space<vmem>> -> memref<1x128xi32, #tpu.memory_space<vmem>>
          %dma_start3A_175 = tpu.memref_squeeze %dma_start3A_174 : memref<1x128xi32, #tpu.memory_space<vmem>> -> memref<128xi32, #tpu.memory_space<vmem>>
          %dma_start3A_176 = arith.constant 0 : i32
          %dma_start3A_177 = arith.constant 0 : i32
          %dma_start3A_178 = tpu.memref_slice %arg11[%dma_start3A_176, %dma_start3A_177] : memref<10112x128xf32, #tpu.memory_space<vmem_shared>> -> memref<10112x128xf32, #tpu.memory_space<vmem_shared>>
          tpu.enqueue_indirect_dma source(%dma_start3A_172 : memref<128x128xf32, #tpu.memory_space<vmem>>) target(%dma_start3A_178 : memref<10112x128xf32, #tpu.memory_space<vmem_shared>>) offsets(%dma_start3A_175 : memref<128xi32, #tpu.memory_space<vmem>>) semaphore(%run_scoped3A_168 : memref<!tpu.dma_semaphore, #tpu.memory_space<semaphore_mem>>) {add = true}
          %dma_wait3A_179 = arith.constant 0 : i32
          %dma_wait3A_180 = arith.constant 0 : i32
          %dma_wait3A_181 = tpu.memref_slice %arg10[%run_scoped3A, %dma_wait3A_179, %dma_wait3A_180] : memref<2x128x128xf32, #tpu.memory_space<vmem>> -> memref<1x128x128xf32, #tpu.memory_space<vmem>>
          %dma_wait3A_182 = tpu.memref_squeeze %dma_wait3A_181 : memref<1x128x128xf32, #tpu.memory_space<vmem>> -> memref<128x128xf32, #tpu.memory_space<vmem>>
          %dma_wait3A_183 = arith.constant 0 : i32
          %dma_wait3A_184 = tpu.memref_slice %arg9[%rem3A_93, %dma_wait3A_183] : memref<32x128xi32, #tpu.memory_space<vmem>> -> memref<1x128xi32, #tpu.memory_space<vmem>>
          %dma_wait3A_185 = tpu.memref_squeeze %dma_wait3A_184 : memref<1x128xi32, #tpu.memory_space<vmem>> -> memref<128xi32, #tpu.memory_space<vmem>>
          %dma_wait3A_186 = arith.constant 0 : i32
          %dma_wait3A_187 = arith.constant 0 : i32
          %dma_wait3A_188 = tpu.memref_slice %arg11[%dma_wait3A_186, %dma_wait3A_187] : memref<10112x128xf32, #tpu.memory_space<vmem_shared>> -> memref<10112x128xf32, #tpu.memory_space<vmem_shared>>
          tpu.wait_indirect_dma semaphore(%run_scoped3A_168 : memref<!tpu.dma_semaphore, #tpu.memory_space<semaphore_mem>>) src(%dma_wait3A_182 : memref<128x128xf32, #tpu.memory_space<vmem>>) dst(%dma_wait3A_188 : memref<10112x128xf32, #tpu.memory_space<vmem_shared>>)
          tpu.yield
        }) : () -> ()
        %add3A_128 = arith.addi %add3A_73, %add3A_89 : i32
        %add3A_129 = arith.constant 1 : i32
        %add3A_130 = arith.addi %add3A_128, %add3A_129 : i32
        %rem3A_131 = arith.constant 32 : i32
        %rem3A_132 = arith.remsi %add3A_130, %rem3A_131 : i32
        %add3A_133 = arith.constant 1 : i32
        %add3A_134 = arith.addi %add3A_130, %add3A_133 : i32
        %mul3A_135 = arith.constant 128 : i32
        %mul3A_136 = arith.muli %add3A_134, %mul3A_135 : i32
        %dma_start3A_137 = arith.constant 0 : i32
        %dma_start3A_138 = arith.constant 0 : i32
        %dma_start3A_139 = arith.constant 0 : i32
        %dma_start3A_140 = tpu.memref_slice %arg10[%dma_start3A_137, %dma_start3A_138, %dma_start3A_139] : memref<2x128x128xf32, #tpu.memory_space<vmem>> -> memref<1x128x128xf32, #tpu.memory_space<vmem>>
        %dma_start3A_141 = tpu.memref_squeeze %dma_start3A_140 : memref<1x128x128xf32, #tpu.memory_space<vmem>> -> memref<128x128xf32, #tpu.memory_space<vmem>>
        %dma_start3A_142 = arith.constant 0 : i32
        %dma_start3A_143 = tpu.memref_slice %arg7[%arg0, %arg1, %mul3A_136, %dma_start3A_142] : memref<2x16x10368x128xf32, #tpu.memory_space<hbm>> -> memref<1x1x128x128xf32, #tpu.memory_space<hbm>>
        %dma_start3A_144 = tpu.memref_squeeze %dma_start3A_143 : memref<1x1x128x128xf32, #tpu.memory_space<hbm>> -> memref<128x128xf32, #tpu.memory_space<hbm>>
        %dma_start3A_145 = arith.constant 0 : i32
        %dma_start3A_146 = arith.constant 0 : i32
        %dma_start3A_147 = tpu.memref_slice %arg10[%dma_start3A_137, %dma_start3A_145, %dma_start3A_146] : memref<2x128x128xf32, #tpu.memory_space<vmem>> -> memref<1x128x128xf32, #tpu.memory_space<vmem>>
        %dma_start3A_148 = tpu.memref_squeeze %dma_start3A_147 : memref<1x128x128xf32, #tpu.memory_space<vmem>> -> memref<128x128xf32, #tpu.memory_space<vmem>>
        %dma_start3A_149 = arith.constant 0 : i32
        %dma_start3A_150 = tpu.memref_slice %arg7[%arg0, %arg1, %mul3A_136, %dma_start3A_149] : memref<2x16x10368x128xf32, #tpu.memory_space<hbm>> -> memref<1x1x128x128xf32, #tpu.memory_space<hbm>>
        %dma_start3A_151 = tpu.memref_squeeze %dma_start3A_150 : memref<1x1x128x128xf32, #tpu.memory_space<hbm>> -> memref<128x128xf32, #tpu.memory_space<hbm>>
        tpu.enqueue_dma source(%dma_start3A_151 : memref<128x128xf32, #tpu.memory_space<hbm>>) target(%dma_start3A_148 : memref<128x128xf32, #tpu.memory_space<vmem>>) target_semaphore(%arg12 : memref<!tpu.dma_semaphore, #tpu.memory_space<semaphore_mem>>)
        %dma_wait3A_152 = arith.constant 1 : i32
        %dma_wait3A_153 = arith.constant 0 : i32
        %dma_wait3A_154 = arith.constant 0 : i32
        %dma_wait3A_155 = tpu.memref_slice %arg10[%dma_wait3A_152, %dma_wait3A_153, %dma_wait3A_154] : memref<2x128x128xf32, #tpu.memory_space<vmem>> -> memref<1x128x128xf32, #tpu.memory_space<vmem>>
        %dma_wait3A_156 = tpu.memref_squeeze %dma_wait3A_155 : memref<1x128x128xf32, #tpu.memory_space<vmem>> -> memref<128x128xf32, #tpu.memory_space<vmem>>
        %dma_wait3A_157 = arith.constant 0 : i32
        %dma_wait3A_158 = arith.constant 0 : i32
        %dma_wait3A_159 = tpu.memref_slice %arg2[%dma_wait3A_157, %dma_wait3A_158] : memref<10112x128xf32, #tpu.memory_space<hbm>> -> memref<128x128xf32, #tpu.memory_space<hbm>>
        %dma_wait3A_160 = arith.constant 0 : i32
        %dma_wait3A_161 = arith.constant 0 : i32
        %dma_wait3A_162 = tpu.memref_slice %arg10[%dma_wait3A_152, %dma_wait3A_160, %dma_wait3A_161] : memref<2x128x128xf32, #tpu.memory_space<vmem>> -> memref<1x128x128xf32, #tpu.memory_space<vmem>>
        %dma_wait3A_163 = tpu.memref_squeeze %dma_wait3A_162 : memref<1x128x128xf32, #tpu.memory_space<vmem>> -> memref<128x128xf32, #tpu.memory_space<vmem>>
        %dma_wait3A_164 = arith.constant 0 : i32
        %dma_wait3A_165 = arith.constant 0 : i32
        %dma_wait3A_166 = tpu.memref_slice %arg2[%dma_wait3A_164, %dma_wait3A_165] : memref<10112x128xf32, #tpu.memory_space<hbm>> -> memref<128x128xf32, #tpu.memory_space<hbm>>
        tpu.wait_dma2 semaphore(%arg13 : memref<!tpu.dma_semaphore, #tpu.memory_space<semaphore_mem>>) src(%dma_wait3A_166 : memref<128x128xf32, #tpu.memory_space<hbm>>) dst(%dma_wait3A_163 : memref<128x128xf32, #tpu.memory_space<vmem>>)
        %run_scoped3A_167 = arith.constant 1 : i32
        "tpu.region"() ({
          %run_scoped3A_168 = tpu.sem_alloc : memref<!tpu.dma_semaphore, #tpu.memory_space<semaphore_mem>>
          %dma_start3A_169 = arith.constant 0 : i32
          %dma_start3A_170 = arith.constant 0 : i32
          %dma_start3A_171 = tpu.memref_slice %arg10[%run_scoped3A_167, %dma_start3A_169, %dma_start3A_170] : memref<2x128x128xf32, #tpu.memory_space<vmem>> -> memref<1x128x128xf32, #tpu.memory_space<vmem>>
          %dma_start3A_172 = tpu.memref_squeeze %dma_start3A_171 : memref<1x128x128xf32, #tpu.memory_space<vmem>> -> memref<128x128xf32, #tpu.memory_space<vmem>>
          %dma_start3A_173 = arith.constant 0 : i32
          %dma_start3A_174 = tpu.memref_slice %arg9[%rem3A_132, %dma_start3A_173] : memref<32x128xi32, #tpu.memory_space<vmem>> -> memref<1x128xi32, #tpu.memory_space<vmem>>
          %dma_start3A_175 = tpu.memref_squeeze %dma_start3A_174 : memref<1x128xi32, #tpu.memory_space<vmem>> -> memref<128xi32, #tpu.memory_space<vmem>>
          %dma_start3A_176 = arith.constant 0 : i32
          %dma_start3A_177 = arith.constant 0 : i32
          %dma_start3A_178 = tpu.memref_slice %arg11[%dma_start3A_176, %dma_start3A_177] : memref<10112x128xf32, #tpu.memory_space<vmem_shared>> -> memref<10112x128xf32, #tpu.memory_space<vmem_shared>>
          tpu.enqueue_indirect_dma source(%dma_start3A_172 : memref<128x128xf32, #tpu.memory_space<vmem>>) target(%dma_start3A_178 : memref<10112x128xf32, #tpu.memory_space<vmem_shared>>) offsets(%dma_start3A_175 : memref<128xi32, #tpu.memory_space<vmem>>) semaphore(%run_scoped3A_168 : memref<!tpu.dma_semaphore, #tpu.memory_space<semaphore_mem>>) {add = true}
          %dma_wait3A_179 = arith.constant 0 : i32
          %dma_wait3A_180 = arith.constant 0 : i32
          %dma_wait3A_181 = tpu.memref_slice %arg10[%run_scoped3A_167, %dma_wait3A_179, %dma_wait3A_180] : memref<2x128x128xf32, #tpu.memory_space<vmem>> -> memref<1x128x128xf32, #tpu.memory_space<vmem>>
          %dma_wait3A_182 = tpu.memref_squeeze %dma_wait3A_181 : memref<1x128x128xf32, #tpu.memory_space<vmem>> -> memref<128x128xf32, #tpu.memory_space<vmem>>
          %dma_wait3A_183 = arith.constant 0 : i32
          %dma_wait3A_184 = tpu.memref_slice %arg9[%rem3A_132, %dma_wait3A_183] : memref<32x128xi32, #tpu.memory_space<vmem>> -> memref<1x128xi32, #tpu.memory_space<vmem>>
          %dma_wait3A_185 = tpu.memref_squeeze %dma_wait3A_184 : memref<1x128xi32, #tpu.memory_space<vmem>> -> memref<128xi32, #tpu.memory_space<vmem>>
          %dma_wait3A_186 = arith.constant 0 : i32
          %dma_wait3A_187 = arith.constant 0 : i32
          %dma_wait3A_188 = tpu.memref_slice %arg11[%dma_wait3A_186, %dma_wait3A_187] : memref<10112x128xf32, #tpu.memory_space<vmem_shared>> -> memref<10112x128xf32, #tpu.memory_space<vmem_shared>>
          tpu.wait_indirect_dma semaphore(%run_scoped3A_168 : memref<!tpu.dma_semaphore, #tpu.memory_space<semaphore_mem>>) src(%dma_wait3A_182 : memref<128x128xf32, #tpu.memory_space<vmem>>) dst(%dma_wait3A_188 : memref<10112x128xf32, #tpu.memory_space<vmem_shared>>)
          tpu.yield
        }) : () -> ()
      }
      %scan3A_84 = arith.constant 8 : i32
    }
    %scan3A_53 = arith.constant 5 : i32
    %dma_wait3A_54 = arith.constant 0 : i32
    %dma_wait3A_55 = arith.constant 0 : i32
    %dma_wait3A_56 = arith.constant 0 : i32
    %dma_wait3A_57 = tpu.memref_slice %arg10[%dma_wait3A_54, %dma_wait3A_55, %dma_wait3A_56] : memref<2x128x128xf32, #tpu.memory_space<vmem>> -> memref<1x128x128xf32, #tpu.memory_space<vmem>>
    %dma_wait3A_58 = tpu.memref_squeeze %dma_wait3A_57 : memref<1x128x128xf32, #tpu.memory_space<vmem>> -> memref<128x128xf32, #tpu.memory_space<vmem>>
    %dma_wait3A_59 = arith.constant 0 : i32
    %dma_wait3A_60 = arith.constant 0 : i32
    %dma_wait3A_61 = tpu.memref_slice %arg2[%dma_wait3A_59, %dma_wait3A_60] : memref<10112x128xf32, #tpu.memory_space<hbm>> -> memref<128x128xf32, #tpu.memory_space<hbm>>
    %dma_wait3A_62 = arith.constant 0 : i32
    %dma_wait3A_63 = arith.constant 0 : i32
    %dma_wait3A_64 = tpu.memref_slice %arg10[%dma_wait3A_54, %dma_wait3A_62, %dma_wait3A_63] : memref<2x128x128xf32, #tpu.memory_space<vmem>> -> memref<1x128x128xf32, #tpu.memory_space<vmem>>
    %dma_wait3A_65 = tpu.memref_squeeze %dma_wait3A_64 : memref<1x128x128xf32, #tpu.memory_space<vmem>> -> memref<128x128xf32, #tpu.memory_space<vmem>>
    %dma_wait3A_66 = arith.constant 0 : i32
    %dma_wait3A_67 = arith.constant 0 : i32
    %dma_wait3A_68 = tpu.memref_slice %arg2[%dma_wait3A_66, %dma_wait3A_67] : memref<10112x128xf32, #tpu.memory_space<hbm>> -> memref<128x128xf32, #tpu.memory_space<hbm>>
    tpu.wait_dma2 semaphore(%arg12 : memref<!tpu.dma_semaphore, #tpu.memory_space<semaphore_mem>>) src(%dma_wait3A_68 : memref<128x128xf32, #tpu.memory_space<hbm>>) dst(%dma_wait3A_65 : memref<128x128xf32, #tpu.memory_space<vmem>>)
    %barrier3A_69 = arith.constant 0 : index
    tpu.barrier barrier_id(%barrier3A_69)
    "tpu.region"() ({
      %run_scoped3A = tpu.sem_alloc : memref<!tpu.dma_semaphore, #tpu.memory_space<semaphore_mem>>
      %dma_start3A_70 = arith.constant 0 : i32
      %dma_start3A_71 = tpu.memref_slice %arg6[%arg0, %mul3A_0, %dma_start3A_70] : memref<2x10112x128xf32, #tpu.memory_space<hbm>> -> memref<1x632x128xf32, #tpu.memory_space<hbm>>
      %dma_start3A_72 = tpu.memref_squeeze %dma_start3A_71 : memref<1x632x128xf32, #tpu.memory_space<hbm>> -> memref<632x128xf32, #tpu.memory_space<hbm>>
      %dma_start3A_73 = arith.constant 0 : i32
      %dma_start3A_74 = tpu.memref_slice %arg11[%mul3A_0, %dma_start3A_73] : memref<10112x128xf32, #tpu.memory_space<vmem_shared>> -> memref<632x128xf32, #tpu.memory_space<vmem_shared>>
      tpu.enqueue_dma source(%dma_start3A_74 : memref<632x128xf32, #tpu.memory_space<vmem_shared>>) target(%dma_start3A_72 : memref<632x128xf32, #tpu.memory_space<hbm>>) target_semaphore(%run_scoped3A : memref<!tpu.dma_semaphore, #tpu.memory_space<semaphore_mem>>)
      %dma_wait3A_75 = arith.constant 0 : i32
      %dma_wait3A_76 = tpu.memref_slice %arg6[%arg0, %mul3A_0, %dma_wait3A_75] : memref<2x10112x128xf32, #tpu.memory_space<hbm>> -> memref<1x632x128xf32, #tpu.memory_space<hbm>>
      %dma_wait3A_77 = tpu.memref_squeeze %dma_wait3A_76 : memref<1x632x128xf32, #tpu.memory_space<hbm>> -> memref<632x128xf32, #tpu.memory_space<hbm>>
      %dma_wait3A_78 = arith.constant 0 : i32
      %dma_wait3A_79 = tpu.memref_slice %arg11[%mul3A_0, %dma_wait3A_78] : memref<10112x128xf32, #tpu.memory_space<vmem_shared>> -> memref<632x128xf32, #tpu.memory_space<vmem_shared>>
      tpu.wait_dma2 semaphore(%run_scoped3A : memref<!tpu.dma_semaphore, #tpu.memory_space<semaphore_mem>>) src(%dma_wait3A_79 : memref<632x128xf32, #tpu.memory_space<vmem_shared>>) dst(%dma_wait3A_77 : memref<632x128xf32, #tpu.memory_space<hbm>>)
      tpu.yield
    }) : () -> ()
    return
  }
}

module attributes {stable_mosaic.version = 14 : i64} {
  func.func @_mmraw_body(%arg0: i32, %arg1: memref<1264x128xf32, #tpu.memory_space<vmem>>, %arg2: memref<128x128xf32, #tpu.memory_space<vmem>>, %arg3: memref<1264x128xf32, #tpu.memory_space<vmem>>) attributes {dimension_semantics = [#tpu.dimension_semantics<arbitrary>], iteration_bounds = array<i64: 8>, scalar_prefetch = 0 : i64, scratch_operands = 0 : i64, tpu.core_type = #tpu.core_type<tc>, window_params = [{transform_indices = @transform_0, window_bounds = array<i64: 1264, 128>}, {pipeline_mode = #tpu.pipeline_mode<synchronous>, transform_indices = @transform_1, window_bounds = array<i64: 128, 128>}, {transform_indices = @transform_2, window_bounds = array<i64: 1264, 128>}]} {
    %get3A = arith.constant 0 : index
    %get3A_0 = arith.constant 0 : index
    %get3A_1 = vector.load %arg1[%get3A, %get3A_0] : memref<1264x128xf32, #tpu.memory_space<vmem>>, vector<1264x128xf32>
    %get3A_2 = arith.constant 0 : index
    %get3A_3 = arith.constant 0 : index
    %get3A_4 = vector.load %arg2[%get3A_2, %get3A_3] : memref<128x128xf32, #tpu.memory_space<vmem>>, vector<128x128xf32>
    %dot_general3A = arith.constant dense<0.000000e+00> : vector<1264x128xf32>
    %dot_general3A_5 = tpu.matmul %get3A_1, %get3A_4, %dot_general3A {dimension_numbers = #tpu.dot_dimension_numbers<[1], [0], [0], [1], [0, 0, 1, 1], [], []>, transpose_lhs_hint = false} : vector<1264x128xf32>, vector<128x128xf32>, vector<1264x128xf32> -> vector<1264x128xf32>
    %swap3A = arith.constant 0 : index
    %swap3A_6 = arith.constant 0 : index
    %swap3A_7 = vector.load %arg3[%swap3A, %swap3A_6] : memref<1264x128xf32, #tpu.memory_space<vmem>>, vector<1264x128xf32>
    tpu.vector_store %arg3[%swap3A, %swap3A_6], %dot_general3A_5 {strides = array<i32>} : memref<1264x128xf32, #tpu.memory_space<vmem>>, vector<1264x128xf32>,
    return
  }
  func.func @transform_0(%arg0: i32) -> (i32, i32) {
    %c0_i32 = arith.constant 0 : i32
    %c0_i32_0 = arith.constant 0 : i32
    return %arg0, %c0_i32 : i32, i32
  }
  func.func @transform_1(%arg0: i32) -> (i32, i32) {
    %c0_i32 = arith.constant 0 : i32
    %c0_i32_0 = arith.constant 0 : i32
    %c0_i32_1 = arith.constant 0 : i32
    return %c0_i32, %c0_i32_0 : i32, i32
  }
  func.func @transform_2(%arg0: i32) -> (i32, i32) {
    %c0_i32 = arith.constant 0 : i32
    %c0_i32_0 = arith.constant 0 : i32
    return %arg0, %c0_i32 : i32, i32
  }
}

module attributes {stable_mosaic.version = 14 : i64} {
  func.func @_scale_body(%arg0: i32, %arg1: memref<1264x128xf32, #tpu.memory_space<vmem>>, %arg2: memref<2x2x1264x1xf32, #tpu.memory_space<vmem>>, %arg3: memref<1264x128xf32, #tpu.memory_space<vmem>>) attributes {dimension_semantics = [#tpu.dimension_semantics<arbitrary>], iteration_bounds = array<i64: 8>, scalar_prefetch = 0 : i64, scratch_operands = 0 : i64, tpu.core_type = #tpu.core_type<tc>, window_params = [{transform_indices = @transform_0, window_bounds = array<i64: 1264, 128>}, {transform_indices = @transform_1, window_bounds = array<i64: 2, 2, 1264, 1>}, {transform_indices = @transform_2, window_bounds = array<i64: 1264, 128>}]} {
    %get3A = arith.constant 0 : index
    %get3A_0 = arith.constant 0 : index
    %get3A_1 = arith.constant 0 : index
    %get3A_2 = arith.constant 0 : index
    %get3A_3 = vector.load %arg2[%get3A, %get3A_0, %get3A_1, %get3A_2] : memref<2x2x1264x1xf32, #tpu.memory_space<vmem>>, vector<1x1x1264x1xf32>
    %get3A_4 = vector.shape_cast %get3A_3 : vector<1x1x1264x1xf32> to vector<1264x1xf32>
    %get3A_5 = arith.constant 1 : index
    %get3A_6 = arith.constant 0 : index
    %get3A_7 = arith.constant 0 : index
    %get3A_8 = arith.constant 0 : index
    %get3A_9 = vector.load %arg2[%get3A_5, %get3A_6, %get3A_7, %get3A_8] : memref<2x2x1264x1xf32, #tpu.memory_space<vmem>>, vector<1x1x1264x1xf32>
    %get3A_10 = vector.shape_cast %get3A_9 : vector<1x1x1264x1xf32> to vector<1264x1xf32>
    %add3A = arith.addf %get3A_4, %get3A_10 : vector<1264x1xf32>
    %gt3A = arith.constant 0.000000e+00 : f32
    %gt3A_11 = vector.broadcast %gt3A : f32 to vector<1264x1xf32>
    %gt3A_12 = arith.cmpf ogt, %add3A, %gt3A_11 : vector<1264x1xf32>
    %rsqrt3A = math.rsqrt %add3A : vector<1264x1xf32>
    %jit3A = arith.constant 0.000000e+00 : f32
    %broadcast_in_dim3A = vector.broadcast %jit3A : f32 to vector<1264x1xf32>
    %select_n3A = arith.select %gt3A_12, %rsqrt3A, %broadcast_in_dim3A : vector<1264x1xi1>, vector<1264x1xf32>
    %get3A_13 = arith.constant 0 : index
    %get3A_14 = arith.constant 0 : index
    %get3A_15 = vector.load %arg1[%get3A_13, %get3A_14] : memref<1264x128xf32, #tpu.memory_space<vmem>>, vector<1264x128xf32>
    %mul3A = vector.broadcast %select_n3A : vector<1264x1xf32> to vector<1264x128xf32>
    %mul3A_16 = arith.mulf %get3A_15, %mul3A : vector<1264x128xf32>
    %swap3A = arith.constant 0 : index
    %swap3A_17 = arith.constant 0 : index
    %swap3A_18 = vector.load %arg3[%swap3A, %swap3A_17] : memref<1264x128xf32, #tpu.memory_space<vmem>>, vector<1264x128xf32>
    tpu.vector_store %arg3[%swap3A, %swap3A_17], %mul3A_16 {strides = array<i32>} : memref<1264x128xf32, #tpu.memory_space<vmem>>, vector<1264x128xf32>,
    return
  }
  func.func @transform_0(%arg0: i32) -> (i32, i32) {
    %c0_i32 = arith.constant 0 : i32
    %c0_i32_0 = arith.constant 0 : i32
    return %arg0, %c0_i32 : i32, i32
  }
  func.func @transform_1(%arg0: i32) -> (i32, i32, i32, i32) {
    %c0_i32 = arith.constant 0 : i32
    %c0_i32_0 = arith.constant 0 : i32
    %c0_i32_1 = arith.constant 0 : i32
    %c0_i32_2 = arith.constant 0 : i32
    return %c0_i32, %c0_i32_0, %arg0, %c0_i32_1 : i32, i32, i32, i32
  }
  func.func @transform_2(%arg0: i32) -> (i32, i32) {
    %c0_i32 = arith.constant 0 : i32
    %c0_i32_0 = arith.constant 0 : i32
    return %arg0, %c0_i32 : i32, i32
  }
}

module attributes {stable_mosaic.version = 14 : i64} {
  func.func @_mid_body(%arg0: i32, %arg1: memref<2x1264x128xf32, #tpu.memory_space<vmem>>, %arg2: memref<2x2x1264x1xf32, #tpu.memory_space<vmem>>, %arg3: memref<1x128xf32, #tpu.memory_space<vmem>>, %arg4: memref<128x128xf32, #tpu.memory_space<vmem>>, %arg5: memref<1264x128xf32, #tpu.memory_space<vmem>>) attributes {dimension_semantics = [#tpu.dimension_semantics<arbitrary>], iteration_bounds = array<i64: 8>, scalar_prefetch = 0 : i64, scratch_operands = 0 : i64, tpu.core_type = #tpu.core_type<tc>, window_params = [{transform_indices = @transform_0, window_bounds = array<i64: 2, 1264, 128>}, {transform_indices = @transform_1, window_bounds = array<i64: 2, 2, 1264, 1>}, {pipeline_mode = #tpu.pipeline_mode<synchronous>, transform_indices = @transform_2, window_bounds = array<i64: 1, 128>}, {pipeline_mode = #tpu.pipeline_mode<synchronous>, transform_indices = @transform_3, window_bounds = array<i64: 128, 128>}, {transform_indices = @transform_4, window_bounds = array<i64: 1264, 128>}]} {
    %get3A = arith.constant 0 : index
    %get3A_0 = arith.constant 0 : index
    %get3A_1 = arith.constant 0 : index
    %get3A_2 = vector.load %arg1[%get3A, %get3A_0, %get3A_1] : memref<2x1264x128xf32, #tpu.memory_space<vmem>>, vector<1x1264x128xf32>
    %get3A_3 = vector.shape_cast %get3A_2 : vector<1x1264x128xf32> to vector<1264x128xf32>
    %get3A_4 = arith.constant 1 : index
    %get3A_5 = arith.constant 0 : index
    %get3A_6 = arith.constant 0 : index
    %get3A_7 = vector.load %arg1[%get3A_4, %get3A_5, %get3A_6] : memref<2x1264x128xf32, #tpu.memory_space<vmem>>, vector<1x1264x128xf32>
    %get3A_8 = vector.shape_cast %get3A_7 : vector<1x1264x128xf32> to vector<1264x128xf32>
    %add3A = arith.addf %get3A_3, %get3A_8 : vector<1264x128xf32>
    %get3A_9 = arith.constant 0 : index
    %get3A_10 = arith.constant 1 : index
    %get3A_11 = arith.constant 0 : index
    %get3A_12 = arith.constant 0 : index
    %get3A_13 = vector.load %arg2[%get3A_9, %get3A_10, %get3A_11, %get3A_12] : memref<2x2x1264x1xf32, #tpu.memory_space<vmem>>, vector<1x1x1264x1xf32>
    %get3A_14 = vector.shape_cast %get3A_13 : vector<1x1x1264x1xf32> to vector<1264x1xf32>
    %get3A_15 = arith.constant 1 : index
    %get3A_16 = arith.constant 1 : index
    %get3A_17 = arith.constant 0 : index
    %get3A_18 = arith.constant 0 : index
    %get3A_19 = vector.load %arg2[%get3A_15, %get3A_16, %get3A_17, %get3A_18] : memref<2x2x1264x1xf32, #tpu.memory_space<vmem>>, vector<1x1x1264x1xf32>
    %get3A_20 = vector.shape_cast %get3A_19 : vector<1x1x1264x1xf32> to vector<1264x1xf32>
    %add3A_21 = arith.addf %get3A_14, %get3A_20 : vector<1264x1xf32>
    %get3A_22 = arith.constant 0 : index
    %get3A_23 = arith.constant 0 : index
    %get3A_24 = arith.constant 0 : index
    %get3A_25 = arith.constant 0 : index
    %get3A_26 = vector.load %arg2[%get3A_22, %get3A_23, %get3A_24, %get3A_25] : memref<2x2x1264x1xf32, #tpu.memory_space<vmem>>, vector<1x1x1264x1xf32>
    %get3A_27 = vector.shape_cast %get3A_26 : vector<1x1x1264x1xf32> to vector<1264x1xf32>
    %get3A_28 = arith.constant 1 : index
    %get3A_29 = arith.constant 0 : index
    %get3A_30 = arith.constant 0 : index
    %get3A_31 = arith.constant 0 : index
    %get3A_32 = vector.load %arg2[%get3A_28, %get3A_29, %get3A_30, %get3A_31] : memref<2x2x1264x1xf32, #tpu.memory_space<vmem>>, vector<1x1x1264x1xf32>
    %get3A_33 = vector.shape_cast %get3A_32 : vector<1x1x1264x1xf32> to vector<1264x1xf32>
    %add3A_34 = arith.addf %get3A_27, %get3A_33 : vector<1264x1xf32>
    %gt3A = arith.constant 0.000000e+00 : f32
    %gt3A_35 = vector.broadcast %gt3A : f32 to vector<1264x1xf32>
    %gt3A_36 = arith.cmpf ogt, %add3A_21, %gt3A_35 : vector<1264x1xf32>
    %rsqrt3A = math.rsqrt %add3A_21 : vector<1264x1xf32>
    %jit3A = arith.constant 0.000000e+00 : f32
    %broadcast_in_dim3A = vector.broadcast %jit3A : f32 to vector<1264x1xf32>
    %select_n3A = arith.select %gt3A_36, %rsqrt3A, %broadcast_in_dim3A : vector<1264x1xi1>, vector<1264x1xf32>
    %gt3A_37 = arith.constant 0.000000e+00 : f32
    %gt3A_38 = vector.broadcast %gt3A_37 : f32 to vector<1264x1xf32>
    %gt3A_39 = arith.cmpf ogt, %add3A_34, %gt3A_38 : vector<1264x1xf32>
    %rsqrt3A_40 = math.rsqrt %add3A_34 : vector<1264x1xf32>
    %jit3A_41 = arith.constant 0.000000e+00 : f32
    %broadcast_in_dim3A_42 = vector.broadcast %jit3A_41 : f32 to vector<1264x1xf32>
    %select_n3A_43 = arith.select %gt3A_39, %rsqrt3A_40, %broadcast_in_dim3A_42 : vector<1264x1xi1>, vector<1264x1xf32>
    %mul3A = vector.broadcast %select_n3A : vector<1264x1xf32> to vector<1264x128xf32>
    %mul3A_44 = arith.mulf %add3A, %mul3A : vector<1264x128xf32>
    %get3A_45 = arith.constant 0 : index
    %get3A_46 = arith.constant 0 : index
    %get3A_47 = vector.load %arg3[%get3A_45, %get3A_46] : memref<1x128xf32, #tpu.memory_space<vmem>>, vector<1x128xf32>
    %add3A_48 = vector.broadcast %get3A_47 : vector<1x128xf32> to vector<1264x128xf32>
    %add3A_49 = arith.addf %mul3A_44, %add3A_48 : vector<1264x128xf32>
    %max3A = arith.constant 0.000000e+00 : f32
    %max3A_50 = vector.broadcast %max3A : f32 to vector<1264x128xf32>
    %max3A_51 = arith.maximumf %add3A_49, %max3A_50 : vector<1264x128xf32>
    %get3A_52 = arith.constant 0 : index
    %get3A_53 = arith.constant 0 : index
    %get3A_54 = vector.load %arg4[%get3A_52, %get3A_53] : memref<128x128xf32, #tpu.memory_space<vmem>>, vector<128x128xf32>
    %dot_general3A = arith.constant dense<0.000000e+00> : vector<1264x128xf32>
    %dot_general3A_55 = tpu.matmul %max3A_51, %get3A_54, %dot_general3A {dimension_numbers = #tpu.dot_dimension_numbers<[1], [0], [0], [1], [0, 0, 1, 1], [], []>, transpose_lhs_hint = false} : vector<1264x128xf32>, vector<128x128xf32>, vector<1264x128xf32> -> vector<1264x128xf32>
    %mul3A_56 = vector.broadcast %select_n3A_43 : vector<1264x1xf32> to vector<1264x128xf32>
    %mul3A_57 = arith.mulf %dot_general3A_55, %mul3A_56 : vector<1264x128xf32>
    %swap3A = arith.constant 0 : index
    %swap3A_58 = arith.constant 0 : index
    %swap3A_59 = vector.load %arg5[%swap3A, %swap3A_58] : memref<1264x128xf32, #tpu.memory_space<vmem>>, vector<1264x128xf32>
    tpu.vector_store %arg5[%swap3A, %swap3A_58], %mul3A_57 {strides = array<i32>} : memref<1264x128xf32, #tpu.memory_space<vmem>>, vector<1264x128xf32>,
    return
  }
  func.func @transform_0(%arg0: i32) -> (i32, i32, i32) {
    %c0_i32 = arith.constant 0 : i32
    %c0_i32_0 = arith.constant 0 : i32
    %c0_i32_1 = arith.constant 0 : i32
    return %c0_i32, %arg0, %c0_i32_0 : i32, i32, i32
  }
  func.func @transform_1(%arg0: i32) -> (i32, i32, i32, i32) {
    %c0_i32 = arith.constant 0 : i32
    %c0_i32_0 = arith.constant 0 : i32
    %c0_i32_1 = arith.constant 0 : i32
    %c0_i32_2 = arith.constant 0 : i32
    return %c0_i32, %c0_i32_0, %arg0, %c0_i32_1 : i32, i32, i32, i32
  }
  func.func @transform_2(%arg0: i32) -> (i32, i32) {
    %c0_i32 = arith.constant 0 : i32
    %c0_i32_0 = arith.constant 0 : i32
    %c0_i32_1 = arith.constant 0 : i32
    return %c0_i32, %c0_i32_0 : i32, i32
  }
  func.func @transform_3(%arg0: i32) -> (i32, i32) {
    %c0_i32 = arith.constant 0 : i32
    %c0_i32_0 = arith.constant 0 : i32
    %c0_i32_1 = arith.constant 0 : i32
    return %c0_i32, %c0_i32_0 : i32, i32
  }
  func.func @transform_4(%arg0: i32) -> (i32, i32) {
    %c0_i32 = arith.constant 0 : i32
    %c0_i32_0 = arith.constant 0 : i32
    return %arg0, %c0_i32 : i32, i32
  }
}

module attributes {stable_mosaic.version = 14 : i64} {
  func.func @_final_body(%arg0: i32, %arg1: memref<2x2000x128xf32, #tpu.memory_space<vmem>>, %arg2: memref<2x2x2000x1xf32, #tpu.memory_space<vmem>>, %arg3: memref<1x128xf32, #tpu.memory_space<vmem>>, %arg4: memref<2000x128xf32, #tpu.memory_space<vmem>>) attributes {dimension_semantics = [#tpu.dimension_semantics<arbitrary>], iteration_bounds = array<i64: 5>, scalar_prefetch = 0 : i64, scratch_operands = 0 : i64, tpu.core_type = #tpu.core_type<tc>, window_params = [{transform_indices = @transform_0, window_bounds = array<i64: 2, 2000, 128>}, {transform_indices = @transform_1, window_bounds = array<i64: 2, 2, 2000, 1>}, {pipeline_mode = #tpu.pipeline_mode<synchronous>, transform_indices = @transform_2, window_bounds = array<i64: 1, 128>}, {transform_indices = @transform_3, window_bounds = array<i64: 2000, 128>}]} {
    %get3A = arith.constant 0 : index
    %get3A_0 = arith.constant 0 : index
    %get3A_1 = arith.constant 0 : index
    %get3A_2 = vector.load %arg1[%get3A, %get3A_0, %get3A_1] : memref<2x2000x128xf32, #tpu.memory_space<vmem>>, vector<1x2000x128xf32>
    %get3A_3 = vector.shape_cast %get3A_2 : vector<1x2000x128xf32> to vector<2000x128xf32>
    %get3A_4 = arith.constant 1 : index
    %get3A_5 = arith.constant 0 : index
    %get3A_6 = arith.constant 0 : index
    %get3A_7 = vector.load %arg1[%get3A_4, %get3A_5, %get3A_6] : memref<2x2000x128xf32, #tpu.memory_space<vmem>>, vector<1x2000x128xf32>
    %get3A_8 = vector.shape_cast %get3A_7 : vector<1x2000x128xf32> to vector<2000x128xf32>
    %add3A = arith.addf %get3A_3, %get3A_8 : vector<2000x128xf32>
    %get3A_9 = arith.constant 0 : index
    %get3A_10 = arith.constant 1 : index
    %get3A_11 = arith.constant 0 : index
    %get3A_12 = arith.constant 0 : index
    %get3A_13 = vector.load %arg2[%get3A_9, %get3A_10, %get3A_11, %get3A_12] : memref<2x2x2000x1xf32, #tpu.memory_space<vmem>>, vector<1x1x2000x1xf32>
    %get3A_14 = vector.shape_cast %get3A_13 : vector<1x1x2000x1xf32> to vector<2000x1xf32>
    %get3A_15 = arith.constant 1 : index
    %get3A_16 = arith.constant 1 : index
    %get3A_17 = arith.constant 0 : index
    %get3A_18 = arith.constant 0 : index
    %get3A_19 = vector.load %arg2[%get3A_15, %get3A_16, %get3A_17, %get3A_18] : memref<2x2x2000x1xf32, #tpu.memory_space<vmem>>, vector<1x1x2000x1xf32>
    %get3A_20 = vector.shape_cast %get3A_19 : vector<1x1x2000x1xf32> to vector<2000x1xf32>
    %add3A_21 = arith.addf %get3A_14, %get3A_20 : vector<2000x1xf32>
    %gt3A = arith.constant 0.000000e+00 : f32
    %gt3A_22 = vector.broadcast %gt3A : f32 to vector<2000x1xf32>
    %gt3A_23 = arith.cmpf ogt, %add3A_21, %gt3A_22 : vector<2000x1xf32>
    %rsqrt3A = math.rsqrt %add3A_21 : vector<2000x1xf32>
    %jit3A = arith.constant 0.000000e+00 : f32
    %broadcast_in_dim3A = vector.broadcast %jit3A : f32 to vector<2000x1xf32>
    %select_n3A = arith.select %gt3A_23, %rsqrt3A, %broadcast_in_dim3A : vector<2000x1xi1>, vector<2000x1xf32>
    %mul3A = vector.broadcast %select_n3A : vector<2000x1xf32> to vector<2000x128xf32>
    %mul3A_24 = arith.mulf %add3A, %mul3A : vector<2000x128xf32>
    %get3A_25 = arith.constant 0 : index
    %get3A_26 = arith.constant 0 : index
    %get3A_27 = vector.load %arg3[%get3A_25, %get3A_26] : memref<1x128xf32, #tpu.memory_space<vmem>>, vector<1x128xf32>
    %add3A_28 = vector.broadcast %get3A_27 : vector<1x128xf32> to vector<2000x128xf32>
    %add3A_29 = arith.addf %mul3A_24, %add3A_28 : vector<2000x128xf32>
    %swap3A = arith.constant 0 : index
    %swap3A_30 = arith.constant 0 : index
    %swap3A_31 = vector.load %arg4[%swap3A, %swap3A_30] : memref<2000x128xf32, #tpu.memory_space<vmem>>, vector<2000x128xf32>
    tpu.vector_store %arg4[%swap3A, %swap3A_30], %add3A_29 {strides = array<i32>} : memref<2000x128xf32, #tpu.memory_space<vmem>>, vector<2000x128xf32>,
    return
  }
  func.func @transform_0(%arg0: i32) -> (i32, i32, i32) {
    %c0_i32 = arith.constant 0 : i32
    %c0_i32_0 = arith.constant 0 : i32
    %c0_i32_1 = arith.constant 0 : i32
    return %c0_i32, %arg0, %c0_i32_0 : i32, i32, i32
  }
  func.func @transform_1(%arg0: i32) -> (i32, i32, i32, i32) {
    %c0_i32 = arith.constant 0 : i32
    %c0_i32_0 = arith.constant 0 : i32
    %c0_i32_1 = arith.constant 0 : i32
    %c0_i32_2 = arith.constant 0 : i32
    return %c0_i32, %c0_i32_0, %arg0, %c0_i32_1 : i32, i32, i32, i32
  }
  func.func @transform_2(%arg0: i32) -> (i32, i32) {
    %c0_i32 = arith.constant 0 : i32
    %c0_i32_0 = arith.constant 0 : i32
    %c0_i32_1 = arith.constant 0 : i32
    return %c0_i32, %c0_i32_0 : i32, i32
  }
  func.func @transform_3(%arg0: i32) -> (i32, i32) {
    %c0_i32 = arith.constant 0 : i32
    %c0_i32_0 = arith.constant 0 : i32
    return %arg0, %c0_i32 : i32, i32
  }
}

</mosaic_0001>

<sc_bundles>
// kernel: kernel.12.cloned.1.call-start
scs
__scs_entry_jumppad:
0x0: {  	(pc) =	sbr.rel $0x88, $3  }
0x1: {  	(tag) =	ssettag $0x0;
	lr =	simm.s32 $0x1  }
0x2: {  	[smem:$0x3F9B] =	sst lr;
	_ =	strace $0xD0000000  }
0x3: {  	_ = 	snop  }
0x4: {  	_ = 	snop  }
0x5: {  	_ = 	snop  }
0x6: {  	_ = 	snop  }
0x7: {  	_ = 	snop  }
__scs_overlays_trampoline_lowered:
0x8: {  	[smem:$0x3FAA] =	sst s0  }
0x9: {  	[smem:$0x3FAB] =	sst s1  }
0xa: {  	[smem:$0x3FAC] =	sst s2  }
0xb: {  	[smem:$0x3FAD] =	sst s3  }
0xc: {  	[smem:$0x3FAE] =	sst s4  }
0xd: {  	[smem:$0x3FAF] =	sst s5  }
0xe: {  	[smem:$0x3FB0] =	sst s6  }
0xf: {  	[smem:$0x3FB1] =	sst s7  }
0x10: {  	[smem:$0x3FB2] =	sst s8  }
0x11: {  	[smem:$0x3FB3] =	sst s9;
	s0 =	simm.s32 @!p0 $0x0  }
0x12: {  	s1 =	sld [smem:$0x3F99];
	s0 =	simm.s32 @p0 $0x1  }
0x13: {  	[smem:$0x3FB4] =	sst s0;
	s0 =	simm.s32 @!p1 $0x0  }
0x14: {  	s2 =	sld [smem:$0x3F98];
	s0 =	simm.s32 @p1 $0x1  }
0x15: {  	[smem:$0x3FB5] =	sst s0;
	s0 =	simm.s32 @!p2 $0x0  }
0x16: {  	s3 =	sld [smem:$0x3FDB];
	s0 =	simm.s32 @p2 $0x1  }
0x17: {  	s4 =	simm.s32 $0x1BF5;
	[smem:$0x3FB7] =	sst s0  }
0x18: {  	s0 =	sld [smem:$0x3F9A];
	_ =	swait.ge [sflag:s4], $0x0  }
0x19: {  	s7 =	sld [smem:$0x3F9B]  }
0x1a: {  	s8 =	sadd.s32 $0xFFFFE003, lr  }
0x1b: {  	s9 =	sadd.s32 $0xFFFFFEF7, lr;
	s5 =	simm.s32 $0xFFFFFFFF;
	p2 =	slt.u32 s8, $0xFFFFF086  }
0x1c: {  	p1 =	slt.u32 s9, $0xF7A;
	s5 =	simm.s32 @!p2 $0x0  }
0x1d: {  	s5 =	simm.s32 @p1 $0x1;
	p0 =	seq.s32 s7, s2  }
0x1e: {  	s7 =	smul.u32 @!p0 $0xF7A, s2;
	p2 =	seq.s32 @!p0 s5, $0x0  }
0x1f: {  	s9 =	smul.u32 $0xF7A, s1;
	s8 =	simm.s32 @!p0 $0x1BF5;
	p2 =	por !p2, p0  }
0x20: {  	[sflag:s8] =	ssyncset.s32 @!p0 $0xFFFFF086;
	s6 =	sadd.s32 @!p0 s3, s7;
	s7 =	simm.s32 @!p0 $0x108  }
0x21: {  	s3 =	sadd.s32 s3, s9;
	s6 =	sadd.s32 @!p0 $0x88, s6;
	s7 =	simm.s32 @p2 $0x1082  }
0x22: {  	[simem:s7], [sflag:s8] =	dma.local @!p0 [hbm:s6], $0xF7A  }
0x23: {  	s9 =	sor.u32 $0xD0000000, s2;
	s6 =	simm.s32 $0x108;
	_ =	swait.ge @!p0 [sflag:s8], $0x0  }
0x24: {  	s3 =	sadd.s32 $0x88, s3;
	s6 =	simm.s32 @!p1 $0x1082;
	[sflag:s4] =	ssyncset.s32 $0xFFFFF086  }
0x25: {  	[simem:s6], [sflag:s4] =	dma.local [hbm:s3], $0xF7A  }
0x26: {  	[smem:$0x3F9B] =	sst s1;
	(tag) =	ssettag s2;
	_ =	strace s9  }
0x27: {  	s1 =	sld [smem:$0x3FAB]  }
0x28: {  	s2 =	sld [smem:$0x3FAC]  }
0x29: {  	s4 =	sld [smem:$0x3FAE]  }
0x2a: {  	p0 =	seq.s32 s5, $0x0;
	s5 =	sld [smem:$0x3FAF]  }
0x2b: {  	s6 =	sld [smem:$0x3FB0]  }
0x2c: {  	s7 =	sld [smem:$0x3FB1]  }
0x2d: {  	s3 =	simm.s32 $0x108;
	s8 =	sld [smem:$0x3FB2]  }
0x2e: {  	s3 =	simm.s32 @!p0 $0x1082;
	s9 =	sld [smem:$0x3FB3]  }
0x2f: {  	lr =	sadd.s32 s0, s3;
	s0 =	sld [smem:$0x3FAA]  }
0x30: {  	s3 =	sld [smem:$0x3FAD]  }
0x31: {  	[smem:$0x3FB6] =	sst s10  }
0x32: {  	s10 =	sld [smem:$0x3FB4];
	_ =	sdelay $0x3  }
0x33: {  	p0 =	seq.s32 s10, $0x1;
	s10 =	sld [smem:$0x3FB6];
	_ =	sdelay $0x3  }
0x34: {  	[smem:$0x3FB6] =	sst s10  }
0x35: {  	s10 =	sld [smem:$0x3FB5];
	_ =	sdelay $0x3  }
0x36: {  	p1 =	seq.s32 s10, $0x1;
	s10 =	sld [smem:$0x3FB6];
	_ =	sdelay $0x3  }
0x37: {  	[smem:$0x3FB6] =	sst s10  }
0x38: {  	s10 =	sld [smem:$0x3FB7]  }
0x39: {  	_ = 	snop;
	(pc) =	sbr.ind lr, $3  }
0x3a: {  	_ = 	snop  }
0x3b: {  	_ = 	snop  }
0x3c: {  	p2 =	seq.s32 s10, $0x1;
	s10 =	sld [smem:$0x3FB6]  }
0x3d: {  	_ =	shalt  }
0x3e: {  	_ =	shalt  }
0x3f: {  	_ =	shalt  }
0x40: {  	_ =	shalt  }
0x41: {  	_ =	shalt  }
0x42: {  	_ =	shalt  }
0x43: {  	_ =	shalt  }
0x44: {  	_ =	shalt  }
0x45: {  	_ =	shalt  }
0x46: {  	_ =	shalt  }
0x47: {  	_ =	shalt  }
0x48: {  	_ =	shalt  }
0x49: {  	_ =	shalt  }
0x4a: {  	_ =	shalt  }
0x4b: {  	_ =	shalt  }
0x4c: {  	_ =	shalt  }
0x4d: {  	_ =	shalt  }
0x4e: {  	_ =	shalt  }
0x4f: {  	_ =	shalt  }
0x50: {  	_ =	shalt  }
0x51: {  	_ =	shalt  }
0x52: {  	_ =	shalt  }
0x53: {  	_ =	shalt  }
0x54: {  	_ =	shalt  }
0x55: {  	_ =	shalt  }
0x56: {  	_ =	shalt  }
0x57: {  	_ =	shalt  }
0x58: {  	_ =	shalt  }
0x59: {  	_ =	shalt  }
0x5a: {  	_ =	shalt  }
0x5b: {  	_ =	shalt  }
0x5c: {  	_ =	shalt  }
0x5d: {  	_ =	shalt  }
0x5e: {  	_ =	shalt  }
0x5f: {  	_ =	shalt  }
0x60: {  	_ =	shalt  }
0x61: {  	_ =	shalt  }
0x62: {  	_ =	shalt  }
0x63: {  	_ =	shalt  }
0x64: {  	_ =	shalt  }
0x65: {  	_ =	shalt  }
0x66: {  	_ =	shalt  }
0x67: {  	_ =	shalt  }
0x68: {  	_ =	shalt  }
0x69: {  	_ =	shalt  }
0x6a: {  	_ =	shalt  }
0x6b: {  	_ =	shalt  }
0x6c: {  	_ =	shalt  }
0x6d: {  	_ =	shalt  }
0x6e: {  	_ =	shalt  }
0x6f: {  	_ =	shalt  }
0x70: {  	_ =	shalt  }
0x71: {  	_ =	shalt  }
0x72: {  	_ =	shalt  }
0x73: {  	_ =	shalt  }
0x74: {  	_ =	shalt  }
0x75: {  	_ =	shalt  }
0x76: {  	_ =	shalt  }
0x77: {  	_ =	shalt  }
0x78: {  	_ =	shalt  }
0x79: {  	_ =	shalt  }
0x7a: {  	_ =	shalt  }
0x7b: {  	_ =	shalt  }
0x7c: {  	_ =	shalt  }
0x7d: {  	_ =	shalt  }
0x7e: {  	_ =	shalt  }
0x7f: {  	_ =	shalt  }
0x80: {  	_ =	shalt  }
0x81: {  	_ =	shalt  }
0x82: {  	_ =	shalt  }
0x83: {  	_ =	shalt  }
0x84: {  	_ =	shalt  }
0x85: {  	_ =	shalt  }
0x86: {  	_ =	shalt  }
0x87: {  	_ =	shalt  }
.Lfunc_end0:
.L_simem_size_0:
called_computation.1_lowered:
.L_overlay_start_0:
0x88: {  	s2 =	sld [smem:$0x3FD9]  }
0x89: {  	s3 =	sld [smem:$0x3FFE];
	_ =	sdelay $0x1  }
0x8a: {  	s1 =	srdreg.scid  }
0x8b: {  	s0 =	sand.u32 $0x1, s1  }
0x8c: {  	s17 =	sshll.u32 s0, $0xA;
	s2 =	sadd.s32 s3, s2  }
0x8d: {  	s2 =	sadd.s32 s2, s17  }
0x8e: {  	[smem:$0x3FC2] =	sst s2  }
0x8f: {  	_ = 	snop  }
0x90: {  	s2 =	sld [smem:$0x3FD0];
	(tm) =	ssettm $0x1  }
0x91: {  	s18 =	sld [smem:$0x3FFB];
	_ =	sdelay $0x3  }
0x92: {  	_ =	strace s18  }
0x93: {  	s3 =	sld [smem:$0x3FFC];
	_ =	sdelay $0x3  }
0x94: {  	_ =	strace s3  }
0x95: {  	s3 =	sld [smem:$0x3FFD];
	_ =	sdelay $0x3  }
0x96: {  	_ =	strace s3  }
0x97: {  	_ =	strace $0x8FFFFFFF  }
0x98: {  	s19 =	sld [smem:$0x3FDB];
	_ =	sdelay $0x1  }
0x99: {  	s4 =	simm.s32 $_scs_section_size  }
0x9a: {  	s5 =	simm.s32 $_size__tile_overlayer_lowered;
	s6 =	simm.s32 $_tile_overlayer_lowered  }
0x9b: {  	s22 =	simm.s32 $0x1BFF;
	s21 =	sshll.u32 s6, $0x1;
	s3 =	sadd.s32 s4, s19  }
0x9c: {  	s7 =	simm.s32 $0x0;
	s20 =	sshll.u32 s5, $0x1;
	s5 =	sadd.s32 s21, s3  }
0x9d: {  	[timem:s7], [sflag:s22] =	dma.local [hbm:s5], s20  }
0x9e: {  	_ =	swait.ge [sflag:s22], s20  }
0x9f: {  	s4 =	ssub.s32 $0x0, s20;
	[sflag:s22] =	ssyncset.done $0x0  }
0xa0: {  	[sflag:s22] =	ssyncadd.s32 s4;
	_ =	sdelay $0x1  }
0xa1: {  	s23 =	simm.s32 $0x1B8B  }
0xa2: {  	_ =	swait.ge [sflag:s23], $0x1  }
0xa3: {  	[sflag:s23] =	ssyncset.done $0x0  }
0xa4: {  	s25 =	simm.s32 $0x1B8E;
	s24 =	sld [smem:$0x3FFE];
	[sflag:s23] =	ssyncadd.s32 $0xFFFFFFFF  }
0xa5: {  	s26 =	simm.s32 $execute0_lowered;
	[smem:$0x3FD2] =	sst s25  }
0xa6: {  	s5 =	sshll.u32 s26, $0x1;
	_ =	strace $0x80000049;
	[dreg:$0x1] =	wrdreg $0xFFFFFFFF  }
0xa7: {  	s28 =	simm.s32 $_size_execute0_lowered;
	s3 =	sadd.s32 s3, s5;
	[dreg:$0x0] =	wrdreg $0x0  }
0xa8: {  	s5 =	sshll.u32 s28, $0x1;
	[dreg:$0x2] =	wrdreg s3  }
0xa9: {  	[dreg:$0x3] =	wrdreg s5  }
0xaa: {  	[dreg:$0x4] =	wrdreg $0xC0  }
0xab: {  	_ =	task [dreg:s7], $0x5FFFF  }
0xac: {  	[dreg:$0x1] =	wrdreg $0xFFFFFFFF  }
0xad: {  	[dreg:$0x0] =	wrdreg $0x60  }
0xae: {  	[dreg:$0x2] =	wrdreg s24  }
0xaf: {  	[dreg:$0x3] =	wrdreg s2  }
0xb0: {  	[dreg:$0x4] =	wrdreg $0xBC000  }
0xb1: {  	[dreg:$0x5] =	wrdreg $0x9  }
0xb2: {  	_ =	task.clear_ibuf [dreg:s7], $0x6FFFF;
	_ =	strace $0x90000049  }
0xb3: {  	s29 =	simm.s32 $0x9;
	_ =	strace $0x8000004B  }
0xb4: {  	_ =	swait.ge [sflag:s29], $0x1  }
0xb5: {  	[sflag:s29] =	ssyncadd.s32 $0xFFFFFFFF  }
0xb6: {  	_ =	strace $0x9000004B  }
0xb7: {  	_ =	sfence  }
0xb8: {  	s30 =	sld [smem:$0x0];
	_ =	sdelay $0x2  }
0xb9: {  	s31 =	sshll.u32 s1, $0xD;
	s1 =	sshrl.u32 s1, $0x2  }
0xba: {  	s3 =	sand.u32 $0x4000, s31;
	s1 =	sadd.s32 s1, s30  }
0xbb: {  	s0 =	sor.u32 s3, s0;
	s1 =	sshll.u32 s1, $0x11  }
0xbc: {  	s0 =	sor.u32 s1, s0  }
0xbd: {  	s0 =	sadd.s32 $0x8F2B, s0  }
0xbe: {  	[sflag:s0] =	ssyncadd.remote.s32 $0x1  }
0xbf: {  	_ =	sfence.sel $0xFFFF  }
0xc0: {  	[dreg:$0x0] =	wrdreg $0xFFFFFFFF;
	(pc) =	sbr.abs _section_cstart, $3  }
0xc1: {  	[dreg:$0x1] =	wrdreg $0xFFFFFFFF  }
0xc2: {  	_ =	task.clear_ibuf [dreg:s7], $0x2FFFF;
	_ =	strace $0x9FFFFFFF  }
0xc3: {  	(tm) =	ssettm $0x7FFFFFFF  }
tec
execute0_lowered:
.L_overlay_start_1:
0x0: {  	(tag) =	ssettag $0x1  }
0x1: {  	s16 =	stileid.u32  }
0x2: {  	s5 =	smul.u32 $0x13C00, s16  }
0x3: {  	s0 =	rddreg [dreg:$0x0];
	s10 =	smul.u32 $0x2C00, s16  }
0x4: {  	s1 =	rddreg [dreg:$0x1];
	s18 =	smul.u32 $0x4F000, s16  }
0x5: {  	s3 =	srdreg.scid;
	s12 =	smul.u32 $0x144000, s16  }
0x6: {  	s2 =	rddreg [dreg:$0x2];
	s6 =	sand.u32 $0x1, s3;
	s14 =	smul.u32 $0x2800, s16  }
0x7: {  	s15 =	simm.s32 $0x4;
	s3 =	simm.s32 $0x0;
	s7 =	smul.u32 $0x13C000, s6  }
0x8: {  	s11 =	sadd.s32 $0xC800, s0;
	s31 =	sshll.u32 s16, $0x6;
	s8 =	smul.u32 $0x2C000, s6  }
0x9: {  	[smem:$0x7FF] =	sst s3;
	s19 =	smul.u32 $0x1440000, s6;
	s13 =	ssub.s32 $0x2, s6  }
0xa: {  	s20 =	smul.u32 $0x28000, s6;
	s16 =	sor.u32 $0x1C04, s31;
	s4 =	sshrl.u32 s5, $0x3  }
0xb: {  	_ =	strace $0x8000004A;
	[dreg:$0x4] =	wrdreg s11;
	s21 =	sshrl.u32 s13, $0x1  }
0xc: {  	s22 =	sshrl.u32 s18, $0x2;
	s18 =	simm.s32 $0x80;
	s9 =	sadd.s32 s4, s0  }
0xd: {  	s4 =	sadd.s32 $0x2800, s0;
	s5 =	sadd.s32 s5, s7;
	s8 =	sadd.s32 s10, s8  }
0xe: {  	s13 =	ssub.s32 s13, s21;
	s12 =	sadd.s32 s12, s19;
	s7 =	sadd.s32 s14, s20  }
0xf: {  	s19 =	simm.s32 $0x3C00;
	s20 =	simm.s32 $0x7C00;
	s21 =	simm.s32 $0x1  }
0x10: {  	s5 =	sshrl.u32 s5, $0x3;
	s8 =	sshrl.u32 s8, $0x3;
	s23 =	sadd.s32 $0xB8200, s9  }
0x11: {  	s24 =	sshrl.u32 s7, $0x3;
	s25 =	sshrl.u32 s12, $0x3;
	s26 =	sadd.s32 $0x4000, s12  }
0x12: {  	s29 =	sadd.s32 $0x8000, s12;
	s12 =	smax.u32 s13, $0x1;
	s5 =	sadd.s32 s5, s0  }
0x13: {  	s0 =	sadd.s32 $0xDFA00, s0;
	s1 =	sadd.s32 s1, s8;
	[dreg:$0x6] =	wrdreg s23  }
0x14: {  	s9 =	sadd.s32 s4, s24;
	s28 =	sshrl.u32 s26, $0x3;
	s30 =	sshrl.u32 s29, $0x3  }
0x15: {  	s24 =	simm.s32 $0x0;
	[dreg:$0x5] =	wrdreg s1;
	s1 =	sadd.s32 s22, s2  }
0x16: {  	s10 =	sadd.s32 s0, s25;
	s11 =	sadd.s32 $0x5EFA00, s5;
	s13 =	sadd.s32 s28, s0  }
0x17: {  	s23 =	sadd.s32 s30, s0;
	s22 =	simm.s32 $0x2;
	s17 =	sshrl.u32 s1, $0x3  }
.LBB2_1:
0x18: {  	s0 =	rddreg [dreg:$0x5]  }
0x19: {  	[tilespmem:s3], [sflag:$0x4] =	stream.linear.gather [hbm4b:s0+s3], $0x2C00, $0x38;
	[tilespmem:$0x1F800] =	vst v63  }
0x1a: {  	_ =	swait.ge [sflag:s15], $0x2C00  }
0x1b: {  	[sflag:s15] =	ssyncset.done $0x0  }
0x1c: {  	s26 =	rddreg [dreg:$0x6];
	[sflag:s15] =	ssyncadd.s32 $0xFFFFD400  }
0x1d: {  	[spmem:s17], [sflag:s16] =	dma.local [hbm:s26], $0x2780  }
0x1e: {  	_ =	swait.ge [sflag:s15], $0x2780  }
0x1f: {  	[sflag:s15] =	ssyncset.done $0x0  }
0x20: {  	[sflag:s15] =	ssyncadd.s32 $0xFFFFD880  }
0x21: {  	[bflag:$0x0] =	sbarrier.arrive $0xFFFF  }
0x22: {  	[tilespmem:s19], [sflag:$0x1] =	stream.indirect.gather [spmem:s2], $0x80, s3, s18, $0xb8;
	[tilespmem:$0x1F800] =	vst v63  }
0x23: {  	s28 =	simm.s32 $0x80  }
0x24: {  	[tilespmem:s20], [sflag:$0x2] =	stream.indirect.gather [spmem:s2], $0x80, s28, s18, $0xb8;
	[tilespmem:$0x1F800] =	vst v63  }
0x25: {  	_ =	swait.ge [sflag:s21], $0x4000  }
0x26: {  	[sflag:s21] =	ssyncset.done $0x0  }
0x27: {  	s29 =	sadd.s32 $0x0, s10;
	[sflag:s21] =	ssyncadd.s32 $0xFFFFC000  }
0x28: {  	[hbm4b:s29+s3] =	stream.linear.scatter [tilespmem:s19], [sflag:$0x4], $0x4000, $0x38;
	[tilespmem:$0x1F800] =	vst v63  }
0x29: {  	_ =	swait.ge [sflag:s15], $0x4000  }
0x2a: {  	[sflag:s15] =	ssyncset.done $0x0  }
0x2b: {  	s30 =	simm.s32 $0x100;
	[sflag:s15] =	ssyncadd.s32 $0xFFFFC000  }
0x2c: {  	[tilespmem:s19], [sflag:$0x1] =	stream.indirect.gather [spmem:s2], $0x80, s30, s18, $0xb8;
	[tilespmem:$0x1F800] =	vst v63  }
0x2d: {  	_ =	swait.ge [sflag:s22], $0x4000  }
0x2e: {  	[sflag:s22] =	ssyncset.done $0x0  }
0x2f: {  	s31 =	sadd.s32 $0x0, s13;
	[sflag:s22] =	ssyncadd.s32 $0xFFFFC000  }
0x30: {  	[hbm4b:s31+s3] =	stream.linear.scatter [tilespmem:s20], [sflag:$0x4], $0x4000, $0x38;
	[tilespmem:$0x1F800] =	vst v63  }
0x31: {  	s25 =	simm.s32 $0x1000;
	_ =	swait.ge [sflag:s15], $0x4000  }
0x32: {  	s0 =	simm.s32 $0x2000;
	s26 =	simm.s32 $0x200;
	[sflag:s15] =	ssyncset.done $0x0  }
.LBB2_2:
0x33: {  	p0 =	sne.s32 s0, $0x27000;
	s1 =	sadd.s32 $0xFFFFFF80, s26;
	[sflag:s15] =	ssyncadd.s32 $0xFFFFC000  }
0x34: {  	[tilespmem:s20], [sflag:$0x2] =	stream.indirect.gather [spmem:s2], $0x80, s1, s18, $0xb8;
	[tilespmem:$0x1F800] =	vst v63  }
0x35: {  	s1 =	smov.u32 s0;
	s0 =	sadd.s32 $0x1000, s0;
	_ =	swait.ge [sflag:s21], $0x4000  }
0x36: {  	[sflag:s21] =	ssyncset.done $0x0  }
0x37: {  	s5 =	sadd.s32 s25, s10;
	[sflag:s21] =	ssyncadd.s32 $0xFFFFC000  }
0x38: {  	[hbm4b:s5+s3] =	stream.linear.scatter [tilespmem:s19], [sflag:$0x4], $0x4000, $0x38;
	[tilespmem:$0x1F800] =	vst v63  }
0x39: {  	_ =	swait.ge [sflag:s15], $0x4000  }
0x3a: {  	[sflag:s15] =	ssyncset.done $0x0  }
0x3b: {  	[sflag:s15] =	ssyncadd.s32 $0xFFFFC000  }
0x3c: {  	[tilespmem:s19], [sflag:$0x1] =	stream.indirect.gather [spmem:s2], $0x80, s26, s18, $0xb8;
	[tilespmem:$0x1F800] =	vst v63  }
0x3d: {  	_ =	swait.ge [sflag:s22], $0x4000  }
.Ltmp0:
0x3e: {  	[sflag:s22] =	ssyncset.done $0x0;
	(pc) =	sbr.rel @p0 .LBB2_2-.Ltmp0, $4  }
0x3f: {  	s5 =	sadd.s32 s25, s13;
	s25 =	smov.u32 s1;
	[sflag:s22] =	ssyncadd.s32 $0xFFFFC000  }
0x40: {  	[hbm4b:s5+s3] =	stream.linear.scatter [tilespmem:s20], [sflag:$0x4], $0x4000, $0x38;
	[tilespmem:$0x1F800] =	vst v63  }
0x41: {  	_ =	swait.ge [sflag:s15], $0x4000  }
0x42: {  	s26 =	sadd.s32 $0x100, s26;
	[sflag:s15] =	ssyncset.done $0x0  }
0x43: {  	s0 =	sadd.s32 $0xFFFFFF80, s26;
	[sflag:s15] =	ssyncadd.s32 $0xFFFFC000  }
0x44: {  	[tilespmem:s20], [sflag:$0x2] =	stream.indirect.gather [spmem:s2], $0x80, s0, s18, $0xb8;
	[tilespmem:$0x1F800] =	vst v63  }
0x45: {  	_ =	swait.ge [sflag:s21], $0x4000  }
0x46: {  	[sflag:s21] =	ssyncset.done $0x0  }
0x47: {  	s14 =	sadd.s32 s25, s10;
	[sflag:s21] =	ssyncadd.s32 $0xFFFFC000  }
0x48: {  	[hbm4b:s14+s3] =	stream.linear.scatter [tilespmem:s19], [sflag:$0x4], $0x4000, $0x38;
	[tilespmem:$0x1F800] =	vst v63  }
0x49: {  	_ =	swait.ge [sflag:s15], $0x4000  }
0x4a: {  	[sflag:s15] =	ssyncset.done $0x0  }
0x4b: {  	[sflag:s15] =	ssyncadd.s32 $0xFFFFC000  }
0x4c: {  	[tilespmem:s19], [sflag:$0x1] =	stream.indirect.gather [spmem:s2], $0x80, s26, s18, $0xb8;
	[tilespmem:$0x1F800] =	vst v63  }
0x4d: {  	_ =	swait.ge [sflag:s22], $0x4000  }
0x4e: {  	[sflag:s22] =	ssyncset.done $0x0  }
0x4f: {  	s28 =	sadd.s32 s25, s13;
	[sflag:s22] =	ssyncadd.s32 $0xFFFFC000  }
0x50: {  	[hbm4b:s28+s3] =	stream.linear.scatter [tilespmem:s20], [sflag:$0x4], $0x4000, $0x38;
	[tilespmem:$0x1F800] =	vst v63  }
0x51: {  	_ =	swait.ge [sflag:s15], $0x4000  }
0x52: {  	[sflag:s15] =	ssyncset.done $0x0  }
0x53: {  	[sflag:s15] =	ssyncadd.s32 $0xFFFFC000  }
0x54: {  	_ =	swait.ge [sflag:s21], $0x4000  }
0x55: {  	[sflag:s21] =	ssyncset.done $0x0  }
0x56: {  	[sflag:s21] =	ssyncadd.s32 $0xFFFFC000  }
0x57: {  	[bflag:$0x0] =	sbarrier.arrive $0xFFFF  }
0x58: {  	s29 =	rddreg [dreg:$0x4]  }
0x59: {  	[spmem:s17], [sflag:s16] =	dma.local [hbm:s29], $0x2780  }
0x5a: {  	_ =	swait.ge [sflag:s15], $0x2780  }
0x5b: {  	[sflag:s15] =	ssyncset.done $0x0  }
0x5c: {  	s25 =	simm.s32 $0x0;
	s31 =	simm.s32 $0x2C00;
	[sflag:s15] =	ssyncadd.s32 $0xFFFFD880  }
0x5d: {  	[tilespmem:s31], [sflag:$0x4] =	stream.linear.gather [hbm4b:s9+s25], $0x1000, $0x38;
	[tilespmem:$0x1F800] =	vst v63  }
0x5e: {  	_ =	swait.ge [sflag:s15], $0x1000  }
0x5f: {  	[sflag:s15] =	ssyncset.done $0x0  }
0x60: {  	s5 =	smov.u32 s13;
	s30 =	simm.s32 $0x0;
	[sflag:s15] =	ssyncadd.s32 $0xFFFFF000  }
0x61: {  	s14 =	smov.u32 s23;
	s26 =	simm.s32 $0x0;
	[bflag:$0x0] =	sbarrier.arrive $0xFFFF  }
0x62: {  	[tilespmem:s19], [sflag:$0x1] =	stream.linear.gather [hbm4b:s10+s25], $0x4000, $0x38;
	[tilespmem:$0x1F800] =	vst v63  }
.LBB2_4:
0x63: {  	p0 =	seq.s32 s30, $0x0  }
0x64: {  	s0 =	simm.s32 @!p0 $0x3  }
0x65: {  	p1 =	seq.s32 @!p0 s30, $0x4;
	_ =	swait.ge @!p0 [sflag:s0], $0x800  }
0x66: {  	p1 =	por p0, !p1;
	[sflag:s0] =	ssyncset.done @!p0 $0x0  }
0x67: {  	[sflag:s0] =	ssyncadd.s32 @!p0 $0xFFFFF800;
	s0 =	sshll.u32 @p1 s30, $0x4  }
0x68: {  	s0 =	sshll.u32 @p1 s0, $0x7  }
0x69: {  	s0 =	sadd.s32 @p1 $0x800, s0  }
0x6a: {  	s1 =	sadd.s32 @p1 s7, s0  }
0x6b: {  	s0 =	sand.u32 @p1 $0x800, s0;
	s1 =	sshrl.u32 @p1 s1, $0x3  }
0x6c: {  	s0 =	sadd.s32 @p1 $0x2C00, s0;
	s1 =	sadd.s32 @p1 s4, s1  }
0x6d: {  	[tilespmem:s0], [sflag:$0x3] =	stream.linear.gather @p1 [hbm4b:s1+s3], $0x800, $0x38;
	[tilespmem:$0x1F800] =	vst v63  }
0x6e: {  	s6 =	sand.u32 $0xF, s25  }
0x6f: {  	[tilespmem:s20], [sflag:$0x2] =	stream.linear.gather [hbm4b:s5+s3], $0x4000, $0x38;
	[tilespmem:$0x1F800] =	vst v63  }
0x70: {  	s0 =	sshll.u32 s6, $0x8;
	_ =	swait.ge [sflag:s21], $0x4000  }
0x71: {  	s31 =	sadd.s32 $0x2C00, s0;
	[sflag:s21] =	ssyncset.done $0x0  }
0x72: {  	s0 =	sadd.s32 $0x0, s31;
	[sflag:s21] =	ssyncadd.s32 $0xFFFFC000  }
0x73: {  	[spmem:s2] =	stream.indirect.scatter.add.f32 [tilespmem:s19], [sflag:$0x4], $0x80, s0, s18, $0xb8;
	[tilespmem:$0x1F800] =	vst v63  }
0x74: {  	_ =	swait.ge [sflag:s15], $0x4000  }
0x75: {  	[sflag:s15] =	ssyncset.done $0x0  }
0x76: {  	s8 =	sand.u32 $0x1F, s26;
	[sflag:s15] =	ssyncadd.s32 $0xFFFFC000  }
0x77: {  	[tilespmem:s19], [sflag:$0x1] =	stream.linear.gather [hbm4b:s14+s3], $0x4000, $0x38;
	[tilespmem:$0x1F800] =	vst v63  }
0x78: {  	s0 =	sshll.u32 s8, $0x7;
	_ =	swait.ge [sflag:s22], $0x4000  }
0x79: {  	s1 =	sadd.s32 $0x2C80, s0;
	[sflag:s22] =	ssyncset.done $0x0  }
0x7a: {  	s0 =	sadd.s32 $0x0, s1;
	[sflag:s22] =	ssyncadd.s32 $0xFFFFC000  }
0x7b: {  	[spmem:s2] =	stream.indirect.scatter.add.f32 [tilespmem:s20], [sflag:$0x4], $0x80, s0, s18, $0xb8;
	[tilespmem:$0x1F800] =	vst v63  }
0x7c: {  	s29 =	smov.u32 s14;
	_ =	swait.ge [sflag:s15], $0x4000  }
0x7d: {  	s28 =	smov.u32 s5;
	s0 =	simm.s32 $0x400;
	[sflag:s15] =	ssyncset.done $0x0  }
.LBB2_5:
0x7e: {  	[sflag:s15] =	ssyncadd.s32 $0xFFFFC000  }
0x7f: {  	s29 =	sadd.s32 $0x1000, s29;
	s28 =	sadd.s32 $0x1000, s28;
	s6 =	smov.u32 s0  }
0x80: {  	[tilespmem:s20], [sflag:$0x2] =	stream.linear.gather [hbm4b:s28+s3], $0x4000, $0x38;
	[tilespmem:$0x1F800] =	vst v63  }
0x81: {  	p0 =	sne.s32 s0, $0x1C00;
	s0 =	sadd.s32 $0x400, s0;
	_ =	swait.ge [sflag:s21], $0x4000  }
0x82: {  	s6 =	sshra.s32 s6, $0x2;
	[sflag:s21] =	ssyncset.done $0x0  }
0x83: {  	s8 =	sadd.s32 s6, s31;
	[sflag:s21] =	ssyncadd.s32 $0xFFFFC000  }
0x84: {  	[spmem:s2] =	stream.indirect.scatter.add.f32 [tilespmem:s19], [sflag:$0x4], $0x80, s8, s18, $0xb8;
	[tilespmem:$0x1F800] =	vst v63  }
0x85: {  	_ =	swait.ge [sflag:s15], $0x4000  }
0x86: {  	[sflag:s15] =	ssyncset.done $0x0  }
0x87: {  	[sflag:s15] =	ssyncadd.s32 $0xFFFFC000  }
0x88: {  	[tilespmem:s19], [sflag:$0x1] =	stream.linear.gather [hbm4b:s29+s3], $0x4000, $0x38;
	[tilespmem:$0x1F800] =	vst v63  }
0x89: {  	_ =	swait.ge [sflag:s22], $0x4000  }
.Ltmp1:
0x8a: {  	[sflag:s22] =	ssyncset.done $0x0;
	(pc) =	sbr.rel @p0 .LBB2_5-.Ltmp1, $4  }
0x8b: {  	s6 =	sadd.s32 s6, s1;
	[sflag:s22] =	ssyncadd.s32 $0xFFFFC000  }
0x8c: {  	[spmem:s2] =	stream.indirect.scatter.add.f32 [tilespmem:s20], [sflag:$0x4], $0x80, s6, s18, $0xb8;
	[tilespmem:$0x1F800] =	vst v63  }
0x8d: {  	_ =	swait.ge [sflag:s15], $0x4000  }
0x8e: {  	[sflag:s15] =	ssyncset.done $0x0  }
0x8f: {  	s30 =	sadd.s32 $0x1, s30  }
0x90: {  	p0 =	sne.s32 s30, $0x5  }
.Ltmp2:
0x91: {  	_ = 	snop;
	(pc) =	sbr.rel @p0 .LBB2_4-.Ltmp2, $3  }
0x92: {  	_ =	sdelay $0x1  }
0x93: {  	[sflag:s15] =	ssyncadd.s32 $0xFFFFC000;
	s14 =	sadd.s32 $0x8000, s14  }
0x94: {  	s5 =	sadd.s32 $0x8000, s5;
	s26 =	sadd.s32 $0x10, s26;
	s25 =	sadd.s32 $0x8, s25  }
0x95: {  	_ =	swait.ge [sflag:s21], $0x4000  }
0x96: {  	s24 =	sadd.s32 $0x1, s24;
	[sflag:s21] =	ssyncset.done $0x0  }
0x97: {  	p0 =	sne.s32 s24, s12;
	[sflag:s21] =	ssyncadd.s32 $0xFFFFC000  }
.Ltmp3:
0x98: {  	[bflag:$0x0] =	sbarrier.arrive $0xFFFF;
	(pc) =	sbr.rel @p0 .LBB2_1-.Ltmp3, $4  }
0x99: {  	[hbm:s11], [sflag:s16] =	dma.local [spmem:s17], $0x2780  }
0x9a: {  	_ =	swait.ge [sflag:s15], $0x2780  }
0x9b: {  	[sflag:s15] =	ssyncset.done $0x0  }
0x9c: {  	[sflag:s15] =	ssyncadd.s32 $0xFFFFD880  }
0x9d: {  	_ =	sfence.sel $0x180000  }
0x9e: {  	[bflag:$0x0] =	sbarrier.arrive $0xFFFF  }
0x9f: {  	_ =	strace $0x9000004A  }
0xa0: {  	s0 =	stileid.u32;
	[bflag:$0x2] =	sbarrier.arrive $0xFFFF  }
0xa1: {  	p0 =	sne.s32 s0, $0x0;
	s0 =	rddreg [dreg:$0x3]  }
0xa2: {  	s0 =	sadd.s32 @!p0 $0x100000, s0  }
0xa3: {  	[sflag:s0] =	ssyncadd.tile.s32 @!p0 $0x1;
	_ =	shalt  }
.Lfunc_end2:
_tile_overlayer_lowered:
.L_overlay_start_2:
0xa4: {  	(tag) =	ssettag $0x2  }
0xa5: {  	s0 =	rddreg [dreg:$0x0];
	s2 =	stileid.u32  }
0xa6: {  	s1 =	rddreg [dreg:$0x1];
	p0 =	sne.s32 s2, $0x0  }
0xa7: {  	s3 =	rddreg [dreg:$0x2];
	[bflag:$0x3] =	sbarrier.arrive $0xFFFF;
	s2 =	simm.s32 @!p0 $0x1C04  }
0xa8: {  	[timem:s3], [sflag:s2] =	dma.local @!p0 [hbm:s0], s1  }
0xa9: {  	s0 =	simm.s32 @!p0 $0x4  }
0xaa: {  	_ =	swait.ge @!p0 [sflag:s0], s1  }
0xab: {  	s1 =	ssub.s32 @!p0 $0x0, s1;
	[sflag:s0] =	ssyncset.done @!p0 $0x0  }
0xac: {  	[sflag:s0] =	ssyncadd.s32 @!p0 s1  }
0xad: {  	[bflag:$0x3] =	sbarrier.arrive $0xFFFF  }
0xae: {  	_ =	shalt  }

// kernel: kernel.15.cloned.1.call-start
scs
__scs_entry_jumppad:
0x0: {  	(pc) =	sbr.rel $0x88, $3  }
0x1: {  	(tag) =	ssettag $0x0;
	lr =	simm.s32 $0x1  }
0x2: {  	[smem:$0x3F9B] =	sst lr;
	_ =	strace $0xD0000000  }
0x3: {  	_ = 	snop  }
0x4: {  	_ = 	snop  }
0x5: {  	_ = 	snop  }
0x6: {  	_ = 	snop  }
0x7: {  	_ = 	snop  }
__scs_overlays_trampoline_lowered:
0x8: {  	[smem:$0x3FAA] =	sst s0  }
0x9: {  	[smem:$0x3FAB] =	sst s1  }
0xa: {  	[smem:$0x3FAC] =	sst s2  }
0xb: {  	[smem:$0x3FAD] =	sst s3  }
0xc: {  	[smem:$0x3FAE] =	sst s4  }
0xd: {  	[smem:$0x3FAF] =	sst s5  }
0xe: {  	[smem:$0x3FB0] =	sst s6  }
0xf: {  	[smem:$0x3FB1] =	sst s7  }
0x10: {  	[smem:$0x3FB2] =	sst s8  }
0x11: {  	[smem:$0x3FB3] =	sst s9;
	s0 =	simm.s32 @!p0 $0x0  }
0x12: {  	s1 =	sld [smem:$0x3F99];
	s0 =	simm.s32 @p0 $0x1  }
0x13: {  	[smem:$0x3FB4] =	sst s0;
	s0 =	simm.s32 @!p1 $0x0  }
0x14: {  	s2 =	sld [smem:$0x3F98];
	s0 =	simm.s32 @p1 $0x1  }
0x15: {  	[smem:$0x3FB5] =	sst s0;
	s0 =	simm.s32 @!p2 $0x0  }
0x16: {  	s3 =	sld [smem:$0x3FDB];
	s0 =	simm.s32 @p2 $0x1  }
0x17: {  	s4 =	simm.s32 $0x1BF5;
	[smem:$0x3FB7] =	sst s0  }
0x18: {  	s0 =	sld [smem:$0x3F9A];
	_ =	swait.ge [sflag:s4], $0x0  }
0x19: {  	s7 =	sld [smem:$0x3F9B]  }
0x1a: {  	s8 =	sadd.s32 $0xFFFFE003, lr  }
0x1b: {  	s9 =	sadd.s32 $0xFFFFFEF7, lr;
	s5 =	simm.s32 $0xFFFFFFFF;
	p2 =	slt.u32 s8, $0xFFFFF086  }
0x1c: {  	p1 =	slt.u32 s9, $0xF7A;
	s5 =	simm.s32 @!p2 $0x0  }
0x1d: {  	s5 =	simm.s32 @p1 $0x1;
	p0 =	seq.s32 s7, s2  }
0x1e: {  	s7 =	smul.u32 @!p0 $0xF7A, s2;
	p2 =	seq.s32 @!p0 s5, $0x0  }
0x1f: {  	s9 =	smul.u32 $0xF7A, s1;
	s8 =	simm.s32 @!p0 $0x1BF5;
	p2 =	por !p2, p0  }
0x20: {  	[sflag:s8] =	ssyncset.s32 @!p0 $0xFFFFF086;
	s6 =	sadd.s32 @!p0 s3, s7;
	s7 =	simm.s32 @!p0 $0x108  }
0x21: {  	s3 =	sadd.s32 s3, s9;
	s6 =	sadd.s32 @!p0 $0x88, s6;
	s7 =	simm.s32 @p2 $0x1082  }
0x22: {  	[simem:s7], [sflag:s8] =	dma.local @!p0 [hbm:s6], $0xF7A  }
0x23: {  	s9 =	sor.u32 $0xD0000000, s2;
	s6 =	simm.s32 $0x108;
	_ =	swait.ge @!p0 [sflag:s8], $0x0  }
0x24: {  	s3 =	sadd.s32 $0x88, s3;
	s6 =	simm.s32 @!p1 $0x1082;
	[sflag:s4] =	ssyncset.s32 $0xFFFFF086  }
0x25: {  	[simem:s6], [sflag:s4] =	dma.local [hbm:s3], $0xF7A  }
0x26: {  	[smem:$0x3F9B] =	sst s1;
	(tag) =	ssettag s2;
	_ =	strace s9  }
0x27: {  	s1 =	sld [smem:$0x3FAB]  }
0x28: {  	s2 =	sld [smem:$0x3FAC]  }
0x29: {  	s4 =	sld [smem:$0x3FAE]  }
0x2a: {  	p0 =	seq.s32 s5, $0x0;
	s5 =	sld [smem:$0x3FAF]  }
0x2b: {  	s6 =	sld [smem:$0x3FB0]  }
0x2c: {  	s7 =	sld [smem:$0x3FB1]  }
0x2d: {  	s3 =	simm.s32 $0x108;
	s8 =	sld [smem:$0x3FB2]  }
0x2e: {  	s3 =	simm.s32 @!p0 $0x1082;
	s9 =	sld [smem:$0x3FB3]  }
0x2f: {  	lr =	sadd.s32 s0, s3;
	s0 =	sld [smem:$0x3FAA]  }
0x30: {  	s3 =	sld [smem:$0x3FAD]  }
0x31: {  	[smem:$0x3FB6] =	sst s10  }
0x32: {  	s10 =	sld [smem:$0x3FB4];
	_ =	sdelay $0x3  }
0x33: {  	p0 =	seq.s32 s10, $0x1;
	s10 =	sld [smem:$0x3FB6];
	_ =	sdelay $0x3  }
0x34: {  	[smem:$0x3FB6] =	sst s10  }
0x35: {  	s10 =	sld [smem:$0x3FB5];
	_ =	sdelay $0x3  }
0x36: {  	p1 =	seq.s32 s10, $0x1;
	s10 =	sld [smem:$0x3FB6];
	_ =	sdelay $0x3  }
0x37: {  	[smem:$0x3FB6] =	sst s10  }
0x38: {  	s10 =	sld [smem:$0x3FB7]  }
0x39: {  	_ = 	snop;
	(pc) =	sbr.ind lr, $3  }
0x3a: {  	_ = 	snop  }
0x3b: {  	_ = 	snop  }
0x3c: {  	p2 =	seq.s32 s10, $0x1;
	s10 =	sld [smem:$0x3FB6]  }
0x3d: {  	_ =	shalt  }
0x3e: {  	_ =	shalt  }
0x3f: {  	_ =	shalt  }
0x40: {  	_ =	shalt  }
0x41: {  	_ =	shalt  }
0x42: {  	_ =	shalt  }
0x43: {  	_ =	shalt  }
0x44: {  	_ =	shalt  }
0x45: {  	_ =	shalt  }
0x46: {  	_ =	shalt  }
0x47: {  	_ =	shalt  }
0x48: {  	_ =	shalt  }
0x49: {  	_ =	shalt  }
0x4a: {  	_ =	shalt  }
0x4b: {  	_ =	shalt  }
0x4c: {  	_ =	shalt  }
0x4d: {  	_ =	shalt  }
0x4e: {  	_ =	shalt  }
0x4f: {  	_ =	shalt  }
0x50: {  	_ =	shalt  }
0x51: {  	_ =	shalt  }
0x52: {  	_ =	shalt  }
0x53: {  	_ =	shalt  }
0x54: {  	_ =	shalt  }
0x55: {  	_ =	shalt  }
0x56: {  	_ =	shalt  }
0x57: {  	_ =	shalt  }
0x58: {  	_ =	shalt  }
0x59: {  	_ =	shalt  }
0x5a: {  	_ =	shalt  }
0x5b: {  	_ =	shalt  }
0x5c: {  	_ =	shalt  }
0x5d: {  	_ =	shalt  }
0x5e: {  	_ =	shalt  }
0x5f: {  	_ =	shalt  }
0x60: {  	_ =	shalt  }
0x61: {  	_ =	shalt  }
0x62: {  	_ =	shalt  }
0x63: {  	_ =	shalt  }
0x64: {  	_ =	shalt  }
0x65: {  	_ =	shalt  }
0x66: {  	_ =	shalt  }
0x67: {  	_ =	shalt  }
0x68: {  	_ =	shalt  }
0x69: {  	_ =	shalt  }
0x6a: {  	_ =	shalt  }
0x6b: {  	_ =	shalt  }
0x6c: {  	_ =	shalt  }
0x6d: {  	_ =	shalt  }
0x6e: {  	_ =	shalt  }
0x6f: {  	_ =	shalt  }
0x70: {  	_ =	shalt  }
0x71: {  	_ =	shalt  }
0x72: {  	_ =	shalt  }
0x73: {  	_ =	shalt  }
0x74: {  	_ =	shalt  }
0x75: {  	_ =	shalt  }
0x76: {  	_ =	shalt  }
0x77: {  	_ =	shalt  }
0x78: {  	_ =	shalt  }
0x79: {  	_ =	shalt  }
0x7a: {  	_ =	shalt  }
0x7b: {  	_ =	shalt  }
0x7c: {  	_ =	shalt  }
0x7d: {  	_ =	shalt  }
0x7e: {  	_ =	shalt  }
0x7f: {  	_ =	shalt  }
0x80: {  	_ =	shalt  }
0x81: {  	_ =	shalt  }
0x82: {  	_ =	shalt  }
0x83: {  	_ =	shalt  }
0x84: {  	_ =	shalt  }
0x85: {  	_ =	shalt  }
0x86: {  	_ =	shalt  }
0x87: {  	_ =	shalt  }
.Lfunc_end0:
.L_simem_size_0:
called_computation.2_lowered:
.L_overlay_start_0:
0x88: {  	s2 =	sld [smem:$0x3FD9]  }
0x89: {  	s3 =	sld [smem:$0x3FFE];
	_ =	sdelay $0x1  }
0x8a: {  	s1 =	srdreg.scid  }
0x8b: {  	s0 =	sand.u32 $0x1, s1  }
0x8c: {  	s17 =	sshll.u32 s0, $0xA;
	s2 =	sadd.s32 s3, s2  }
0x8d: {  	s2 =	sadd.s32 s2, s17  }
0x8e: {  	[smem:$0x3FC2] =	sst s2  }
0x8f: {  	_ = 	snop  }
0x90: {  	s2 =	sld [smem:$0x3FD0];
	(tm) =	ssettm $0x1  }
0x91: {  	s18 =	sld [smem:$0x3FFB];
	_ =	sdelay $0x3  }
0x92: {  	_ =	strace s18  }
0x93: {  	s3 =	sld [smem:$0x3FFC];
	_ =	sdelay $0x3  }
0x94: {  	_ =	strace s3  }
0x95: {  	s3 =	sld [smem:$0x3FFD];
	_ =	sdelay $0x3  }
0x96: {  	_ =	strace s3  }
0x97: {  	_ =	strace $0x8FFFFFFF  }
0x98: {  	s19 =	sld [smem:$0x3FDB];
	_ =	sdelay $0x1  }
0x99: {  	s4 =	simm.s32 $_scs_section_size  }
0x9a: {  	s5 =	simm.s32 $_size__tile_overlayer_lowered;
	s6 =	simm.s32 $_tile_overlayer_lowered  }
0x9b: {  	s22 =	simm.s32 $0x1BFF;
	s21 =	sshll.u32 s6, $0x1;
	s3 =	sadd.s32 s4, s19  }
0x9c: {  	s7 =	simm.s32 $0x0;
	s20 =	sshll.u32 s5, $0x1;
	s5 =	sadd.s32 s21, s3  }
0x9d: {  	[timem:s7], [sflag:s22] =	dma.local [hbm:s5], s20  }
0x9e: {  	_ =	swait.ge [sflag:s22], s20  }
0x9f: {  	s4 =	ssub.s32 $0x0, s20;
	[sflag:s22] =	ssyncset.done $0x0  }
0xa0: {  	[sflag:s22] =	ssyncadd.s32 s4;
	_ =	sdelay $0x1  }
0xa1: {  	s23 =	simm.s32 $0x1B8B  }
0xa2: {  	_ =	swait.ge [sflag:s23], $0x1  }
0xa3: {  	[sflag:s23] =	ssyncset.done $0x0  }
0xa4: {  	s25 =	simm.s32 $0x1B8E;
	s24 =	sld [smem:$0x3FFE];
	[sflag:s23] =	ssyncadd.s32 $0xFFFFFFFF  }
0xa5: {  	s26 =	simm.s32 $execute0_lowered;
	[smem:$0x3FD2] =	sst s25  }
0xa6: {  	s5 =	sshll.u32 s26, $0x1;
	_ =	strace $0x8000004C;
	[dreg:$0x1] =	wrdreg $0xFFFFFFFF  }
0xa7: {  	s28 =	simm.s32 $_size_execute0_lowered;
	s3 =	sadd.s32 s3, s5;
	[dreg:$0x0] =	wrdreg $0x0  }
0xa8: {  	s5 =	sshll.u32 s28, $0x1;
	[dreg:$0x2] =	wrdreg s3  }
0xa9: {  	[dreg:$0x3] =	wrdreg s5  }
0xaa: {  	[dreg:$0x4] =	wrdreg $0xC0  }
0xab: {  	_ =	task [dreg:s7], $0x5FFFF  }
0xac: {  	[dreg:$0x1] =	wrdreg $0xFFFFFFFF  }
0xad: {  	[dreg:$0x0] =	wrdreg $0x60  }
0xae: {  	[dreg:$0x2] =	wrdreg s24  }
0xaf: {  	[dreg:$0x3] =	wrdreg s2  }
0xb0: {  	[dreg:$0x4] =	wrdreg $0xBC000  }
0xb1: {  	[dreg:$0x5] =	wrdreg $0x9  }
0xb2: {  	_ =	task.clear_ibuf [dreg:s7], $0x6FFFF;
	_ =	strace $0x9000004C  }
0xb3: {  	s29 =	simm.s32 $0x9;
	_ =	strace $0x8000004E  }
0xb4: {  	_ =	swait.ge [sflag:s29], $0x1  }
0xb5: {  	[sflag:s29] =	ssyncadd.s32 $0xFFFFFFFF  }
0xb6: {  	_ =	strace $0x9000004E  }
0xb7: {  	_ =	sfence  }
0xb8: {  	s30 =	sld [smem:$0x0];
	_ =	sdelay $0x2  }
0xb9: {  	s31 =	sshll.u32 s1, $0xD;
	s1 =	sshrl.u32 s1, $0x2  }
0xba: {  	s3 =	sand.u32 $0x4000, s31;
	s1 =	sadd.s32 s1, s30  }
0xbb: {  	s0 =	sor.u32 s3, s0;
	s1 =	sshll.u32 s1, $0x11  }
0xbc: {  	s0 =	sor.u32 s1, s0  }
0xbd: {  	s0 =	sadd.s32 $0x8F2B, s0  }
0xbe: {  	[sflag:s0] =	ssyncadd.remote.s32 $0x1  }
0xbf: {  	_ =	sfence.sel $0xFFFF  }
0xc0: {  	[dreg:$0x0] =	wrdreg $0xFFFFFFFF;
	(pc) =	sbr.abs _section_cstart, $3  }
0xc1: {  	[dreg:$0x1] =	wrdreg $0xFFFFFFFF  }
0xc2: {  	_ =	task.clear_ibuf [dreg:s7], $0x2FFFF;
	_ =	strace $0x9FFFFFFF  }
0xc3: {  	(tm) =	ssettm $0x7FFFFFFF  }
tec
execute0_lowered:
.L_overlay_start_1:
0x0: {  	(tag) =	ssettag $0x1  }
0x1: {  	s16 =	stileid.u32  }
0x2: {  	s5 =	smul.u32 $0x13C00, s16  }
0x3: {  	s0 =	rddreg [dreg:$0x0];
	s10 =	smul.u32 $0x2C00, s16  }
0x4: {  	s1 =	rddreg [dreg:$0x1];
	s18 =	smul.u32 $0x4F000, s16  }
0x5: {  	s3 =	srdreg.scid;
	s12 =	smul.u32 $0x144000, s16  }
0x6: {  	s2 =	rddreg [dreg:$0x2];
	s6 =	sand.u32 $0x1, s3;
	s14 =	smul.u32 $0x2800, s16  }
0x7: {  	s15 =	simm.s32 $0x4;
	s3 =	simm.s32 $0x0;
	s7 =	smul.u32 $0x13C000, s6  }
0x8: {  	s11 =	sadd.s32 $0xC800, s0;
	s31 =	sshll.u32 s16, $0x6;
	s8 =	smul.u32 $0x2C000, s6  }
0x9: {  	[smem:$0x7FF] =	sst s3;
	s19 =	smul.u32 $0x1440000, s6;
	s13 =	ssub.s32 $0x2, s6  }
0xa: {  	s20 =	smul.u32 $0x28000, s6;
	s16 =	sor.u32 $0x1C04, s31;
	s4 =	sshrl.u32 s5, $0x3  }
0xb: {  	_ =	strace $0x8000004D;
	[dreg:$0x4] =	wrdreg s11;
	s21 =	sshrl.u32 s13, $0x1  }
0xc: {  	s22 =	sshrl.u32 s18, $0x2;
	s18 =	simm.s32 $0x80;
	s9 =	sadd.s32 s4, s0  }
0xd: {  	s4 =	sadd.s32 $0x2800, s0;
	s5 =	sadd.s32 s5, s7;
	s8 =	sadd.s32 s10, s8  }
0xe: {  	s13 =	ssub.s32 s13, s21;
	s12 =	sadd.s32 s12, s19;
	s7 =	sadd.s32 s14, s20  }
0xf: {  	s19 =	simm.s32 $0x3C00;
	s20 =	simm.s32 $0x7C00;
	s21 =	simm.s32 $0x1  }
0x10: {  	s5 =	sshrl.u32 s5, $0x3;
	s8 =	sshrl.u32 s8, $0x3;
	s23 =	sadd.s32 $0xB8200, s9  }
0x11: {  	s24 =	sshrl.u32 s7, $0x3;
	s25 =	sshrl.u32 s12, $0x3;
	s26 =	sadd.s32 $0x4000, s12  }
0x12: {  	s29 =	sadd.s32 $0x8000, s12;
	s12 =	smax.u32 s13, $0x1;
	s5 =	sadd.s32 s5, s0  }
0x13: {  	s0 =	sadd.s32 $0xDFA00, s0;
	s1 =	sadd.s32 s1, s8;
	[dreg:$0x6] =	wrdreg s23  }
0x14: {  	s9 =	sadd.s32 s4, s24;
	s28 =	sshrl.u32 s26, $0x3;
	s30 =	sshrl.u32 s29, $0x3  }
0x15: {  	s24 =	simm.s32 $0x0;
	[dreg:$0x5] =	wrdreg s1;
	s1 =	sadd.s32 s22, s2  }
0x16: {  	s10 =	sadd.s32 s0, s25;
	s11 =	sadd.s32 $0x5EFA00, s5;
	s13 =	sadd.s32 s28, s0  }
0x17: {  	s23 =	sadd.s32 s30, s0;
	s22 =	simm.s32 $0x2;
	s17 =	sshrl.u32 s1, $0x3  }
.LBB2_1:
0x18: {  	s0 =	rddreg [dreg:$0x5]  }
0x19: {  	[tilespmem:s3], [sflag:$0x4] =	stream.linear.gather [hbm4b:s0+s3], $0x2C00, $0x38;
	[tilespmem:$0x1F800] =	vst v63  }
0x1a: {  	_ =	swait.ge [sflag:s15], $0x2C00  }
0x1b: {  	[sflag:s15] =	ssyncset.done $0x0  }
0x1c: {  	s26 =	rddreg [dreg:$0x6];
	[sflag:s15] =	ssyncadd.s32 $0xFFFFD400  }
0x1d: {  	[spmem:s17], [sflag:s16] =	dma.local [hbm:s26], $0x2780  }
0x1e: {  	_ =	swait.ge [sflag:s15], $0x2780  }
0x1f: {  	[sflag:s15] =	ssyncset.done $0x0  }
0x20: {  	[sflag:s15] =	ssyncadd.s32 $0xFFFFD880  }
0x21: {  	[bflag:$0x0] =	sbarrier.arrive $0xFFFF  }
0x22: {  	[tilespmem:s19], [sflag:$0x1] =	stream.indirect.gather [spmem:s2], $0x80, s3, s18, $0xb8;
	[tilespmem:$0x1F800] =	vst v63  }
0x23: {  	s28 =	simm.s32 $0x80  }
0x24: {  	[tilespmem:s20], [sflag:$0x2] =	stream.indirect.gather [spmem:s2], $0x80, s28, s18, $0xb8;
	[tilespmem:$0x1F800] =	vst v63  }
0x25: {  	_ =	swait.ge [sflag:s21], $0x4000  }
0x26: {  	[sflag:s21] =	ssyncset.done $0x0  }
0x27: {  	s29 =	sadd.s32 $0x0, s10;
	[sflag:s21] =	ssyncadd.s32 $0xFFFFC000  }
0x28: {  	[hbm4b:s29+s3] =	stream.linear.scatter [tilespmem:s19], [sflag:$0x4], $0x4000, $0x38;
	[tilespmem:$0x1F800] =	vst v63  }
0x29: {  	_ =	swait.ge [sflag:s15], $0x4000  }
0x2a: {  	[sflag:s15] =	ssyncset.done $0x0  }
0x2b: {  	s30 =	simm.s32 $0x100;
	[sflag:s15] =	ssyncadd.s32 $0xFFFFC000  }
0x2c: {  	[tilespmem:s19], [sflag:$0x1] =	stream.indirect.gather [spmem:s2], $0x80, s30, s18, $0xb8;
	[tilespmem:$0x1F800] =	vst v63  }
0x2d: {  	_ =	swait.ge [sflag:s22], $0x4000  }
0x2e: {  	[sflag:s22] =	ssyncset.done $0x0  }
0x2f: {  	s31 =	sadd.s32 $0x0, s13;
	[sflag:s22] =	ssyncadd.s32 $0xFFFFC000  }
0x30: {  	[hbm4b:s31+s3] =	stream.linear.scatter [tilespmem:s20], [sflag:$0x4], $0x4000, $0x38;
	[tilespmem:$0x1F800] =	vst v63  }
0x31: {  	s25 =	simm.s32 $0x1000;
	_ =	swait.ge [sflag:s15], $0x4000  }
0x32: {  	s0 =	simm.s32 $0x2000;
	s26 =	simm.s32 $0x200;
	[sflag:s15] =	ssyncset.done $0x0  }
.LBB2_2:
0x33: {  	p0 =	sne.s32 s0, $0x27000;
	s1 =	sadd.s32 $0xFFFFFF80, s26;
	[sflag:s15] =	ssyncadd.s32 $0xFFFFC000  }
0x34: {  	[tilespmem:s20], [sflag:$0x2] =	stream.indirect.gather [spmem:s2], $0x80, s1, s18, $0xb8;
	[tilespmem:$0x1F800] =	vst v63  }
0x35: {  	s1 =	smov.u32 s0;
	s0 =	sadd.s32 $0x1000, s0;
	_ =	swait.ge [sflag:s21], $0x4000  }
0x36: {  	[sflag:s21] =	ssyncset.done $0x0  }
0x37: {  	s5 =	sadd.s32 s25, s10;
	[sflag:s21] =	ssyncadd.s32 $0xFFFFC000  }
0x38: {  	[hbm4b:s5+s3] =	stream.linear.scatter [tilespmem:s19], [sflag:$0x4], $0x4000, $0x38;
	[tilespmem:$0x1F800] =	vst v63  }
0x39: {  	_ =	swait.ge [sflag:s15], $0x4000  }
0x3a: {  	[sflag:s15] =	ssyncset.done $0x0  }
0x3b: {  	[sflag:s15] =	ssyncadd.s32 $0xFFFFC000  }
0x3c: {  	[tilespmem:s19], [sflag:$0x1] =	stream.indirect.gather [spmem:s2], $0x80, s26, s18, $0xb8;
	[tilespmem:$0x1F800] =	vst v63  }
0x3d: {  	_ =	swait.ge [sflag:s22], $0x4000  }
.Ltmp0:
0x3e: {  	[sflag:s22] =	ssyncset.done $0x0;
	(pc) =	sbr.rel @p0 .LBB2_2-.Ltmp0, $4  }
0x3f: {  	s5 =	sadd.s32 s25, s13;
	s25 =	smov.u32 s1;
	[sflag:s22] =	ssyncadd.s32 $0xFFFFC000  }
0x40: {  	[hbm4b:s5+s3] =	stream.linear.scatter [tilespmem:s20], [sflag:$0x4], $0x4000, $0x38;
	[tilespmem:$0x1F800] =	vst v63  }
0x41: {  	_ =	swait.ge [sflag:s15], $0x4000  }
0x42: {  	s26 =	sadd.s32 $0x100, s26;
	[sflag:s15] =	ssyncset.done $0x0  }
0x43: {  	s0 =	sadd.s32 $0xFFFFFF80, s26;
	[sflag:s15] =	ssyncadd.s32 $0xFFFFC000  }
0x44: {  	[tilespmem:s20], [sflag:$0x2] =	stream.indirect.gather [spmem:s2], $0x80, s0, s18, $0xb8;
	[tilespmem:$0x1F800] =	vst v63  }
0x45: {  	_ =	swait.ge [sflag:s21], $0x4000  }
0x46: {  	[sflag:s21] =	ssyncset.done $0x0  }
0x47: {  	s14 =	sadd.s32 s25, s10;
	[sflag:s21] =	ssyncadd.s32 $0xFFFFC000  }
0x48: {  	[hbm4b:s14+s3] =	stream.linear.scatter [tilespmem:s19], [sflag:$0x4], $0x4000, $0x38;
	[tilespmem:$0x1F800] =	vst v63  }
0x49: {  	_ =	swait.ge [sflag:s15], $0x4000  }
0x4a: {  	[sflag:s15] =	ssyncset.done $0x0  }
0x4b: {  	[sflag:s15] =	ssyncadd.s32 $0xFFFFC000  }
0x4c: {  	[tilespmem:s19], [sflag:$0x1] =	stream.indirect.gather [spmem:s2], $0x80, s26, s18, $0xb8;
	[tilespmem:$0x1F800] =	vst v63  }
0x4d: {  	_ =	swait.ge [sflag:s22], $0x4000  }
0x4e: {  	[sflag:s22] =	ssyncset.done $0x0  }
0x4f: {  	s28 =	sadd.s32 s25, s13;
	[sflag:s22] =	ssyncadd.s32 $0xFFFFC000  }
0x50: {  	[hbm4b:s28+s3] =	stream.linear.scatter [tilespmem:s20], [sflag:$0x4], $0x4000, $0x38;
	[tilespmem:$0x1F800] =	vst v63  }
0x51: {  	_ =	swait.ge [sflag:s15], $0x4000  }
0x52: {  	[sflag:s15] =	ssyncset.done $0x0  }
0x53: {  	[sflag:s15] =	ssyncadd.s32 $0xFFFFC000  }
0x54: {  	_ =	swait.ge [sflag:s21], $0x4000  }
0x55: {  	[sflag:s21] =	ssyncset.done $0x0  }
0x56: {  	[sflag:s21] =	ssyncadd.s32 $0xFFFFC000  }
0x57: {  	[bflag:$0x0] =	sbarrier.arrive $0xFFFF  }
0x58: {  	s29 =	rddreg [dreg:$0x4]  }
0x59: {  	[spmem:s17], [sflag:s16] =	dma.local [hbm:s29], $0x2780  }
0x5a: {  	_ =	swait.ge [sflag:s15], $0x2780  }
0x5b: {  	[sflag:s15] =	ssyncset.done $0x0  }
0x5c: {  	s25 =	simm.s32 $0x0;
	s31 =	simm.s32 $0x2C00;
	[sflag:s15] =	ssyncadd.s32 $0xFFFFD880  }
0x5d: {  	[tilespmem:s31], [sflag:$0x4] =	stream.linear.gather [hbm4b:s9+s25], $0x1000, $0x38;
	[tilespmem:$0x1F800] =	vst v63  }
0x5e: {  	_ =	swait.ge [sflag:s15], $0x1000  }
0x5f: {  	[sflag:s15] =	ssyncset.done $0x0  }
0x60: {  	s5 =	smov.u32 s13;
	s30 =	simm.s32 $0x0;
	[sflag:s15] =	ssyncadd.s32 $0xFFFFF000  }
0x61: {  	s14 =	smov.u32 s23;
	s26 =	simm.s32 $0x0;
	[bflag:$0x0] =	sbarrier.arrive $0xFFFF  }
0x62: {  	[tilespmem:s19], [sflag:$0x1] =	stream.linear.gather [hbm4b:s10+s25], $0x4000, $0x38;
	[tilespmem:$0x1F800] =	vst v63  }
.LBB2_4:
0x63: {  	p0 =	seq.s32 s30, $0x0  }
0x64: {  	s0 =	simm.s32 @!p0 $0x3  }
0x65: {  	p1 =	seq.s32 @!p0 s30, $0x4;
	_ =	swait.ge @!p0 [sflag:s0], $0x800  }
0x66: {  	p1 =	por p0, !p1;
	[sflag:s0] =	ssyncset.done @!p0 $0x0  }
0x67: {  	[sflag:s0] =	ssyncadd.s32 @!p0 $0xFFFFF800;
	s0 =	sshll.u32 @p1 s30, $0x4  }
0x68: {  	s0 =	sshll.u32 @p1 s0, $0x7  }
0x69: {  	s0 =	sadd.s32 @p1 $0x800, s0  }
0x6a: {  	s1 =	sadd.s32 @p1 s7, s0  }
0x6b: {  	s0 =	sand.u32 @p1 $0x800, s0;
	s1 =	sshrl.u32 @p1 s1, $0x3  }
0x6c: {  	s0 =	sadd.s32 @p1 $0x2C00, s0;
	s1 =	sadd.s32 @p1 s4, s1  }
0x6d: {  	[tilespmem:s0], [sflag:$0x3] =	stream.linear.gather @p1 [hbm4b:s1+s3], $0x800, $0x38;
	[tilespmem:$0x1F800] =	vst v63  }
0x6e: {  	s6 =	sand.u32 $0xF, s25  }
0x6f: {  	[tilespmem:s20], [sflag:$0x2] =	stream.linear.gather [hbm4b:s5+s3], $0x4000, $0x38;
	[tilespmem:$0x1F800] =	vst v63  }
0x70: {  	s0 =	sshll.u32 s6, $0x8;
	_ =	swait.ge [sflag:s21], $0x4000  }
0x71: {  	s31 =	sadd.s32 $0x2C00, s0;
	[sflag:s21] =	ssyncset.done $0x0  }
0x72: {  	s0 =	sadd.s32 $0x0, s31;
	[sflag:s21] =	ssyncadd.s32 $0xFFFFC000  }
0x73: {  	[spmem:s2] =	stream.indirect.scatter.add.f32 [tilespmem:s19], [sflag:$0x4], $0x80, s0, s18, $0xb8;
	[tilespmem:$0x1F800] =	vst v63  }
0x74: {  	_ =	swait.ge [sflag:s15], $0x4000  }
0x75: {  	[sflag:s15] =	ssyncset.done $0x0  }
0x76: {  	s8 =	sand.u32 $0x1F, s26;
	[sflag:s15] =	ssyncadd.s32 $0xFFFFC000  }
0x77: {  	[tilespmem:s19], [sflag:$0x1] =	stream.linear.gather [hbm4b:s14+s3], $0x4000, $0x38;
	[tilespmem:$0x1F800] =	vst v63  }
0x78: {  	s0 =	sshll.u32 s8, $0x7;
	_ =	swait.ge [sflag:s22], $0x4000  }
0x79: {  	s1 =	sadd.s32 $0x2C80, s0;
	[sflag:s22] =	ssyncset.done $0x0  }
0x7a: {  	s0 =	sadd.s32 $0x0, s1;
	[sflag:s22] =	ssyncadd.s32 $0xFFFFC000  }
0x7b: {  	[spmem:s2] =	stream.indirect.scatter.add.f32 [tilespmem:s20], [sflag:$0x4], $0x80, s0, s18, $0xb8;
	[tilespmem:$0x1F800] =	vst v63  }
0x7c: {  	s29 =	smov.u32 s14;
	_ =	swait.ge [sflag:s15], $0x4000  }
0x7d: {  	s28 =	smov.u32 s5;
	s0 =	simm.s32 $0x400;
	[sflag:s15] =	ssyncset.done $0x0  }
.LBB2_5:
0x7e: {  	[sflag:s15] =	ssyncadd.s32 $0xFFFFC000  }
0x7f: {  	s29 =	sadd.s32 $0x1000, s29;
	s28 =	sadd.s32 $0x1000, s28;
	s6 =	smov.u32 s0  }
0x80: {  	[tilespmem:s20], [sflag:$0x2] =	stream.linear.gather [hbm4b:s28+s3], $0x4000, $0x38;
	[tilespmem:$0x1F800] =	vst v63  }
0x81: {  	p0 =	sne.s32 s0, $0x1C00;
	s0 =	sadd.s32 $0x400, s0;
	_ =	swait.ge [sflag:s21], $0x4000  }
0x82: {  	s6 =	sshra.s32 s6, $0x2;
	[sflag:s21] =	ssyncset.done $0x0  }
0x83: {  	s8 =	sadd.s32 s6, s31;
	[sflag:s21] =	ssyncadd.s32 $0xFFFFC000  }
0x84: {  	[spmem:s2] =	stream.indirect.scatter.add.f32 [tilespmem:s19], [sflag:$0x4], $0x80, s8, s18, $0xb8;
	[tilespmem:$0x1F800] =	vst v63  }
0x85: {  	_ =	swait.ge [sflag:s15], $0x4000  }
0x86: {  	[sflag:s15] =	ssyncset.done $0x0  }
0x87: {  	[sflag:s15] =	ssyncadd.s32 $0xFFFFC000  }
0x88: {  	[tilespmem:s19], [sflag:$0x1] =	stream.linear.gather [hbm4b:s29+s3], $0x4000, $0x38;
	[tilespmem:$0x1F800] =	vst v63  }
0x89: {  	_ =	swait.ge [sflag:s22], $0x4000  }
.Ltmp1:
0x8a: {  	[sflag:s22] =	ssyncset.done $0x0;
	(pc) =	sbr.rel @p0 .LBB2_5-.Ltmp1, $4  }
0x8b: {  	s6 =	sadd.s32 s6, s1;
	[sflag:s22] =	ssyncadd.s32 $0xFFFFC000  }
0x8c: {  	[spmem:s2] =	stream.indirect.scatter.add.f32 [tilespmem:s20], [sflag:$0x4], $0x80, s6, s18, $0xb8;
	[tilespmem:$0x1F800] =	vst v63  }
0x8d: {  	_ =	swait.ge [sflag:s15], $0x4000  }
0x8e: {  	[sflag:s15] =	ssyncset.done $0x0  }
0x8f: {  	s30 =	sadd.s32 $0x1, s30  }
0x90: {  	p0 =	sne.s32 s30, $0x5  }
.Ltmp2:
0x91: {  	_ = 	snop;
	(pc) =	sbr.rel @p0 .LBB2_4-.Ltmp2, $3  }
0x92: {  	_ =	sdelay $0x1  }
0x93: {  	[sflag:s15] =	ssyncadd.s32 $0xFFFFC000;
	s14 =	sadd.s32 $0x8000, s14  }
0x94: {  	s5 =	sadd.s32 $0x8000, s5;
	s26 =	sadd.s32 $0x10, s26;
	s25 =	sadd.s32 $0x8, s25  }
0x95: {  	_ =	swait.ge [sflag:s21], $0x4000  }
0x96: {  	s24 =	sadd.s32 $0x1, s24;
	[sflag:s21] =	ssyncset.done $0x0  }
0x97: {  	p0 =	sne.s32 s24, s12;
	[sflag:s21] =	ssyncadd.s32 $0xFFFFC000  }
.Ltmp3:
0x98: {  	[bflag:$0x0] =	sbarrier.arrive $0xFFFF;
	(pc) =	sbr.rel @p0 .LBB2_1-.Ltmp3, $4  }
0x99: {  	[hbm:s11], [sflag:s16] =	dma.local [spmem:s17], $0x2780  }
0x9a: {  	_ =	swait.ge [sflag:s15], $0x2780  }
0x9b: {  	[sflag:s15] =	ssyncset.done $0x0  }
0x9c: {  	[sflag:s15] =	ssyncadd.s32 $0xFFFFD880  }
0x9d: {  	_ =	sfence.sel $0x180000  }
0x9e: {  	[bflag:$0x0] =	sbarrier.arrive $0xFFFF  }
0x9f: {  	_ =	strace $0x9000004D  }
0xa0: {  	s0 =	stileid.u32;
	[bflag:$0x2] =	sbarrier.arrive $0xFFFF  }
0xa1: {  	p0 =	sne.s32 s0, $0x0;
	s0 =	rddreg [dreg:$0x3]  }
0xa2: {  	s0 =	sadd.s32 @!p0 $0x100000, s0  }
0xa3: {  	[sflag:s0] =	ssyncadd.tile.s32 @!p0 $0x1;
	_ =	shalt  }
.Lfunc_end2:
_tile_overlayer_lowered:
.L_overlay_start_2:
0xa4: {  	(tag) =	ssettag $0x2  }
0xa5: {  	s0 =	rddreg [dreg:$0x0];
	s2 =	stileid.u32  }
0xa6: {  	s1 =	rddreg [dreg:$0x1];
	p0 =	sne.s32 s2, $0x0  }
0xa7: {  	s3 =	rddreg [dreg:$0x2];
	[bflag:$0x3] =	sbarrier.arrive $0xFFFF;
	s2 =	simm.s32 @!p0 $0x1C04  }
0xa8: {  	[timem:s3], [sflag:s2] =	dma.local @!p0 [hbm:s0], s1  }
0xa9: {  	s0 =	simm.s32 @!p0 $0x4  }
0xaa: {  	_ =	swait.ge @!p0 [sflag:s0], s1  }
0xab: {  	s1 =	ssub.s32 @!p0 $0x0, s1;
	[sflag:s0] =	ssyncset.done @!p0 $0x0  }
0xac: {  	[sflag:s0] =	ssyncadd.s32 @!p0 s1  }
0xad: {  	[bflag:$0x3] =	sbarrier.arrive $0xFFFF  }
0xae: {  	_ =	shalt  }

// kernel: kernel.9.cloned.1.call-start
scs
__scs_entry_jumppad:
0x0: {  	(pc) =	sbr.rel $0x88, $3  }
0x1: {  	(tag) =	ssettag $0x0;
	lr =	simm.s32 $0x1  }
0x2: {  	[smem:$0x3F9B] =	sst lr;
	_ =	strace $0xD0000000  }
0x3: {  	_ = 	snop  }
0x4: {  	_ = 	snop  }
0x5: {  	_ = 	snop  }
0x6: {  	_ = 	snop  }
0x7: {  	_ = 	snop  }
__scs_overlays_trampoline_lowered:
0x8: {  	[smem:$0x3FAA] =	sst s0  }
0x9: {  	[smem:$0x3FAB] =	sst s1  }
0xa: {  	[smem:$0x3FAC] =	sst s2  }
0xb: {  	[smem:$0x3FAD] =	sst s3  }
0xc: {  	[smem:$0x3FAE] =	sst s4  }
0xd: {  	[smem:$0x3FAF] =	sst s5  }
0xe: {  	[smem:$0x3FB0] =	sst s6  }
0xf: {  	[smem:$0x3FB1] =	sst s7  }
0x10: {  	[smem:$0x3FB2] =	sst s8  }
0x11: {  	[smem:$0x3FB3] =	sst s9;
	s0 =	simm.s32 @!p0 $0x0  }
0x12: {  	s1 =	sld [smem:$0x3F99];
	s0 =	simm.s32 @p0 $0x1  }
0x13: {  	[smem:$0x3FB4] =	sst s0;
	s0 =	simm.s32 @!p1 $0x0  }
0x14: {  	s2 =	sld [smem:$0x3F98];
	s0 =	simm.s32 @p1 $0x1  }
0x15: {  	[smem:$0x3FB5] =	sst s0;
	s0 =	simm.s32 @!p2 $0x0  }
0x16: {  	s3 =	sld [smem:$0x3FDB];
	s0 =	simm.s32 @p2 $0x1  }
0x17: {  	s4 =	simm.s32 $0x1BF5;
	[smem:$0x3FB7] =	sst s0  }
0x18: {  	s0 =	sld [smem:$0x3F9A];
	_ =	swait.ge [sflag:s4], $0x0  }
0x19: {  	s7 =	sld [smem:$0x3F9B]  }
0x1a: {  	s8 =	sadd.s32 $0xFFFFE003, lr  }
0x1b: {  	s9 =	sadd.s32 $0xFFFFFEF7, lr;
	s5 =	simm.s32 $0xFFFFFFFF;
	p2 =	slt.u32 s8, $0xFFFFF086  }
0x1c: {  	p1 =	slt.u32 s9, $0xF7A;
	s5 =	simm.s32 @!p2 $0x0  }
0x1d: {  	s5 =	simm.s32 @p1 $0x1;
	p0 =	seq.s32 s7, s2  }
0x1e: {  	s7 =	smul.u32 @!p0 $0xF7A, s2;
	p2 =	seq.s32 @!p0 s5, $0x0  }
0x1f: {  	s9 =	smul.u32 $0xF7A, s1;
	s8 =	simm.s32 @!p0 $0x1BF5;
	p2 =	por !p2, p0  }
0x20: {  	[sflag:s8] =	ssyncset.s32 @!p0 $0xFFFFF086;
	s6 =	sadd.s32 @!p0 s3, s7;
	s7 =	simm.s32 @!p0 $0x108  }
0x21: {  	s3 =	sadd.s32 s3, s9;
	s6 =	sadd.s32 @!p0 $0x88, s6;
	s7 =	simm.s32 @p2 $0x1082  }
0x22: {  	[simem:s7], [sflag:s8] =	dma.local @!p0 [hbm:s6], $0xF7A  }
0x23: {  	s9 =	sor.u32 $0xD0000000, s2;
	s6 =	simm.s32 $0x108;
	_ =	swait.ge @!p0 [sflag:s8], $0x0  }
0x24: {  	s3 =	sadd.s32 $0x88, s3;
	s6 =	simm.s32 @!p1 $0x1082;
	[sflag:s4] =	ssyncset.s32 $0xFFFFF086  }
0x25: {  	[simem:s6], [sflag:s4] =	dma.local [hbm:s3], $0xF7A  }
0x26: {  	[smem:$0x3F9B] =	sst s1;
	(tag) =	ssettag s2;
	_ =	strace s9  }
0x27: {  	s1 =	sld [smem:$0x3FAB]  }
0x28: {  	s2 =	sld [smem:$0x3FAC]  }
0x29: {  	s4 =	sld [smem:$0x3FAE]  }
0x2a: {  	p0 =	seq.s32 s5, $0x0;
	s5 =	sld [smem:$0x3FAF]  }
0x2b: {  	s6 =	sld [smem:$0x3FB0]  }
0x2c: {  	s7 =	sld [smem:$0x3FB1]  }
0x2d: {  	s3 =	simm.s32 $0x108;
	s8 =	sld [smem:$0x3FB2]  }
0x2e: {  	s3 =	simm.s32 @!p0 $0x1082;
	s9 =	sld [smem:$0x3FB3]  }
0x2f: {  	lr =	sadd.s32 s0, s3;
	s0 =	sld [smem:$0x3FAA]  }
0x30: {  	s3 =	sld [smem:$0x3FAD]  }
0x31: {  	[smem:$0x3FB6] =	sst s10  }
0x32: {  	s10 =	sld [smem:$0x3FB4];
	_ =	sdelay $0x3  }
0x33: {  	p0 =	seq.s32 s10, $0x1;
	s10 =	sld [smem:$0x3FB6];
	_ =	sdelay $0x3  }
0x34: {  	[smem:$0x3FB6] =	sst s10  }
0x35: {  	s10 =	sld [smem:$0x3FB5];
	_ =	sdelay $0x3  }
0x36: {  	p1 =	seq.s32 s10, $0x1;
	s10 =	sld [smem:$0x3FB6];
	_ =	sdelay $0x3  }
0x37: {  	[smem:$0x3FB6] =	sst s10  }
0x38: {  	s10 =	sld [smem:$0x3FB7]  }
0x39: {  	_ = 	snop;
	(pc) =	sbr.ind lr, $3  }
0x3a: {  	_ = 	snop  }
0x3b: {  	_ = 	snop  }
0x3c: {  	p2 =	seq.s32 s10, $0x1;
	s10 =	sld [smem:$0x3FB6]  }
0x3d: {  	_ =	shalt  }
0x3e: {  	_ =	shalt  }
0x3f: {  	_ =	shalt  }
0x40: {  	_ =	shalt  }
0x41: {  	_ =	shalt  }
0x42: {  	_ =	shalt  }
0x43: {  	_ =	shalt  }
0x44: {  	_ =	shalt  }
0x45: {  	_ =	shalt  }
0x46: {  	_ =	shalt  }
0x47: {  	_ =	shalt  }
0x48: {  	_ =	shalt  }
0x49: {  	_ =	shalt  }
0x4a: {  	_ =	shalt  }
0x4b: {  	_ =	shalt  }
0x4c: {  	_ =	shalt  }
0x4d: {  	_ =	shalt  }
0x4e: {  	_ =	shalt  }
0x4f: {  	_ =	shalt  }
0x50: {  	_ =	shalt  }
0x51: {  	_ =	shalt  }
0x52: {  	_ =	shalt  }
0x53: {  	_ =	shalt  }
0x54: {  	_ =	shalt  }
0x55: {  	_ =	shalt  }
0x56: {  	_ =	shalt  }
0x57: {  	_ =	shalt  }
0x58: {  	_ =	shalt  }
0x59: {  	_ =	shalt  }
0x5a: {  	_ =	shalt  }
0x5b: {  	_ =	shalt  }
0x5c: {  	_ =	shalt  }
0x5d: {  	_ =	shalt  }
0x5e: {  	_ =	shalt  }
0x5f: {  	_ =	shalt  }
0x60: {  	_ =	shalt  }
0x61: {  	_ =	shalt  }
0x62: {  	_ =	shalt  }
0x63: {  	_ =	shalt  }
0x64: {  	_ =	shalt  }
0x65: {  	_ =	shalt  }
0x66: {  	_ =	shalt  }
0x67: {  	_ =	shalt  }
0x68: {  	_ =	shalt  }
0x69: {  	_ =	shalt  }
0x6a: {  	_ =	shalt  }
0x6b: {  	_ =	shalt  }
0x6c: {  	_ =	shalt  }
0x6d: {  	_ =	shalt  }
0x6e: {  	_ =	shalt  }
0x6f: {  	_ =	shalt  }
0x70: {  	_ =	shalt  }
0x71: {  	_ =	shalt  }
0x72: {  	_ =	shalt  }
0x73: {  	_ =	shalt  }
0x74: {  	_ =	shalt  }
0x75: {  	_ =	shalt  }
0x76: {  	_ =	shalt  }
0x77: {  	_ =	shalt  }
0x78: {  	_ =	shalt  }
0x79: {  	_ =	shalt  }
0x7a: {  	_ =	shalt  }
0x7b: {  	_ =	shalt  }
0x7c: {  	_ =	shalt  }
0x7d: {  	_ =	shalt  }
0x7e: {  	_ =	shalt  }
0x7f: {  	_ =	shalt  }
0x80: {  	_ =	shalt  }
0x81: {  	_ =	shalt  }
0x82: {  	_ =	shalt  }
0x83: {  	_ =	shalt  }
0x84: {  	_ =	shalt  }
0x85: {  	_ =	shalt  }
0x86: {  	_ =	shalt  }
0x87: {  	_ =	shalt  }
.Lfunc_end0:
.L_simem_size_0:
called_computation_lowered:
.L_overlay_start_0:
0x88: {  	s2 =	sld [smem:$0x3FD9]  }
0x89: {  	s3 =	sld [smem:$0x3FFE];
	_ =	sdelay $0x1  }
0x8a: {  	s1 =	srdreg.scid  }
0x8b: {  	s0 =	sand.u32 $0x1, s1  }
0x8c: {  	s16 =	sshll.u32 s0, $0xA;
	s2 =	sadd.s32 s3, s2  }
0x8d: {  	s2 =	sadd.s32 s2, s16  }
0x8e: {  	[smem:$0x3FC2] =	sst s2  }
0x8f: {  	_ = 	snop  }
0x90: {  	(tm) =	ssettm $0x1  }
0x91: {  	s17 =	sld [smem:$0x3FFB];
	_ =	sdelay $0x3  }
0x92: {  	_ =	strace s17  }
0x93: {  	s2 =	sld [smem:$0x3FFC];
	_ =	sdelay $0x3  }
0x94: {  	_ =	strace s2  }
0x95: {  	s2 =	sld [smem:$0x3FFD];
	_ =	sdelay $0x3  }
0x96: {  	_ =	strace s2  }
0x97: {  	_ =	strace $0x8FFFFFFF  }
0x98: {  	s18 =	sld [smem:$0x3FDB];
	_ =	sdelay $0x1  }
0x99: {  	s19 =	simm.s32 $_scs_section_size  }
0x9a: {  	s4 =	simm.s32 $_size__tile_overlayer_lowered;
	s5 =	simm.s32 $_tile_overlayer_lowered  }
0x9b: {  	s22 =	simm.s32 $0x1BFF;
	s21 =	sshll.u32 s5, $0x1;
	s2 =	sadd.s32 s19, s18  }
0x9c: {  	s6 =	simm.s32 $0x0;
	s20 =	sshll.u32 s4, $0x1;
	s4 =	sadd.s32 s21, s2  }
0x9d: {  	[timem:s6], [sflag:s22] =	dma.local [hbm:s4], s20  }
0x9e: {  	_ =	swait.ge [sflag:s22], s20  }
0x9f: {  	s3 =	ssub.s32 $0x0, s20;
	[sflag:s22] =	ssyncset.done $0x0  }
0xa0: {  	[sflag:s22] =	ssyncadd.s32 s3;
	_ =	sdelay $0x1  }
0xa1: {  	s23 =	simm.s32 $0x1B8B  }
0xa2: {  	_ =	swait.ge [sflag:s23], $0x1  }
0xa3: {  	[sflag:s23] =	ssyncset.done $0x0  }
0xa4: {  	s25 =	simm.s32 $0x1B8E;
	s24 =	sld [smem:$0x3FFE];
	[sflag:s23] =	ssyncadd.s32 $0xFFFFFFFF  }
0xa5: {  	s26 =	simm.s32 $execute0_lowered;
	[smem:$0x3FD2] =	sst s25  }
0xa6: {  	s4 =	sshll.u32 s26, $0x1;
	_ =	strace $0x80000046;
	[dreg:$0x1] =	wrdreg $0xFFFFFFFF  }
0xa7: {  	s28 =	simm.s32 $_size_execute0_lowered;
	s2 =	sadd.s32 s2, s4;
	[dreg:$0x0] =	wrdreg $0x0  }
0xa8: {  	s4 =	sshll.u32 s28, $0x1;
	[dreg:$0x2] =	wrdreg s2  }
0xa9: {  	[dreg:$0x3] =	wrdreg s4  }
0xaa: {  	[dreg:$0x4] =	wrdreg $0xC0  }
0xab: {  	_ =	task [dreg:s6], $0x5FFFF  }
0xac: {  	[dreg:$0x1] =	wrdreg $0xFFFFFFFF  }
0xad: {  	[dreg:$0x0] =	wrdreg $0x60  }
0xae: {  	[dreg:$0x2] =	wrdreg s24  }
0xaf: {  	[dreg:$0x3] =	wrdreg $0x50800  }
0xb0: {  	[dreg:$0x4] =	wrdreg $0x53000  }
0xb1: {  	[dreg:$0x5] =	wrdreg $0x9  }
0xb2: {  	_ =	task.clear_ibuf [dreg:s6], $0x6FFFF;
	_ =	strace $0x90000046  }
0xb3: {  	s29 =	simm.s32 $0x9;
	_ =	strace $0x80000048  }
0xb4: {  	_ =	swait.ge [sflag:s29], $0x1  }
0xb5: {  	[sflag:s29] =	ssyncadd.s32 $0xFFFFFFFF  }
0xb6: {  	_ =	strace $0x90000048  }
0xb7: {  	_ =	sfence  }
0xb8: {  	s30 =	sld [smem:$0x0];
	_ =	sdelay $0x2  }
0xb9: {  	s31 =	sshll.u32 s1, $0xD;
	s1 =	sshrl.u32 s1, $0x2  }
0xba: {  	s3 =	sand.u32 $0x4000, s31;
	s1 =	sadd.s32 s1, s30  }
0xbb: {  	s0 =	sor.u32 s3, s0;
	s1 =	sshll.u32 s1, $0x11  }
0xbc: {  	s0 =	sor.u32 s1, s0  }
0xbd: {  	s0 =	sadd.s32 $0x8F2B, s0  }
0xbe: {  	[sflag:s0] =	ssyncadd.remote.s32 $0x1  }
0xbf: {  	_ =	sfence.sel $0xFFFF  }
0xc0: {  	[dreg:$0x0] =	wrdreg $0xFFFFFFFF;
	(pc) =	sbr.abs _section_cstart, $3  }
0xc1: {  	[dreg:$0x1] =	wrdreg $0xFFFFFFFF  }
0xc2: {  	_ =	task.clear_ibuf [dreg:s6], $0x2FFFF;
	_ =	strace $0x9FFFFFFF  }
0xc3: {  	(tm) =	ssettm $0x7FFFFFFF  }
tec
execute0_lowered:
.L_overlay_start_1:
0x0: {  	(tag) =	ssettag $0x1  }
0x1: {  	s6 =	rddreg [dreg:$0x0]  }
0x2: {  	s2 =	rddreg [dreg:$0x1]  }
0x3: {  	s0 =	srdreg.scid;
	s3 =	rddreg [dreg:$0x2];
	s4 =	simm.s32 $0x0  }
0x4: {  	s15 =	simm.s32 $0x2800;
	s16 =	simm.s32 $0x80;
	s17 =	simm.s32 $0x5000  }
0x5: {  	s18 =	simm.s32 $0x1;
	s19 =	simm.s32 $0x2;
	s20 =	simm.s32 $0x20  }
0x6: {  	s21 =	simm.s32 $0x10;
	s5 =	sand.u32 $0x1, s0;
	s0 =	stileid.u32  }
0x7: {  	s22 =	simm.s32 $0x0;
	[smem:$0x7FF] =	sst s4;
	s8 =	smul.u32 $0x5000, s5  }
0x8: {  	s1 =	sshll.u32 s5, $0x4;
	s9 =	smul.u32 $0x500, s0;
	s28 =	ssub.s32 $0x2, s5  }
0x9: {  	s29 =	smul.u32 $0x280, s0;
	s5 =	sadd.s32 $0x16800, s6;
	s1 =	sor.u32 s0, s1  }
0xa: {  	s31 =	sshll.u32 s0, $0x6;
	s30 =	sshrl.u32 s28, $0x1;
	s7 =	smul.u32 $0x500, s1  }
0xb: {  	s1 =	rddreg [dreg:$0x3];
	_ =	strace $0x80000047;
	s26 =	sadd.s32 s9, s8  }
0xc: {  	s12 =	ssub.s32 s28, s30;
	s13 =	sadd.s32 s29, s2;
	s14 =	sadd.s32 s29, s3  }
0xd: {  	s14 =	sshrl.u32 s14, $0x3;
	s10 =	sadd.s32 s7, s6;
	s7 =	sshrl.u32 s26, $0x3  }
0xe: {  	s11 =	sadd.s32 s7, s6;
	s6 =	sor.u32 $0x1C03, s31;
	s7 =	sadd.s32 $0xC800, s10  }
0xf: {  	s8 =	sadd.s32 $0x2800, s10;
	s9 =	sadd.s32 $0x16E00, s11;
	s10 =	sadd.s32 $0x16E10, s11  }
0x10: {  	v0 =	vimm.f32 $1.000000000e+00;
	s11 =	smax.u32 s12, $0x1;
	s12 =	sshrl.u32 s13, $0x3;
	s13 =	simm.s32 $0x3  }
.LBB2_1:
0x11: {  	[spmem:s12], [sflag:s6] =	dma.local [hbm:s5], $0x50  }
0x12: {  	_ =	swait.ge [sflag:s13], $0x50  }
0x13: {  	[sflag:s13] =	ssyncset.done $0x0  }
0x14: {  	[sflag:s13] =	ssyncadd.s32 $0xFFFFFFB0  }
0x15: {  	[spmem:s14], [sflag:s6] =	dma.local [hbm:s5], $0x50  }
0x16: {  	_ =	swait.ge [sflag:s13], $0x50  }
0x17: {  	[sflag:s13] =	ssyncset.done $0x0  }
0x18: {  	[sflag:s13] =	ssyncadd.s32 $0xFFFFFFB0  }
0x19: {  	[tilespmem:$0x5000] =	vst v0  }
0x1a: {  	[tilespmem:$0x5010] =	vst v0  }
0x1b: {  	[tilespmem:$0x5020] =	vst v0  }
0x1c: {  	[tilespmem:$0x5030] =	vst v0  }
0x1d: {  	[tilespmem:$0x5040] =	vst v0  }
0x1e: {  	[tilespmem:$0x5050] =	vst v0  }
0x1f: {  	[tilespmem:$0x5060] =	vst v0  }
0x20: {  	[tilespmem:$0x5070] =	vst v0  }
0x21: {  	[tilespmem:s4], [sflag:$0x3] =	stream.linear.gather [hbm4b:s7+s4], $0x2800, $0x38;
	[tilespmem:$0x5580] =	vst v63  }
0x22: {  	_ =	swait.ge [sflag:s13], $0x2800  }
0x23: {  	[sflag:s13] =	ssyncset.done $0x0  }
0x24: {  	[sflag:s13] =	ssyncadd.s32 $0xFFFFD800  }
0x25: {  	[tilespmem:s15], [sflag:$0x3] =	stream.linear.gather [hbm4b:s8+s4], $0x2800, $0x38;
	[tilespmem:$0x5580] =	vst v63  }
0x26: {  	_ =	swait.ge [sflag:s13], $0x2800  }
0x27: {  	[sflag:s13] =	ssyncset.done $0x0  }
0x28: {  	[sflag:s13] =	ssyncadd.s32 $0xFFFFD800  }
0x29: {  	[bflag:$0x0] =	sbarrier.arrive $0xFFFF  }
0x2a: {  	[spmem:s2] =	stream.indirect.scatter.add.f32 [tilespmem:s17], [sflag:$0x1], $0x1, s4, s16, $0xb8;
	[tilespmem:$0x5580] =	vst v63  }
0x2b: {  	_ = 	snop  }
0x2c: {  	[spmem:s3] =	stream.indirect.scatter.add.f32 [tilespmem:s17], [sflag:$0x2], $0x1, s15, s16, $0xb8;
	[tilespmem:$0x5580] =	vst v63  }
0x2d: {  	s23 =	simm.s32 $0x80  }
0x2e: {  	[spmem:s2] =	stream.indirect.scatter.add.f32 [tilespmem:s17], [sflag:$0x1], $0x1, s23, s16, $0xb8;
	[tilespmem:$0x5580] =	vst v63  }
0x2f: {  	s31 =	simm.s32 $0x2880  }
0x30: {  	[spmem:s3] =	stream.indirect.scatter.add.f32 [tilespmem:s17], [sflag:$0x2], $0x1, s31, s16, $0xb8;
	[tilespmem:$0x5580] =	vst v63  }
0x31: {  	_ =	swait.ge [sflag:s18], $0x80  }
0x32: {  	[sflag:s18] =	ssyncset.done $0x0  }
0x33: {  	[sflag:s18] =	ssyncadd.s32 $0xFFFFFF80  }
0x34: {  	_ =	swait.ge [sflag:s19], $0x80  }
0x35: {  	s24 =	simm.s32 $0x600;
	s23 =	simm.s32 $0x400;
	[sflag:s19] =	ssyncset.done $0x0  }
.LBB2_2:
0x36: {  	s25 =	sshra.s32 s23, $0x2  }
0x37: {  	[sflag:s19] =	ssyncadd.s32 $0xFFFFFF80;
	s23 =	smov.u32 s24;
	s26 =	sadd.s32 $0x200, s24  }
0x38: {  	[spmem:s2] =	stream.indirect.scatter.add.f32 [tilespmem:s17], [sflag:$0x1], $0x1, s25, s16, $0xb8;
	[tilespmem:$0x5580] =	vst v63  }
0x39: {  	p0 =	sne.s32 s24, $0x9E00;
	s24 =	sadd.s32 $0x2800, s25  }
0x3a: {  	[spmem:s3] =	stream.indirect.scatter.add.f32 [tilespmem:s17], [sflag:$0x2], $0x1, s24, s16, $0xb8;
	[tilespmem:$0x5580] =	vst v63  }
.Ltmp0:
0x3b: {  	_ =	swait.ge [sflag:s18], $0x80;
	(pc) =	sbr.rel @p0 .LBB2_2-.Ltmp0, $4  }
0x3c: {  	[sflag:s18] =	ssyncset.done $0x0  }
0x3d: {  	[sflag:s18] =	ssyncadd.s32 $0xFFFFFF80  }
0x3e: {  	_ =	swait.ge [sflag:s19], $0x80  }
0x3f: {  	s24 =	smov.u32 s26;
	[sflag:s19] =	ssyncset.done $0x0  }
0x40: {  	s23 =	sshra.s32 s23, $0x2;
	[sflag:s19] =	ssyncadd.s32 $0xFFFFFF80  }
0x41: {  	[spmem:s2] =	stream.indirect.scatter.add.f32 [tilespmem:s17], [sflag:$0x1], $0x1, s23, s16, $0xb8;
	[tilespmem:$0x5580] =	vst v63  }
0x42: {  	s23 =	sadd.s32 $0x2800, s23  }
0x43: {  	[spmem:s3] =	stream.indirect.scatter.add.f32 [tilespmem:s17], [sflag:$0x2], $0x1, s23, s16, $0xb8;
	[tilespmem:$0x5580] =	vst v63  }
0x44: {  	_ =	swait.ge [sflag:s18], $0x80  }
0x45: {  	[sflag:s18] =	ssyncset.done $0x0  }
0x46: {  	[sflag:s18] =	ssyncadd.s32 $0xFFFFFF80  }
0x47: {  	_ =	swait.ge [sflag:s19], $0x80  }
0x48: {  	[sflag:s19] =	ssyncset.done $0x0  }
0x49: {  	[sflag:s19] =	ssyncadd.s32 $0xFFFFFF80  }
0x4a: {  	_ =	swait.ge [sflag:s18], $0x80  }
0x4b: {  	[sflag:s18] =	ssyncset.done $0x0  }
0x4c: {  	[sflag:s18] =	ssyncadd.s32 $0xFFFFFF80  }
0x4d: {  	_ =	swait.ge [sflag:s19], $0x80  }
0x4e: {  	[sflag:s19] =	ssyncset.done $0x0  }
0x4f: {  	[sflag:s19] =	ssyncadd.s32 $0xFFFFFF80  }
0x50: {  	[bflag:$0x0] =	sbarrier.arrive $0xFFFF  }
0x51: {  	[hbm:s9@s20], [sflag:s6] =	dma.strided [spmem:s12@s21], $0x50, s18, $0x10   }
0x52: {  	s22 =	sadd.s32 $0x1, s22;
	_ =	swait.ge [sflag:s13], $0x50  }
0x53: {  	p0 =	sne.s32 s22, s11;
	[sflag:s13] =	ssyncset.done $0x0  }
.Ltmp1:
0x54: {  	[sflag:s13] =	ssyncadd.s32 $0xFFFFFFB0;
	(pc) =	sbr.rel @p0 .LBB2_1-.Ltmp1, $4  }
0x55: {  	[hbm:s10@s20], [sflag:s6] =	dma.strided [spmem:s14@s21], $0x50, s18, $0x10   }
0x56: {  	_ =	swait.ge [sflag:s13], $0x50  }
0x57: {  	[sflag:s13] =	ssyncset.done $0x0  }
0x58: {  	[sflag:s13] =	ssyncadd.s32 $0xFFFFFFB0  }
0x59: {  	_ =	sfence.sel $0x180000  }
0x5a: {  	[bflag:$0x0] =	sbarrier.arrive $0xFFFF  }
0x5b: {  	p0 =	sne.s32 s0, $0x0;
	_ =	strace $0x90000047  }
0x5c: {  	s0 =	sadd.s32 @!p0 $0x100000, s1;
	[bflag:$0x2] =	sbarrier.arrive $0xFFFF  }
0x5d: {  	[sflag:s0] =	ssyncadd.tile.s32 @!p0 $0x1;
	_ =	shalt  }
.Lfunc_end2:
_tile_overlayer_lowered:
.L_overlay_start_2:
0x5e: {  	(tag) =	ssettag $0x2  }
0x5f: {  	s0 =	rddreg [dreg:$0x0];
	s2 =	stileid.u32  }
0x60: {  	s1 =	rddreg [dreg:$0x1];
	p0 =	sne.s32 s2, $0x0  }
0x61: {  	s3 =	rddreg [dreg:$0x2];
	[bflag:$0x3] =	sbarrier.arrive $0xFFFF;
	s2 =	simm.s32 @!p0 $0x1C03  }
0x62: {  	[timem:s3], [sflag:s2] =	dma.local @!p0 [hbm:s0], s1  }
0x63: {  	s0 =	simm.s32 @!p0 $0x3  }
0x64: {  	_ =	swait.ge @!p0 [sflag:s0], s1  }
0x65: {  	s1 =	ssub.s32 @!p0 $0x0, s1;
	[sflag:s0] =	ssyncset.done @!p0 $0x0  }
0x66: {  	[sflag:s0] =	ssyncadd.s32 @!p0 s1  }
0x67: {  	[bflag:$0x3] =	sbarrier.arrive $0xFFFF  }
0x68: {  	_ =	shalt  }

</sc_bundles>
